<compile_context>
chip_gen: v7x
topology: tpu7x:2x2x1
jax: 0.10.2.dev20260603
libtpu: 0.0.44.dev20260713+nightly
codegen_flags: <defaults>
</compile_context>

<pallas_src>
import functools

import jax
import jax.numpy as jnp
import numpy as np
from jax import lax
from jax.experimental import pallas as pl
from jax.experimental.pallas import tpu as pltpu
from jax.experimental.pallas import tpu_sc as plsc

N_EMAIL = 50000
H = 128
GRID, K = 5, 3

NC, NS = 2, 16
NW = NC * NS
CHUNK = 128
DEPTH = 8

UE_CHUNKS = 64
UE_PAD = NW * UE_CHUNKS * CHUNK
SE_CHUNKS = 32
SE_PAD = NW * SE_CHUNKS * CHUNK

ROWS_ACC = 50048
ROWS_PER_SUBCORE = ROWS_ACC // NS
ZROWS = 136
ZCOPIES = ROWS_PER_SUBCORE // ZROWS

PACK = 16


def _sc_segsum(xu16, xs16, eu, es):

    def body(xu_hbm, xs_hbm, eu_hbm, es_hbm, out0_hbm, out1_hbm,
             acc_sh, su_v, du_v, ss_v, ds_v, rows_v, zbuf_v, gsems, ssems):
        c = lax.axis_index("c")
        s = lax.axis_index("s")
        wid = s * NC + c

        def zloop(i, _):
            zbuf_v[i] = jnp.zeros((PACK,), jnp.float32)
            return 0
        lax.fori_loop(0, ZROWS, zloop, 0)
        base_rows = s * ROWS_PER_SUBCORE
        for j in range(ZCOPIES):
            pltpu.sync_copy(zbuf_v, acc_sh.at[pl.ds(base_rows + j * ZROWS, ZROWS)])
        plsc.subcore_barrier()

        pltpu.sync_copy(eu_hbm.at[0, pl.ds(wid * UE_CHUNKS, UE_CHUNKS)], su_v)
        pltpu.sync_copy(eu_hbm.at[1, pl.ds(wid * UE_CHUNKS, UE_CHUNKS)], du_v)
        pltpu.sync_copy(es_hbm.at[0, pl.ds(wid * SE_CHUNKS, SE_CHUNKS)], ss_v)
        pltpu.sync_copy(es_hbm.at[1, pl.ds(wid * SE_CHUNKS, SE_CHUNKS)], ds_v)

        def group(src_hbm, si_v, di_v, base):
            gds = []
            for i in range(DEPTH):
                gds.append(pltpu.async_copy(
                    src_hbm.at[si_v.at[base + i]], rows_v.at[i], gsems.at[i]))
            sds = []
            for i in range(DEPTH):
                gds[i].wait()
                sds.append(pltpu.async_copy(
                    rows_v.at[i], acc_sh.at[di_v.at[base + i]], ssems.at[i],
                    add=True))
            for i in range(DEPTH):
                sds[i].wait()

        def ubody(g, _):
            group(xu_hbm, su_v, du_v, g * DEPTH)
            return 0
        lax.fori_loop(0, UE_CHUNKS // DEPTH, ubody, 0)

        def sbody(g, _):
            group(xs_hbm, ss_v, ds_v, g * DEPTH)
            return 0
        lax.fori_loop(0, SE_CHUNKS // DEPTH, sbody, 0)

        plsc.subcore_barrier()

        @pl.when(c == 0)
        def _():
            pltpu.sync_copy(acc_sh.at[pl.ds(base_rows, ROWS_PER_SUBCORE)],
                            out0_hbm.at[pl.ds(base_rows, ROWS_PER_SUBCORE)])

        @pl.when(c == 1)
        def _():
            pltpu.sync_copy(acc_sh.at[pl.ds(base_rows, ROWS_PER_SUBCORE)],
                            out1_hbm.at[pl.ds(base_rows, ROWS_PER_SUBCORE)])

    fn = pl.kernel(
        body,
        out_type=[jax.ShapeDtypeStruct((ROWS_ACC, PACK), jnp.float32),
                  jax.ShapeDtypeStruct((ROWS_ACC, PACK), jnp.float32)],
        mesh=plsc.VectorSubcoreMesh(core_axis_name="c", subcore_axis_name="s"),
        compiler_params=pltpu.CompilerParams(use_tc_tiling_on_sc=False),
        scratch_types=[
            pltpu.VMEM_SHARED((ROWS_ACC, PACK), jnp.float32),
            pltpu.VMEM((UE_CHUNKS, CHUNK), jnp.int32),
            pltpu.VMEM((UE_CHUNKS, CHUNK), jnp.int32),
            pltpu.VMEM((SE_CHUNKS, CHUNK), jnp.int32),
            pltpu.VMEM((SE_CHUNKS, CHUNK), jnp.int32),
            pltpu.VMEM((DEPTH, CHUNK, PACK), jnp.float32),
            pltpu.VMEM((ZROWS, PACK), jnp.float32),
            pltpu.SemaphoreType.DMA((DEPTH,)),
            pltpu.SemaphoreType.DMA((DEPTH,)),
        ],
    )
    return fn(xu16, xs16, eu, es)


_G = (np.arange(-K, GRID + K + 1, dtype=np.float64) * (2.0 / GRID) - 1.0)
_G = _G.astype(np.float32)

BLK = 1000
N_BLOCKS = N_EMAIL // BLK


_DN = (((1,), (1,)), ((), ()))


def _tc_body(x_ref, a0_ref, a1_ref, we_ref, be_ref, wr2_ref, wue_ref, vse_ref,
             cse_ref, cue_ref, bconst_ref, bw_ref, spw_ref, out_ref):
    he = lax.dot_general(x_ref[...], we_ref[...], _DN,
                         preferred_element_type=jnp.float32) + be_ref[...]

    acc = a0_ref[...] + a1_ref[...]
    cnt_u = acc[:, 8:9]
    sum_s = acc[:, 9:10]
    cnt_s = acc[:, 10:11]
    mean_xu = acc[:, 0:8] / jnp.maximum(cnt_u, 1.0)
    mean_s = sum_s / jnp.maximum(cnt_s, 1.0)
    f_u = jnp.where(cnt_u > 0.0, 1.0, 0.0)
    f_s = jnp.where(cnt_s > 0.0, 1.0, 0.0)

    msg = (mean_s * vse_ref[...] + f_s * cse_ref[...]
           + lax.dot_general(mean_xu, wue_ref[...], _DN,
                             preferred_element_type=jnp.float32)
           + f_u * cue_ref[...] + bconst_ref[...])
    m = (lax.dot_general(he, wr2_ref[...], _DN,
                         preferred_element_type=jnp.float32) + msg) * 0.5
    h = jnp.where(m >= 0.0, m, 0.2 * m) + he

    sil = h * jax.nn.sigmoid(h)

    g = [float(v) for v in _G]
    b = [jnp.where((h >= g[c]) & (h < g[c + 1]), 1.0, 0.0) for c in range(11)]
    for j in range(1, K + 1):
        b = [(h - g[c]) / float(np.float32(_G[c + j] - _G[c])) * b[c]
             + (g[c + j + 1] - h) / float(np.float32(_G[c + j + 1] - _G[c + 1])) * b[c + 1]
             for c in range(11 - j)]

    bw = bw_ref[...]
    spw = spw_ref[...]
    o0 = sil * bw[0:1]
    o1 = sil * bw[1:2]
    for c in range(GRID + K):
        o0 = o0 + b[c] * spw[2 * c:2 * c + 1]
        o1 = o1 + b[c] * spw[2 * c + 1:2 * c + 2]
    out_ref[...] = jnp.concatenate(
        [jnp.sum(o0, axis=1, keepdims=True), jnp.sum(o1, axis=1, keepdims=True)],
        axis=1)


def _tc_fused(x_email, a0, a1, we, be, wr2, wue, vse, cse, cue, bconst, bw, spw):
    full = lambda shape: pl.BlockSpec(shape, lambda i: (0,) * len(shape))
    return pl.pallas_call(
        _tc_body,
        grid=(N_BLOCKS,),
        in_specs=[
            pl.BlockSpec((BLK, 768), lambda i: (i, 0)),
            pl.BlockSpec((BLK, PACK), lambda i: (i, 0)),
            pl.BlockSpec((BLK, PACK), lambda i: (i, 0)),
            full((H, 768)),
            full((1, H)),
            full((H, H)),
            full((H, 8)),
            full((1, H)),
            full((1, H)),
            full((1, H)),
            full((1, H)),
            full((2, H)),
            full((2 * (GRID + K), H)),
        ],
        out_specs=pl.BlockSpec((BLK, 2), lambda i: (i, 0)),
        out_shape=jax.ShapeDtypeStruct((N_EMAIL, 2), jnp.float32),
        compiler_params=pltpu.CompilerParams(
            dimension_semantics=("arbitrary",)),
    )(x_email, a0, a1, we, be, wr2, wue, vse, cse, cue, bconst, bw, spw)


def kernel(x_email, x_url, x_sender, ei_sender_email, ei_url_email,
           ei_email_url, We, be, Wu, bu, Ws, bs,
           Wl_se, bl_se, Wr_se, Wl_ue, bl_ue, Wr_ue, Wl_eu, bl_eu, Wr_eu,
           base_w, spline_w):
    f32 = jnp.float32
    i32 = jnp.int32

    ones_u = jnp.ones((50000, 1), f32)
    xu16 = jnp.concatenate(
        [jnp.concatenate([x_url, ones_u, jnp.zeros((50000, 7), f32)], axis=1),
         jnp.zeros((48, PACK), f32)], axis=0)
    xs16 = jnp.concatenate(
        [jnp.concatenate([jnp.zeros((10000, 9), f32), x_sender,
                          jnp.ones((10000, 1), f32),
                          jnp.zeros((10000, 5), f32)], axis=1),
         jnp.zeros((48, PACK), f32)], axis=0)

    npad_u = UE_PAD - 250000
    npad_s = SE_PAD - 100000
    pad_u = jnp.stack([jnp.full((npad_u,), 50000, i32),
                       50000 + jnp.arange(npad_u, dtype=i32) % 48])
    pad_s = jnp.stack([jnp.full((npad_s,), 10000, i32),
                       50000 + jnp.arange(npad_s, dtype=i32) % 48])
    eu = jnp.concatenate([ei_url_email, pad_u], axis=1)
    es = jnp.concatenate([ei_sender_email, pad_s], axis=1)

    a0, a1 = _sc_segsum(xu16, xs16,
                        eu.reshape(2, NW * UE_CHUNKS, CHUNK),
                        es.reshape(2, NW * SE_CHUNKS, CHUNK))

    vse = (Wl_se @ Ws[:, 0]).reshape(1, H)
    cse = (Wl_se @ bs).reshape(1, H)
    wue = Wl_ue @ Wu
    cue = (Wl_ue @ bu).reshape(1, H)
    bconst = (bl_se + bl_ue).reshape(1, H)
    wr2 = Wr_se + Wr_ue
    spw = jnp.transpose(spline_w, (2, 0, 1)).reshape(2 * (GRID + K), H)

    return _tc_fused(x_email, a0, a1, We, be.reshape(1, H), wr2, wue,
                     vse, cse, cue, bconst, base_w, spw)

# --- scband reference (transcript-rebuilt; emitter-appended) ---
"""Pipeline reference for scband-hkangnn-9259949490519 (READ-ONLY COPY).

The authoritative reference and input builder live on the scoring server;
editing this copy changes nothing except your own understanding.
"""

import jax, jax.numpy as jnp
import numpy as np

N_EMAIL, N_URL, N_SENDER = 50000, 50000, 10000
H, OUT = 128, 2
GRID, K = 5, 3

GRID_PTS = jnp.tile((jnp.arange(-K, GRID + K + 1, dtype=jnp.float32) * (2.0 / GRID) - 1.0)[None, :], (H, 1))


def _w(key, shape, scale):
    return jax.random.normal(key, shape, jnp.float32) * scale


def setup_inputs(seed: int = 0) -> dict:
    key = jax.random.key(seed)
    ks = jax.random.split(key, 32)
    inp = {}
    inp["x_email"] = jax.random.normal(ks[0], (N_EMAIL, 768), jnp.float32)
    inp["x_url"] = jax.random.normal(ks[1], (N_URL, 8), jnp.float32)
    inp["x_sender"] = jax.random.normal(ks[2], (N_SENDER, 1), jnp.float32)
    inp["ei_sender_email"] = jnp.stack([
        jax.random.randint(ks[3], (100000,), 0, N_SENDER),
        jax.random.randint(ks[4], (100000,), 0, N_EMAIL)]).astype(jnp.int32)
    inp["ei_url_email"] = jnp.stack([
        jax.random.randint(ks[5], (250000,), 0, N_URL),
        jax.random.randint(ks[6], (250000,), 0, N_EMAIL)]).astype(jnp.int32)
    inp["ei_email_url"] = jnp.stack([
        jax.random.randint(ks[7], (250000,), 0, N_EMAIL),
        jax.random.randint(ks[8], (250000,), 0, N_URL)]).astype(jnp.int32)
    inp["We"] = _w(ks[9], (H, 768), 768 ** -0.5)
    inp["be"] = jnp.zeros((H,), jnp.float32)
    inp["Wu"] = _w(ks[10], (H, 8), 8 ** -0.5)
    inp["bu"] = jnp.zeros((H,), jnp.float32)
    inp["Ws"] = _w(ks[11], (H, 1), 1.0)
    inp["bs"] = jnp.zeros((H,), jnp.float32)
    for i, tag in enumerate(["se", "ue", "eu"]):
        inp["Wl_" + tag] = _w(ks[12 + 3 * i], (H, H), H ** -0.5)
        inp["bl_" + tag] = jnp.zeros((H,), jnp.float32)
        inp["Wr_" + tag] = _w(ks[13 + 3 * i], (H, H), H ** -0.5)
    inp["base_w"] = _w(ks[21], (OUT, H), H ** -0.5)
    inp["spline_w"] = _w(ks[22], (OUT, H, GRID + K), 0.1)
    return inp


def _b_splines(x):
    xx = x[..., None]
    g = GRID_PTS
    bases = ((xx >= g[:, :-1]) & (xx < g[:, 1:])).astype(x.dtype)
    for j in range(1, K + 1):
        bases = ((xx - g[:, :-(j + 1)]) / (g[:, j:-1] - g[:, :-(j + 1)]) * bases[..., :-1]
                 + (g[:, j + 1:] - xx) / (g[:, j + 1:] - g[:, 1:-j]) * bases[..., 1:])
    return bases


def _sage(x_src, x_dst, ei, Wl, bl, Wr):
    src, dst = ei[0], ei[1]
    n_dst = x_dst.shape[0]
    s = jax.ops.segment_sum(x_src[src], dst, num_segments=n_dst)
    cnt = jax.ops.segment_sum(jnp.ones((ei.shape[1],), x_src.dtype), dst, num_segments=n_dst)
    mean = s / jnp.maximum(cnt, 1.0)[:, None]
    return mean @ Wl.T + bl + x_dst @ Wr.T


def reference(x_email, x_url, x_sender, ei_sender_email, ei_url_email, ei_email_url,
              We, be, Wu, bu, Ws, bs,
              Wl_se, bl_se, Wr_se, Wl_ue, bl_ue, Wr_ue, Wl_eu, bl_eu, Wr_eu,
              base_w, spline_w):
    he = x_email @ We.T + be
    hu = x_url @ Wu.T + bu
    hs = x_sender @ Ws.T + bs
    res = he
    m_e = (_sage(hs, he, ei_sender_email, Wl_se, bl_se, Wr_se)
           + _sage(hu, he, ei_url_email, Wl_ue, bl_ue, Wr_ue)) / 2.0
    m_u = _sage(he, hu, ei_email_url, Wl_eu, bl_eu, Wr_eu)
    h_e = jax.nn.leaky_relu(m_e, 0.2)
    _ = jax.nn.leaky_relu(m_u, 0.2)
    h = h_e + res
    out = jax.nn.silu(h) @ base_w.T + jnp.einsum('nik,oik->no', _b_splines(h), spline_w)
    return out

if __name__ == "__main__":
    import jax
    _d = setup_inputs()
    print(jax.jit(kernel)(*tuple(_d.values())))

</pallas_src>

<mosaic_0001>
#map = affine_map<(d0, d1) -> (0, 0)>
#map1 = affine_map<(d0, d1) -> (0, 0, 0)>
module attributes {stable_mosaic.version = 14 : i64} {
  func.func @body(%arg0: i32, %arg1: i32, %arg2: memref<50048x16xf32, #tpu.memory_space<hbm>>, %arg3: memref<10048x16xf32, #tpu.memory_space<hbm>>, %arg4: memref<2x2048x128xi32, #tpu.memory_space<hbm>>, %arg5: memref<2x1024x128xi32, #tpu.memory_space<hbm>>, %arg6: memref<50048x16xf32, #tpu.memory_space<hbm>>, %arg7: memref<50048x16xf32, #tpu.memory_space<hbm>>, %arg8: memref<50048x16xf32, #tpu.memory_space<vmem_shared>>, %arg9: memref<64x128xi32, #tpu.memory_space<vmem>>, %arg10: memref<64x128xi32, #tpu.memory_space<vmem>>, %arg11: memref<32x128xi32, #tpu.memory_space<vmem>>, %arg12: memref<32x128xi32, #tpu.memory_space<vmem>>, %arg13: memref<8x128x16xf32, #tpu.memory_space<vmem>>, %arg14: memref<136x16xf32, #tpu.memory_space<vmem>>, %arg15: memref<8x!tpu.dma_semaphore, #tpu.memory_space<semaphore_mem>>, %arg16: memref<8x!tpu.dma_semaphore, #tpu.memory_space<semaphore_mem>>) attributes {dimension_semantics = [#tpu.dimension_semantics<core_parallel>, #tpu.dimension_semantics<subcore_parallel>], iteration_bounds = array<i64: 2, 16>, scalar_prefetch = 0 : i64, scratch_operands = 9 : i64, tpu.core_type = #tpu.core_type<sc_vector_subcore>, window_params = [{transform_indices = #map}, {transform_indices = #map}, {transform_indices = #map1}, {transform_indices = #map1}, {transform_indices = #map}, {transform_indices = #map}]} {
    %mul3A = arith.constant 2 : i32
    %mul3A_0 = arith.muli %arg1, %mul3A : i32
    %add3A = arith.addi %mul3A_0, %arg0 : i32
    %scan3A = arith.constant 0 : i32
    %scan3A_1 = arith.constant 0 : i32
    %scan3A_2 = arith.constant 136 : i32
    %scan3A_3 = arith.addi %scan3A_1, %scan3A_2 : i32
    %scan3A_4 = arith.constant 1 : i32
    %scan3A_5 = scf.for %scan3A_88 = %scan3A_1 to %scan3A_3 step %scan3A_4 iter_args(%scan3A_89 = %scan3A) -> (i32)  : i32 {
      %broadcast_in_dim3A = arith.constant 0.000000e+00 : f32
      %broadcast_in_dim3A_90 = vector.broadcast %broadcast_in_dim3A : f32 to vector<16xf32>
      %swap3A = arith.index_cast %scan3A_88 : i32 to index
      %swap3A_91 = arith.constant 0 : index
      %swap3A_92 = tpu.vector_load %arg14[%swap3A, %swap3A_91] {strides = array<i32>} : memref<136x16xf32, #tpu.memory_space<vmem>>, vector<1x16xf32>,
      %swap3A_93 = vector.shape_cast %swap3A_92 : vector<1x16xf32> to vector<16xf32>
      %swap3A_94 = vector.shape_cast %broadcast_in_dim3A_90 : vector<16xf32> to vector<1x16xf32>
      tpu.vector_store %arg14[%swap3A, %swap3A_91], %swap3A_94 {strides = array<i32>} : memref<136x16xf32, #tpu.memory_space<vmem>>, vector<1x16xf32>,
      %scan3A_95 = arith.constant 0 : i32
      scf.yield %scan3A_95 : i32
    }
    %scan3A_6 = arith.constant 136 : i32
    %mul3A_7 = arith.constant 3128 : i32
    %mul3A_8 = arith.muli %arg1, %mul3A_7 : i32
    %add3A_9 = arith.constant 0 : i32
    %add3A_10 = arith.addi %mul3A_8, %add3A_9 : i32
    "tpu.region"() ({
      %run_scoped3A_88 = tpu.sem_alloc : memref<!tpu.dma_semaphore, #tpu.memory_space<semaphore_mem>>
      %dma_start3A = arith.constant 0 : i32
      %dma_start3A_89 = tpu.memref_slice %arg8[%add3A_10, %dma_start3A] : memref<50048x16xf32, #tpu.memory_space<vmem_shared>> -> memref<136x16xf32, #tpu.memory_space<vmem_shared>>
      %dma_start3A_90 = arith.constant 0 : i32
      %dma_start3A_91 = tpu.memref_slice %arg8[%add3A_10, %dma_start3A_90] : memref<50048x16xf32, #tpu.memory_space<vmem_shared>> -> memref<136x16xf32, #tpu.memory_space<vmem_shared>>
      tpu.enqueue_dma source(%arg14 : memref<136x16xf32, #tpu.memory_space<vmem>>) target(%dma_start3A_91 : memref<136x16xf32, #tpu.memory_space<vmem_shared>>) target_semaphore(%run_scoped3A_88 : memref<!tpu.dma_semaphore, #tpu.memory_space<semaphore_mem>>)
      %dma_wait3A = arith.constant 0 : i32
      %dma_wait3A_92 = tpu.memref_slice %arg8[%add3A_10, %dma_wait3A] : memref<50048x16xf32, #tpu.memory_space<vmem_shared>> -> memref<136x16xf32, #tpu.memory_space<vmem_shared>>
      %dma_wait3A_93 = arith.constant 0 : i32
      %dma_wait3A_94 = tpu.memref_slice %arg8[%add3A_10, %dma_wait3A_93] : memref<50048x16xf32, #tpu.memory_space<vmem_shared>> -> memref<136x16xf32, #tpu.memory_space<vmem_shared>>
      tpu.wait_dma2 semaphore(%run_scoped3A_88 : memref<!tpu.dma_semaphore, #tpu.memory_space<semaphore_mem>>) src(%arg14 : memref<136x16xf32, #tpu.memory_space<vmem>>) dst(%dma_wait3A_94 : memref<136x16xf32, #tpu.memory_space<vmem_shared>>)
      tpu.yield
    }) : () -> ()
    %add3A_11 = arith.constant 136 : i32
    %add3A_12 = arith.addi %mul3A_8, %add3A_11 : i32
    "tpu.region"() ({
      %run_scoped3A_88 = tpu.sem_alloc : memref<!tpu.dma_semaphore, #tpu.memory_space<semaphore_mem>>
      %dma_start3A = arith.constant 0 : i32
      %dma_start3A_89 = tpu.memref_slice %arg8[%add3A_12, %dma_start3A] : memref<50048x16xf32, #tpu.memory_space<vmem_shared>> -> memref<136x16xf32, #tpu.memory_space<vmem_shared>>
      %dma_start3A_90 = arith.constant 0 : i32
      %dma_start3A_91 = tpu.memref_slice %arg8[%add3A_12, %dma_start3A_90] : memref<50048x16xf32, #tpu.memory_space<vmem_shared>> -> memref<136x16xf32, #tpu.memory_space<vmem_shared>>
      tpu.enqueue_dma source(%arg14 : memref<136x16xf32, #tpu.memory_space<vmem>>) target(%dma_start3A_91 : memref<136x16xf32, #tpu.memory_space<vmem_shared>>) target_semaphore(%run_scoped3A_88 : memref<!tpu.dma_semaphore, #tpu.memory_space<semaphore_mem>>)
      %dma_wait3A = arith.constant 0 : i32
      %dma_wait3A_92 = tpu.memref_slice %arg8[%add3A_12, %dma_wait3A] : memref<50048x16xf32, #tpu.memory_space<vmem_shared>> -> memref<136x16xf32, #tpu.memory_space<vmem_shared>>
      %dma_wait3A_93 = arith.constant 0 : i32
      %dma_wait3A_94 = tpu.memref_slice %arg8[%add3A_12, %dma_wait3A_93] : memref<50048x16xf32, #tpu.memory_space<vmem_shared>> -> memref<136x16xf32, #tpu.memory_space<vmem_shared>>
      tpu.wait_dma2 semaphore(%run_scoped3A_88 : memref<!tpu.dma_semaphore, #tpu.memory_space<semaphore_mem>>) src(%arg14 : memref<136x16xf32, #tpu.memory_space<vmem>>) dst(%dma_wait3A_94 : memref<136x16xf32, #tpu.memory_space<vmem_shared>>)
      tpu.yield
    }) : () -> ()
    %add3A_13 = arith.constant 272 : i32
    %add3A_14 = arith.addi %mul3A_8, %add3A_13 : i32
    "tpu.region"() ({
      %run_scoped3A_88 = tpu.sem_alloc : memref<!tpu.dma_semaphore, #tpu.memory_space<semaphore_mem>>
      %dma_start3A = arith.constant 0 : i32
      %dma_start3A_89 = tpu.memref_slice %arg8[%add3A_14, %dma_start3A] : memref<50048x16xf32, #tpu.memory_space<vmem_shared>> -> memref<136x16xf32, #tpu.memory_space<vmem_shared>>
      %dma_start3A_90 = arith.constant 0 : i32
      %dma_start3A_91 = tpu.memref_slice %arg8[%add3A_14, %dma_start3A_90] : memref<50048x16xf32, #tpu.memory_space<vmem_shared>> -> memref<136x16xf32, #tpu.memory_space<vmem_shared>>
      tpu.enqueue_dma source(%arg14 : memref<136x16xf32, #tpu.memory_space<vmem>>) target(%dma_start3A_91 : memref<136x16xf32, #tpu.memory_space<vmem_shared>>) target_semaphore(%run_scoped3A_88 : memref<!tpu.dma_semaphore, #tpu.memory_space<semaphore_mem>>)
      %dma_wait3A = arith.constant 0 : i32
      %dma_wait3A_92 = tpu.memref_slice %arg8[%add3A_14, %dma_wait3A] : memref<50048x16xf32, #tpu.memory_space<vmem_shared>> -> memref<136x16xf32, #tpu.memory_space<vmem_shared>>
      %dma_wait3A_93 = arith.constant 0 : i32
      %dma_wait3A_94 = tpu.memref_slice %arg8[%add3A_14, %dma_wait3A_93] : memref<50048x16xf32, #tpu.memory_space<vmem_shared>> -> memref<136x16xf32, #tpu.memory_space<vmem_shared>>
      tpu.wait_dma2 semaphore(%run_scoped3A_88 : memref<!tpu.dma_semaphore, #tpu.memory_space<semaphore_mem>>) src(%arg14 : memref<136x16xf32, #tpu.memory_space<vmem>>) dst(%dma_wait3A_94 : memref<136x16xf32, #tpu.memory_space<vmem_shared>>)
      tpu.yield
    }) : () -> ()
    %add3A_15 = arith.constant 408 : i32
    %add3A_16 = arith.addi %mul3A_8, %add3A_15 : i32
    "tpu.region"() ({
      %run_scoped3A_88 = tpu.sem_alloc : memref<!tpu.dma_semaphore, #tpu.memory_space<semaphore_mem>>
      %dma_start3A = arith.constant 0 : i32
      %dma_start3A_89 = tpu.memref_slice %arg8[%add3A_16, %dma_start3A] : memref<50048x16xf32, #tpu.memory_space<vmem_shared>> -> memref<136x16xf32, #tpu.memory_space<vmem_shared>>
      %dma_start3A_90 = arith.constant 0 : i32
      %dma_start3A_91 = tpu.memref_slice %arg8[%add3A_16, %dma_start3A_90] : memref<50048x16xf32, #tpu.memory_space<vmem_shared>> -> memref<136x16xf32, #tpu.memory_space<vmem_shared>>
      tpu.enqueue_dma source(%arg14 : memref<136x16xf32, #tpu.memory_space<vmem>>) target(%dma_start3A_91 : memref<136x16xf32, #tpu.memory_space<vmem_shared>>) target_semaphore(%run_scoped3A_88 : memref<!tpu.dma_semaphore, #tpu.memory_space<semaphore_mem>>)
      %dma_wait3A = arith.constant 0 : i32
      %dma_wait3A_92 = tpu.memref_slice %arg8[%add3A_16, %dma_wait3A] : memref<50048x16xf32, #tpu.memory_space<vmem_shared>> -> memref<136x16xf32, #tpu.memory_space<vmem_shared>>
      %dma_wait3A_93 = arith.constant 0 : i32
      %dma_wait3A_94 = tpu.memref_slice %arg8[%add3A_16, %dma_wait3A_93] : memref<50048x16xf32, #tpu.memory_space<vmem_shared>> -> memref<136x16xf32, #tpu.memory_space<vmem_shared>>
      tpu.wait_dma2 semaphore(%run_scoped3A_88 : memref<!tpu.dma_semaphore, #tpu.memory_space<semaphore_mem>>) src(%arg14 : memref<136x16xf32, #tpu.memory_space<vmem>>) dst(%dma_wait3A_94 : memref<136x16xf32, #tpu.memory_space<vmem_shared>>)
      tpu.yield
    }) : () -> ()
    %add3A_17 = arith.constant 544 : i32
    %add3A_18 = arith.addi %mul3A_8, %add3A_17 : i32
    "tpu.region"() ({
      %run_scoped3A_88 = tpu.sem_alloc : memref<!tpu.dma_semaphore, #tpu.memory_space<semaphore_mem>>
      %dma_start3A = arith.constant 0 : i32
      %dma_start3A_89 = tpu.memref_slice %arg8[%add3A_18, %dma_start3A] : memref<50048x16xf32, #tpu.memory_space<vmem_shared>> -> memref<136x16xf32, #tpu.memory_space<vmem_shared>>
      %dma_start3A_90 = arith.constant 0 : i32
      %dma_start3A_91 = tpu.memref_slice %arg8[%add3A_18, %dma_start3A_90] : memref<50048x16xf32, #tpu.memory_space<vmem_shared>> -> memref<136x16xf32, #tpu.memory_space<vmem_shared>>
      tpu.enqueue_dma source(%arg14 : memref<136x16xf32, #tpu.memory_space<vmem>>) target(%dma_start3A_91 : memref<136x16xf32, #tpu.memory_space<vmem_shared>>) target_semaphore(%run_scoped3A_88 : memref<!tpu.dma_semaphore, #tpu.memory_space<semaphore_mem>>)
      %dma_wait3A = arith.constant 0 : i32
      %dma_wait3A_92 = tpu.memref_slice %arg8[%add3A_18, %dma_wait3A] : memref<50048x16xf32, #tpu.memory_space<vmem_shared>> -> memref<136x16xf32, #tpu.memory_space<vmem_shared>>
      %dma_wait3A_93 = arith.constant 0 : i32
      %dma_wait3A_94 = tpu.memref_slice %arg8[%add3A_18, %dma_wait3A_93] : memref<50048x16xf32, #tpu.memory_space<vmem_shared>> -> memref<136x16xf32, #tpu.memory_space<vmem_shared>>
      tpu.wait_dma2 semaphore(%run_scoped3A_88 : memref<!tpu.dma_semaphore, #tpu.memory_space<semaphore_mem>>) src(%arg14 : memref<136x16xf32, #tpu.memory_space<vmem>>) dst(%dma_wait3A_94 : memref<136x16xf32, #tpu.memory_space<vmem_shared>>)
      tpu.yield
    }) : () -> ()
    %add3A_19 = arith.constant 680 : i32
    %add3A_20 = arith.addi %mul3A_8, %add3A_19 : i32
    "tpu.region"() ({
      %run_scoped3A_88 = tpu.sem_alloc : memref<!tpu.dma_semaphore, #tpu.memory_space<semaphore_mem>>
      %dma_start3A = arith.constant 0 : i32
      %dma_start3A_89 = tpu.memref_slice %arg8[%add3A_20, %dma_start3A] : memref<50048x16xf32, #tpu.memory_space<vmem_shared>> -> memref<136x16xf32, #tpu.memory_space<vmem_shared>>
      %dma_start3A_90 = arith.constant 0 : i32
      %dma_start3A_91 = tpu.memref_slice %arg8[%add3A_20, %dma_start3A_90] : memref<50048x16xf32, #tpu.memory_space<vmem_shared>> -> memref<136x16xf32, #tpu.memory_space<vmem_shared>>
      tpu.enqueue_dma source(%arg14 : memref<136x16xf32, #tpu.memory_space<vmem>>) target(%dma_start3A_91 : memref<136x16xf32, #tpu.memory_space<vmem_shared>>) target_semaphore(%run_scoped3A_88 : memref<!tpu.dma_semaphore, #tpu.memory_space<semaphore_mem>>)
      %dma_wait3A = arith.constant 0 : i32
      %dma_wait3A_92 = tpu.memref_slice %arg8[%add3A_20, %dma_wait3A] : memref<50048x16xf32, #tpu.memory_space<vmem_shared>> -> memref<136x16xf32, #tpu.memory_space<vmem_shared>>
      %dma_wait3A_93 = arith.constant 0 : i32
      %dma_wait3A_94 = tpu.memref_slice %arg8[%add3A_20, %dma_wait3A_93] : memref<50048x16xf32, #tpu.memory_space<vmem_shared>> -> memref<136x16xf32, #tpu.memory_space<vmem_shared>>
      tpu.wait_dma2 semaphore(%run_scoped3A_88 : memref<!tpu.dma_semaphore, #tpu.memory_space<semaphore_mem>>) src(%arg14 : memref<136x16xf32, #tpu.memory_space<vmem>>) dst(%dma_wait3A_94 : memref<136x16xf32, #tpu.memory_space<vmem_shared>>)
      tpu.yield
    }) : () -> ()
    %add3A_21 = arith.constant 816 : i32
    %add3A_22 = arith.addi %mul3A_8, %add3A_21 : i32
    "tpu.region"() ({
      %run_scoped3A_88 = tpu.sem_alloc : memref<!tpu.dma_semaphore, #tpu.memory_space<semaphore_mem>>
      %dma_start3A = arith.constant 0 : i32
      %dma_start3A_89 = tpu.memref_slice %arg8[%add3A_22, %dma_start3A] : memref<50048x16xf32, #tpu.memory_space<vmem_shared>> -> memref<136x16xf32, #tpu.memory_space<vmem_shared>>
      %dma_start3A_90 = arith.constant 0 : i32
      %dma_start3A_91 = tpu.memref_slice %arg8[%add3A_22, %dma_start3A_90] : memref<50048x16xf32, #tpu.memory_space<vmem_shared>> -> memref<136x16xf32, #tpu.memory_space<vmem_shared>>
      tpu.enqueue_dma source(%arg14 : memref<136x16xf32, #tpu.memory_space<vmem>>) target(%dma_start3A_91 : memref<136x16xf32, #tpu.memory_space<vmem_shared>>) target_semaphore(%run_scoped3A_88 : memref<!tpu.dma_semaphore, #tpu.memory_space<semaphore_mem>>)
      %dma_wait3A = arith.constant 0 : i32
      %dma_wait3A_92 = tpu.memref_slice %arg8[%add3A_22, %dma_wait3A] : memref<50048x16xf32, #tpu.memory_space<vmem_shared>> -> memref<136x16xf32, #tpu.memory_space<vmem_shared>>
      %dma_wait3A_93 = arith.constant 0 : i32
      %dma_wait3A_94 = tpu.memref_slice %arg8[%add3A_22, %dma_wait3A_93] : memref<50048x16xf32, #tpu.memory_space<vmem_shared>> -> memref<136x16xf32, #tpu.memory_space<vmem_shared>>
      tpu.wait_dma2 semaphore(%run_scoped3A_88 : memref<!tpu.dma_semaphore, #tpu.memory_space<semaphore_mem>>) src(%arg14 : memref<136x16xf32, #tpu.memory_space<vmem>>) dst(%dma_wait3A_94 : memref<136x16xf32, #tpu.memory_space<vmem_shared>>)
      tpu.yield
    }) : () -> ()
    %add3A_23 = arith.constant 952 : i32
    %add3A_24 = arith.addi %mul3A_8, %add3A_23 : i32
    "tpu.region"() ({
      %run_scoped3A_88 = tpu.sem_alloc : memref<!tpu.dma_semaphore, #tpu.memory_space<semaphore_mem>>
      %dma_start3A = arith.constant 0 : i32
      %dma_start3A_89 = tpu.memref_slice %arg8[%add3A_24, %dma_start3A] : memref<50048x16xf32, #tpu.memory_space<vmem_shared>> -> memref<136x16xf32, #tpu.memory_space<vmem_shared>>
      %dma_start3A_90 = arith.constant 0 : i32
      %dma_start3A_91 = tpu.memref_slice %arg8[%add3A_24, %dma_start3A_90] : memref<50048x16xf32, #tpu.memory_space<vmem_shared>> -> memref<136x16xf32, #tpu.memory_space<vmem_shared>>
      tpu.enqueue_dma source(%arg14 : memref<136x16xf32, #tpu.memory_space<vmem>>) target(%dma_start3A_91 : memref<136x16xf32, #tpu.memory_space<vmem_shared>>) target_semaphore(%run_scoped3A_88 : memref<!tpu.dma_semaphore, #tpu.memory_space<semaphore_mem>>)
      %dma_wait3A = arith.constant 0 : i32
      %dma_wait3A_92 = tpu.memref_slice %arg8[%add3A_24, %dma_wait3A] : memref<50048x16xf32, #tpu.memory_space<vmem_shared>> -> memref<136x16xf32, #tpu.memory_space<vmem_shared>>
      %dma_wait3A_93 = arith.constant 0 : i32
      %dma_wait3A_94 = tpu.memref_slice %arg8[%add3A_24, %dma_wait3A_93] : memref<50048x16xf32, #tpu.memory_space<vmem_shared>> -> memref<136x16xf32, #tpu.memory_space<vmem_shared>>
      tpu.wait_dma2 semaphore(%run_scoped3A_88 : memref<!tpu.dma_semaphore, #tpu.memory_space<semaphore_mem>>) src(%arg14 : memref<136x16xf32, #tpu.memory_space<vmem>>) dst(%dma_wait3A_94 : memref<136x16xf32, #tpu.memory_space<vmem_shared>>)
      tpu.yield
    }) : () -> ()
    %add3A_25 = arith.constant 1088 : i32
    %add3A_26 = arith.addi %mul3A_8, %add3A_25 : i32
    "tpu.region"() ({
      %run_scoped3A_88 = tpu.sem_alloc : memref<!tpu.dma_semaphore, #tpu.memory_space<semaphore_mem>>
      %dma_start3A = arith.constant 0 : i32
      %dma_start3A_89 = tpu.memref_slice %arg8[%add3A_26, %dma_start3A] : memref<50048x16xf32, #tpu.memory_space<vmem_shared>> -> memref<136x16xf32, #tpu.memory_space<vmem_shared>>
      %dma_start3A_90 = arith.constant 0 : i32
      %dma_start3A_91 = tpu.memref_slice %arg8[%add3A_26, %dma_start3A_90] : memref<50048x16xf32, #tpu.memory_space<vmem_shared>> -> memref<136x16xf32, #tpu.memory_space<vmem_shared>>
      tpu.enqueue_dma source(%arg14 : memref<136x16xf32, #tpu.memory_space<vmem>>) target(%dma_start3A_91 : memref<136x16xf32, #tpu.memory_space<vmem_shared>>) target_semaphore(%run_scoped3A_88 : memref<!tpu.dma_semaphore, #tpu.memory_space<semaphore_mem>>)
      %dma_wait3A = arith.constant 0 : i32
      %dma_wait3A_92 = tpu.memref_slice %arg8[%add3A_26, %dma_wait3A] : memref<50048x16xf32, #tpu.memory_space<vmem_shared>> -> memref<136x16xf32, #tpu.memory_space<vmem_shared>>
      %dma_wait3A_93 = arith.constant 0 : i32
      %dma_wait3A_94 = tpu.memref_slice %arg8[%add3A_26, %dma_wait3A_93] : memref<50048x16xf32, #tpu.memory_space<vmem_shared>> -> memref<136x16xf32, #tpu.memory_space<vmem_shared>>
      tpu.wait_dma2 semaphore(%run_scoped3A_88 : memref<!tpu.dma_semaphore, #tpu.memory_space<semaphore_mem>>) src(%arg14 : memref<136x16xf32, #tpu.memory_space<vmem>>) dst(%dma_wait3A_94 : memref<136x16xf32, #tpu.memory_space<vmem_shared>>)
      tpu.yield
    }) : () -> ()
    %add3A_27 = arith.constant 1224 : i32
    %add3A_28 = arith.addi %mul3A_8, %add3A_27 : i32
    "tpu.region"() ({
      %run_scoped3A_88 = tpu.sem_alloc : memref<!tpu.dma_semaphore, #tpu.memory_space<semaphore_mem>>
      %dma_start3A = arith.constant 0 : i32
      %dma_start3A_89 = tpu.memref_slice %arg8[%add3A_28, %dma_start3A] : memref<50048x16xf32, #tpu.memory_space<vmem_shared>> -> memref<136x16xf32, #tpu.memory_space<vmem_shared>>
      %dma_start3A_90 = arith.constant 0 : i32
      %dma_start3A_91 = tpu.memref_slice %arg8[%add3A_28, %dma_start3A_90] : memref<50048x16xf32, #tpu.memory_space<vmem_shared>> -> memref<136x16xf32, #tpu.memory_space<vmem_shared>>
      tpu.enqueue_dma source(%arg14 : memref<136x16xf32, #tpu.memory_space<vmem>>) target(%dma_start3A_91 : memref<136x16xf32, #tpu.memory_space<vmem_shared>>) target_semaphore(%run_scoped3A_88 : memref<!tpu.dma_semaphore, #tpu.memory_space<semaphore_mem>>)
      %dma_wait3A = arith.constant 0 : i32
      %dma_wait3A_92 = tpu.memref_slice %arg8[%add3A_28, %dma_wait3A] : memref<50048x16xf32, #tpu.memory_space<vmem_shared>> -> memref<136x16xf32, #tpu.memory_space<vmem_shared>>
      %dma_wait3A_93 = arith.constant 0 : i32
      %dma_wait3A_94 = tpu.memref_slice %arg8[%add3A_28, %dma_wait3A_93] : memref<50048x16xf32, #tpu.memory_space<vmem_shared>> -> memref<136x16xf32, #tpu.memory_space<vmem_shared>>
      tpu.wait_dma2 semaphore(%run_scoped3A_88 : memref<!tpu.dma_semaphore, #tpu.memory_space<semaphore_mem>>) src(%arg14 : memref<136x16xf32, #tpu.memory_space<vmem>>) dst(%dma_wait3A_94 : memref<136x16xf32, #tpu.memory_space<vmem_shared>>)
      tpu.yield
    }) : () -> ()
    %add3A_29 = arith.constant 1360 : i32
    %add3A_30 = arith.addi %mul3A_8, %add3A_29 : i32
    "tpu.region"() ({
      %run_scoped3A_88 = tpu.sem_alloc : memref<!tpu.dma_semaphore, #tpu.memory_space<semaphore_mem>>
      %dma_start3A = arith.constant 0 : i32
      %dma_start3A_89 = tpu.memref_slice %arg8[%add3A_30, %dma_start3A] : memref<50048x16xf32, #tpu.memory_space<vmem_shared>> -> memref<136x16xf32, #tpu.memory_space<vmem_shared>>
      %dma_start3A_90 = arith.constant 0 : i32
      %dma_start3A_91 = tpu.memref_slice %arg8[%add3A_30, %dma_start3A_90] : memref<50048x16xf32, #tpu.memory_space<vmem_shared>> -> memref<136x16xf32, #tpu.memory_space<vmem_shared>>
      tpu.enqueue_dma source(%arg14 : memref<136x16xf32, #tpu.memory_space<vmem>>) target(%dma_start3A_91 : memref<136x16xf32, #tpu.memory_space<vmem_shared>>) target_semaphore(%run_scoped3A_88 : memref<!tpu.dma_semaphore, #tpu.memory_space<semaphore_mem>>)
      %dma_wait3A = arith.constant 0 : i32
      %dma_wait3A_92 = tpu.memref_slice %arg8[%add3A_30, %dma_wait3A] : memref<50048x16xf32, #tpu.memory_space<vmem_shared>> -> memref<136x16xf32, #tpu.memory_space<vmem_shared>>
      %dma_wait3A_93 = arith.constant 0 : i32
      %dma_wait3A_94 = tpu.memref_slice %arg8[%add3A_30, %dma_wait3A_93] : memref<50048x16xf32, #tpu.memory_space<vmem_shared>> -> memref<136x16xf32, #tpu.memory_space<vmem_shared>>
      tpu.wait_dma2 semaphore(%run_scoped3A_88 : memref<!tpu.dma_semaphore, #tpu.memory_space<semaphore_mem>>) src(%arg14 : memref<136x16xf32, #tpu.memory_space<vmem>>) dst(%dma_wait3A_94 : memref<136x16xf32, #tpu.memory_space<vmem_shared>>)
      tpu.yield
    }) : () -> ()
    %add3A_31 = arith.constant 1496 : i32
    %add3A_32 = arith.addi %mul3A_8, %add3A_31 : i32
    "tpu.region"() ({
      %run_scoped3A_88 = tpu.sem_alloc : memref<!tpu.dma_semaphore, #tpu.memory_space<semaphore_mem>>
      %dma_start3A = arith.constant 0 : i32
      %dma_start3A_89 = tpu.memref_slice %arg8[%add3A_32, %dma_start3A] : memref<50048x16xf32, #tpu.memory_space<vmem_shared>> -> memref<136x16xf32, #tpu.memory_space<vmem_shared>>
      %dma_start3A_90 = arith.constant 0 : i32
      %dma_start3A_91 = tpu.memref_slice %arg8[%add3A_32, %dma_start3A_90] : memref<50048x16xf32, #tpu.memory_space<vmem_shared>> -> memref<136x16xf32, #tpu.memory_space<vmem_shared>>
      tpu.enqueue_dma source(%arg14 : memref<136x16xf32, #tpu.memory_space<vmem>>) target(%dma_start3A_91 : memref<136x16xf32, #tpu.memory_space<vmem_shared>>) target_semaphore(%run_scoped3A_88 : memref<!tpu.dma_semaphore, #tpu.memory_space<semaphore_mem>>)
      %dma_wait3A = arith.constant 0 : i32
      %dma_wait3A_92 = tpu.memref_slice %arg8[%add3A_32, %dma_wait3A] : memref<50048x16xf32, #tpu.memory_space<vmem_shared>> -> memref<136x16xf32, #tpu.memory_space<vmem_shared>>
      %dma_wait3A_93 = arith.constant 0 : i32
      %dma_wait3A_94 = tpu.memref_slice %arg8[%add3A_32, %dma_wait3A_93] : memref<50048x16xf32, #tpu.memory_space<vmem_shared>> -> memref<136x16xf32, #tpu.memory_space<vmem_shared>>
      tpu.wait_dma2 semaphore(%run_scoped3A_88 : memref<!tpu.dma_semaphore, #tpu.memory_space<semaphore_mem>>) src(%arg14 : memref<136x16xf32, #tpu.memory_space<vmem>>) dst(%dma_wait3A_94 : memref<136x16xf32, #tpu.memory_space<vmem_shared>>)
      tpu.yield
    }) : () -> ()
    %add3A_33 = arith.constant 1632 : i32
    %add3A_34 = arith.addi %mul3A_8, %add3A_33 : i32
    "tpu.region"() ({
      %run_scoped3A_88 = tpu.sem_alloc : memref<!tpu.dma_semaphore, #tpu.memory_space<semaphore_mem>>
      %dma_start3A = arith.constant 0 : i32
      %dma_start3A_89 = tpu.memref_slice %arg8[%add3A_34, %dma_start3A] : memref<50048x16xf32, #tpu.memory_space<vmem_shared>> -> memref<136x16xf32, #tpu.memory_space<vmem_shared>>
      %dma_start3A_90 = arith.constant 0 : i32
      %dma_start3A_91 = tpu.memref_slice %arg8[%add3A_34, %dma_start3A_90] : memref<50048x16xf32, #tpu.memory_space<vmem_shared>> -> memref<136x16xf32, #tpu.memory_space<vmem_shared>>
      tpu.enqueue_dma source(%arg14 : memref<136x16xf32, #tpu.memory_space<vmem>>) target(%dma_start3A_91 : memref<136x16xf32, #tpu.memory_space<vmem_shared>>) target_semaphore(%run_scoped3A_88 : memref<!tpu.dma_semaphore, #tpu.memory_space<semaphore_mem>>)
      %dma_wait3A = arith.constant 0 : i32
      %dma_wait3A_92 = tpu.memref_slice %arg8[%add3A_34, %dma_wait3A] : memref<50048x16xf32, #tpu.memory_space<vmem_shared>> -> memref<136x16xf32, #tpu.memory_space<vmem_shared>>
      %dma_wait3A_93 = arith.constant 0 : i32
      %dma_wait3A_94 = tpu.memref_slice %arg8[%add3A_34, %dma_wait3A_93] : memref<50048x16xf32, #tpu.memory_space<vmem_shared>> -> memref<136x16xf32, #tpu.memory_space<vmem_shared>>
      tpu.wait_dma2 semaphore(%run_scoped3A_88 : memref<!tpu.dma_semaphore, #tpu.memory_space<semaphore_mem>>) src(%arg14 : memref<136x16xf32, #tpu.memory_space<vmem>>) dst(%dma_wait3A_94 : memref<136x16xf32, #tpu.memory_space<vmem_shared>>)
      tpu.yield
    }) : () -> ()
    %add3A_35 = arith.constant 1768 : i32
    %add3A_36 = arith.addi %mul3A_8, %add3A_35 : i32
    "tpu.region"() ({
      %run_scoped3A_88 = tpu.sem_alloc : memref<!tpu.dma_semaphore, #tpu.memory_space<semaphore_mem>>
      %dma_start3A = arith.constant 0 : i32
      %dma_start3A_89 = tpu.memref_slice %arg8[%add3A_36, %dma_start3A] : memref<50048x16xf32, #tpu.memory_space<vmem_shared>> -> memref<136x16xf32, #tpu.memory_space<vmem_shared>>
      %dma_start3A_90 = arith.constant 0 : i32
      %dma_start3A_91 = tpu.memref_slice %arg8[%add3A_36, %dma_start3A_90] : memref<50048x16xf32, #tpu.memory_space<vmem_shared>> -> memref<136x16xf32, #tpu.memory_space<vmem_shared>>
      tpu.enqueue_dma source(%arg14 : memref<136x16xf32, #tpu.memory_space<vmem>>) target(%dma_start3A_91 : memref<136x16xf32, #tpu.memory_space<vmem_shared>>) target_semaphore(%run_scoped3A_88 : memref<!tpu.dma_semaphore, #tpu.memory_space<semaphore_mem>>)
      %dma_wait3A = arith.constant 0 : i32
      %dma_wait3A_92 = tpu.memref_slice %arg8[%add3A_36, %dma_wait3A] : memref<50048x16xf32, #tpu.memory_space<vmem_shared>> -> memref<136x16xf32, #tpu.memory_space<vmem_shared>>
      %dma_wait3A_93 = arith.constant 0 : i32
      %dma_wait3A_94 = tpu.memref_slice %arg8[%add3A_36, %dma_wait3A_93] : memref<50048x16xf32, #tpu.memory_space<vmem_shared>> -> memref<136x16xf32, #tpu.memory_space<vmem_shared>>
      tpu.wait_dma2 semaphore(%run_scoped3A_88 : memref<!tpu.dma_semaphore, #tpu.memory_space<semaphore_mem>>) src(%arg14 : memref<136x16xf32, #tpu.memory_space<vmem>>) dst(%dma_wait3A_94 : memref<136x16xf32, #tpu.memory_space<vmem_shared>>)
      tpu.yield
    }) : () -> ()
    %add3A_37 = arith.constant 1904 : i32
    %add3A_38 = arith.addi %mul3A_8, %add3A_37 : i32
    "tpu.region"() ({
      %run_scoped3A_88 = tpu.sem_alloc : memref<!tpu.dma_semaphore, #tpu.memory_space<semaphore_mem>>
      %dma_start3A = arith.constant 0 : i32
      %dma_start3A_89 = tpu.memref_slice %arg8[%add3A_38, %dma_start3A] : memref<50048x16xf32, #tpu.memory_space<vmem_shared>> -> memref<136x16xf32, #tpu.memory_space<vmem_shared>>
      %dma_start3A_90 = arith.constant 0 : i32
      %dma_start3A_91 = tpu.memref_slice %arg8[%add3A_38, %dma_start3A_90] : memref<50048x16xf32, #tpu.memory_space<vmem_shared>> -> memref<136x16xf32, #tpu.memory_space<vmem_shared>>
      tpu.enqueue_dma source(%arg14 : memref<136x16xf32, #tpu.memory_space<vmem>>) target(%dma_start3A_91 : memref<136x16xf32, #tpu.memory_space<vmem_shared>>) target_semaphore(%run_scoped3A_88 : memref<!tpu.dma_semaphore, #tpu.memory_space<semaphore_mem>>)
      %dma_wait3A = arith.constant 0 : i32
      %dma_wait3A_92 = tpu.memref_slice %arg8[%add3A_38, %dma_wait3A] : memref<50048x16xf32, #tpu.memory_space<vmem_shared>> -> memref<136x16xf32, #tpu.memory_space<vmem_shared>>
      %dma_wait3A_93 = arith.constant 0 : i32
      %dma_wait3A_94 = tpu.memref_slice %arg8[%add3A_38, %dma_wait3A_93] : memref<50048x16xf32, #tpu.memory_space<vmem_shared>> -> memref<136x16xf32, #tpu.memory_space<vmem_shared>>
      tpu.wait_dma2 semaphore(%run_scoped3A_88 : memref<!tpu.dma_semaphore, #tpu.memory_space<semaphore_mem>>) src(%arg14 : memref<136x16xf32, #tpu.memory_space<vmem>>) dst(%dma_wait3A_94 : memref<136x16xf32, #tpu.memory_space<vmem_shared>>)
      tpu.yield
    }) : () -> ()
    %add3A_39 = arith.constant 2040 : i32
    %add3A_40 = arith.addi %mul3A_8, %add3A_39 : i32
    "tpu.region"() ({
      %run_scoped3A_88 = tpu.sem_alloc : memref<!tpu.dma_semaphore, #tpu.memory_space<semaphore_mem>>
      %dma_start3A = arith.constant 0 : i32
      %dma_start3A_89 = tpu.memref_slice %arg8[%add3A_40, %dma_start3A] : memref<50048x16xf32, #tpu.memory_space<vmem_shared>> -> memref<136x16xf32, #tpu.memory_space<vmem_shared>>
      %dma_start3A_90 = arith.constant 0 : i32
      %dma_start3A_91 = tpu.memref_slice %arg8[%add3A_40, %dma_start3A_90] : memref<50048x16xf32, #tpu.memory_space<vmem_shared>> -> memref<136x16xf32, #tpu.memory_space<vmem_shared>>
      tpu.enqueue_dma source(%arg14 : memref<136x16xf32, #tpu.memory_space<vmem>>) target(%dma_start3A_91 : memref<136x16xf32, #tpu.memory_space<vmem_shared>>) target_semaphore(%run_scoped3A_88 : memref<!tpu.dma_semaphore, #tpu.memory_space<semaphore_mem>>)
      %dma_wait3A = arith.constant 0 : i32
      %dma_wait3A_92 = tpu.memref_slice %arg8[%add3A_40, %dma_wait3A] : memref<50048x16xf32, #tpu.memory_space<vmem_shared>> -> memref<136x16xf32, #tpu.memory_space<vmem_shared>>
      %dma_wait3A_93 = arith.constant 0 : i32
      %dma_wait3A_94 = tpu.memref_slice %arg8[%add3A_40, %dma_wait3A_93] : memref<50048x16xf32, #tpu.memory_space<vmem_shared>> -> memref<136x16xf32, #tpu.memory_space<vmem_shared>>
      tpu.wait_dma2 semaphore(%run_scoped3A_88 : memref<!tpu.dma_semaphore, #tpu.memory_space<semaphore_mem>>) src(%arg14 : memref<136x16xf32, #tpu.memory_space<vmem>>) dst(%dma_wait3A_94 : memref<136x16xf32, #tpu.memory_space<vmem_shared>>)
      tpu.yield
    }) : () -> ()
    %add3A_41 = arith.constant 2176 : i32
    %add3A_42 = arith.addi %mul3A_8, %add3A_41 : i32
    "tpu.region"() ({
      %run_scoped3A_88 = tpu.sem_alloc : memref<!tpu.dma_semaphore, #tpu.memory_space<semaphore_mem>>
      %dma_start3A = arith.constant 0 : i32
      %dma_start3A_89 = tpu.memref_slice %arg8[%add3A_42, %dma_start3A] : memref<50048x16xf32, #tpu.memory_space<vmem_shared>> -> memref<136x16xf32, #tpu.memory_space<vmem_shared>>
      %dma_start3A_90 = arith.constant 0 : i32
      %dma_start3A_91 = tpu.memref_slice %arg8[%add3A_42, %dma_start3A_90] : memref<50048x16xf32, #tpu.memory_space<vmem_shared>> -> memref<136x16xf32, #tpu.memory_space<vmem_shared>>
      tpu.enqueue_dma source(%arg14 : memref<136x16xf32, #tpu.memory_space<vmem>>) target(%dma_start3A_91 : memref<136x16xf32, #tpu.memory_space<vmem_shared>>) target_semaphore(%run_scoped3A_88 : memref<!tpu.dma_semaphore, #tpu.memory_space<semaphore_mem>>)
      %dma_wait3A = arith.constant 0 : i32
      %dma_wait3A_92 = tpu.memref_slice %arg8[%add3A_42, %dma_wait3A] : memref<50048x16xf32, #tpu.memory_space<vmem_shared>> -> memref<136x16xf32, #tpu.memory_space<vmem_shared>>
      %dma_wait3A_93 = arith.constant 0 : i32
      %dma_wait3A_94 = tpu.memref_slice %arg8[%add3A_42, %dma_wait3A_93] : memref<50048x16xf32, #tpu.memory_space<vmem_shared>> -> memref<136x16xf32, #tpu.memory_space<vmem_shared>>
      tpu.wait_dma2 semaphore(%run_scoped3A_88 : memref<!tpu.dma_semaphore, #tpu.memory_space<semaphore_mem>>) src(%arg14 : memref<136x16xf32, #tpu.memory_space<vmem>>) dst(%dma_wait3A_94 : memref<136x16xf32, #tpu.memory_space<vmem_shared>>)
      tpu.yield
    }) : () -> ()
    %add3A_43 = arith.constant 2312 : i32
    %add3A_44 = arith.addi %mul3A_8, %add3A_43 : i32
    "tpu.region"() ({
      %run_scoped3A_88 = tpu.sem_alloc : memref<!tpu.dma_semaphore, #tpu.memory_space<semaphore_mem>>
      %dma_start3A = arith.constant 0 : i32
      %dma_start3A_89 = tpu.memref_slice %arg8[%add3A_44, %dma_start3A] : memref<50048x16xf32, #tpu.memory_space<vmem_shared>> -> memref<136x16xf32, #tpu.memory_space<vmem_shared>>
      %dma_start3A_90 = arith.constant 0 : i32
      %dma_start3A_91 = tpu.memref_slice %arg8[%add3A_44, %dma_start3A_90] : memref<50048x16xf32, #tpu.memory_space<vmem_shared>> -> memref<136x16xf32, #tpu.memory_space<vmem_shared>>
      tpu.enqueue_dma source(%arg14 : memref<136x16xf32, #tpu.memory_space<vmem>>) target(%dma_start3A_91 : memref<136x16xf32, #tpu.memory_space<vmem_shared>>) target_semaphore(%run_scoped3A_88 : memref<!tpu.dma_semaphore, #tpu.memory_space<semaphore_mem>>)
      %dma_wait3A = arith.constant 0 : i32
      %dma_wait3A_92 = tpu.memref_slice %arg8[%add3A_44, %dma_wait3A] : memref<50048x16xf32, #tpu.memory_space<vmem_shared>> -> memref<136x16xf32, #tpu.memory_space<vmem_shared>>
      %dma_wait3A_93 = arith.constant 0 : i32
      %dma_wait3A_94 = tpu.memref_slice %arg8[%add3A_44, %dma_wait3A_93] : memref<50048x16xf32, #tpu.memory_space<vmem_shared>> -> memref<136x16xf32, #tpu.memory_space<vmem_shared>>
      tpu.wait_dma2 semaphore(%run_scoped3A_88 : memref<!tpu.dma_semaphore, #tpu.memory_space<semaphore_mem>>) src(%arg14 : memref<136x16xf32, #tpu.memory_space<vmem>>) dst(%dma_wait3A_94 : memref<136x16xf32, #tpu.memory_space<vmem_shared>>)
      tpu.yield
    }) : () -> ()
    %add3A_45 = arith.constant 2448 : i32
    %add3A_46 = arith.addi %mul3A_8, %add3A_45 : i32
    "tpu.region"() ({
      %run_scoped3A_88 = tpu.sem_alloc : memref<!tpu.dma_semaphore, #tpu.memory_space<semaphore_mem>>
      %dma_start3A = arith.constant 0 : i32
      %dma_start3A_89 = tpu.memref_slice %arg8[%add3A_46, %dma_start3A] : memref<50048x16xf32, #tpu.memory_space<vmem_shared>> -> memref<136x16xf32, #tpu.memory_space<vmem_shared>>
      %dma_start3A_90 = arith.constant 0 : i32
      %dma_start3A_91 = tpu.memref_slice %arg8[%add3A_46, %dma_start3A_90] : memref<50048x16xf32, #tpu.memory_space<vmem_shared>> -> memref<136x16xf32, #tpu.memory_space<vmem_shared>>
      tpu.enqueue_dma source(%arg14 : memref<136x16xf32, #tpu.memory_space<vmem>>) target(%dma_start3A_91 : memref<136x16xf32, #tpu.memory_space<vmem_shared>>) target_semaphore(%run_scoped3A_88 : memref<!tpu.dma_semaphore, #tpu.memory_space<semaphore_mem>>)
      %dma_wait3A = arith.constant 0 : i32
      %dma_wait3A_92 = tpu.memref_slice %arg8[%add3A_46, %dma_wait3A] : memref<50048x16xf32, #tpu.memory_space<vmem_shared>> -> memref<136x16xf32, #tpu.memory_space<vmem_shared>>
      %dma_wait3A_93 = arith.constant 0 : i32
      %dma_wait3A_94 = tpu.memref_slice %arg8[%add3A_46, %dma_wait3A_93] : memref<50048x16xf32, #tpu.memory_space<vmem_shared>> -> memref<136x16xf32, #tpu.memory_space<vmem_shared>>
      tpu.wait_dma2 semaphore(%run_scoped3A_88 : memref<!tpu.dma_semaphore, #tpu.memory_space<semaphore_mem>>) src(%arg14 : memref<136x16xf32, #tpu.memory_space<vmem>>) dst(%dma_wait3A_94 : memref<136x16xf32, #tpu.memory_space<vmem_shared>>)
      tpu.yield
    }) : () -> ()
    %add3A_47 = arith.constant 2584 : i32
    %add3A_48 = arith.addi %mul3A_8, %add3A_47 : i32
    "tpu.region"() ({
      %run_scoped3A_88 = tpu.sem_alloc : memref<!tpu.dma_semaphore, #tpu.memory_space<semaphore_mem>>
      %dma_start3A = arith.constant 0 : i32
      %dma_start3A_89 = tpu.memref_slice %arg8[%add3A_48, %dma_start3A] : memref<50048x16xf32, #tpu.memory_space<vmem_shared>> -> memref<136x16xf32, #tpu.memory_space<vmem_shared>>
      %dma_start3A_90 = arith.constant 0 : i32
      %dma_start3A_91 = tpu.memref_slice %arg8[%add3A_48, %dma_start3A_90] : memref<50048x16xf32, #tpu.memory_space<vmem_shared>> -> memref<136x16xf32, #tpu.memory_space<vmem_shared>>
      tpu.enqueue_dma source(%arg14 : memref<136x16xf32, #tpu.memory_space<vmem>>) target(%dma_start3A_91 : memref<136x16xf32, #tpu.memory_space<vmem_shared>>) target_semaphore(%run_scoped3A_88 : memref<!tpu.dma_semaphore, #tpu.memory_space<semaphore_mem>>)
      %dma_wait3A = arith.constant 0 : i32
      %dma_wait3A_92 = tpu.memref_slice %arg8[%add3A_48, %dma_wait3A] : memref<50048x16xf32, #tpu.memory_space<vmem_shared>> -> memref<136x16xf32, #tpu.memory_space<vmem_shared>>
      %dma_wait3A_93 = arith.constant 0 : i32
      %dma_wait3A_94 = tpu.memref_slice %arg8[%add3A_48, %dma_wait3A_93] : memref<50048x16xf32, #tpu.memory_space<vmem_shared>> -> memref<136x16xf32, #tpu.memory_space<vmem_shared>>
      tpu.wait_dma2 semaphore(%run_scoped3A_88 : memref<!tpu.dma_semaphore, #tpu.memory_space<semaphore_mem>>) src(%arg14 : memref<136x16xf32, #tpu.memory_space<vmem>>) dst(%dma_wait3A_94 : memref<136x16xf32, #tpu.memory_space<vmem_shared>>)
      tpu.yield
    }) : () -> ()
    %add3A_49 = arith.constant 2720 : i32
    %add3A_50 = arith.addi %mul3A_8, %add3A_49 : i32
    "tpu.region"() ({
      %run_scoped3A_88 = tpu.sem_alloc : memref<!tpu.dma_semaphore, #tpu.memory_space<semaphore_mem>>
      %dma_start3A = arith.constant 0 : i32
      %dma_start3A_89 = tpu.memref_slice %arg8[%add3A_50, %dma_start3A] : memref<50048x16xf32, #tpu.memory_space<vmem_shared>> -> memref<136x16xf32, #tpu.memory_space<vmem_shared>>
      %dma_start3A_90 = arith.constant 0 : i32
      %dma_start3A_91 = tpu.memref_slice %arg8[%add3A_50, %dma_start3A_90] : memref<50048x16xf32, #tpu.memory_space<vmem_shared>> -> memref<136x16xf32, #tpu.memory_space<vmem_shared>>
      tpu.enqueue_dma source(%arg14 : memref<136x16xf32, #tpu.memory_space<vmem>>) target(%dma_start3A_91 : memref<136x16xf32, #tpu.memory_space<vmem_shared>>) target_semaphore(%run_scoped3A_88 : memref<!tpu.dma_semaphore, #tpu.memory_space<semaphore_mem>>)
      %dma_wait3A = arith.constant 0 : i32
      %dma_wait3A_92 = tpu.memref_slice %arg8[%add3A_50, %dma_wait3A] : memref<50048x16xf32, #tpu.memory_space<vmem_shared>> -> memref<136x16xf32, #tpu.memory_space<vmem_shared>>
      %dma_wait3A_93 = arith.constant 0 : i32
      %dma_wait3A_94 = tpu.memref_slice %arg8[%add3A_50, %dma_wait3A_93] : memref<50048x16xf32, #tpu.memory_space<vmem_shared>> -> memref<136x16xf32, #tpu.memory_space<vmem_shared>>
      tpu.wait_dma2 semaphore(%run_scoped3A_88 : memref<!tpu.dma_semaphore, #tpu.memory_space<semaphore_mem>>) src(%arg14 : memref<136x16xf32, #tpu.memory_space<vmem>>) dst(%dma_wait3A_94 : memref<136x16xf32, #tpu.memory_space<vmem_shared>>)
      tpu.yield
    }) : () -> ()
    %add3A_51 = arith.constant 2856 : i32
    %add3A_52 = arith.addi %mul3A_8, %add3A_51 : i32
    "tpu.region"() ({
      %run_scoped3A_88 = tpu.sem_alloc : memref<!tpu.dma_semaphore, #tpu.memory_space<semaphore_mem>>
      %dma_start3A = arith.constant 0 : i32
      %dma_start3A_89 = tpu.memref_slice %arg8[%add3A_52, %dma_start3A] : memref<50048x16xf32, #tpu.memory_space<vmem_shared>> -> memref<136x16xf32, #tpu.memory_space<vmem_shared>>
      %dma_start3A_90 = arith.constant 0 : i32
      %dma_start3A_91 = tpu.memref_slice %arg8[%add3A_52, %dma_start3A_90] : memref<50048x16xf32, #tpu.memory_space<vmem_shared>> -> memref<136x16xf32, #tpu.memory_space<vmem_shared>>
      tpu.enqueue_dma source(%arg14 : memref<136x16xf32, #tpu.memory_space<vmem>>) target(%dma_start3A_91 : memref<136x16xf32, #tpu.memory_space<vmem_shared>>) target_semaphore(%run_scoped3A_88 : memref<!tpu.dma_semaphore, #tpu.memory_space<semaphore_mem>>)
      %dma_wait3A = arith.constant 0 : i32
      %dma_wait3A_92 = tpu.memref_slice %arg8[%add3A_52, %dma_wait3A] : memref<50048x16xf32, #tpu.memory_space<vmem_shared>> -> memref<136x16xf32, #tpu.memory_space<vmem_shared>>
      %dma_wait3A_93 = arith.constant 0 : i32
      %dma_wait3A_94 = tpu.memref_slice %arg8[%add3A_52, %dma_wait3A_93] : memref<50048x16xf32, #tpu.memory_space<vmem_shared>> -> memref<136x16xf32, #tpu.memory_space<vmem_shared>>
      tpu.wait_dma2 semaphore(%run_scoped3A_88 : memref<!tpu.dma_semaphore, #tpu.memory_space<semaphore_mem>>) src(%arg14 : memref<136x16xf32, #tpu.memory_space<vmem>>) dst(%dma_wait3A_94 : memref<136x16xf32, #tpu.memory_space<vmem_shared>>)
      tpu.yield
    }) : () -> ()
    %add3A_53 = arith.constant 2992 : i32
    %add3A_54 = arith.addi %mul3A_8, %add3A_53 : i32
    "tpu.region"() ({
      %run_scoped3A_88 = tpu.sem_alloc : memref<!tpu.dma_semaphore, #tpu.memory_space<semaphore_mem>>
      %dma_start3A = arith.constant 0 : i32
      %dma_start3A_89 = tpu.memref_slice %arg8[%add3A_54, %dma_start3A] : memref<50048x16xf32, #tpu.memory_space<vmem_shared>> -> memref<136x16xf32, #tpu.memory_space<vmem_shared>>
      %dma_start3A_90 = arith.constant 0 : i32
      %dma_start3A_91 = tpu.memref_slice %arg8[%add3A_54, %dma_start3A_90] : memref<50048x16xf32, #tpu.memory_space<vmem_shared>> -> memref<136x16xf32, #tpu.memory_space<vmem_shared>>
      tpu.enqueue_dma source(%arg14 : memref<136x16xf32, #tpu.memory_space<vmem>>) target(%dma_start3A_91 : memref<136x16xf32, #tpu.memory_space<vmem_shared>>) target_semaphore(%run_scoped3A_88 : memref<!tpu.dma_semaphore, #tpu.memory_space<semaphore_mem>>)
      %dma_wait3A = arith.constant 0 : i32
      %dma_wait3A_92 = tpu.memref_slice %arg8[%add3A_54, %dma_wait3A] : memref<50048x16xf32, #tpu.memory_space<vmem_shared>> -> memref<136x16xf32, #tpu.memory_space<vmem_shared>>
      %dma_wait3A_93 = arith.constant 0 : i32
      %dma_wait3A_94 = tpu.memref_slice %arg8[%add3A_54, %dma_wait3A_93] : memref<50048x16xf32, #tpu.memory_space<vmem_shared>> -> memref<136x16xf32, #tpu.memory_space<vmem_shared>>
      tpu.wait_dma2 semaphore(%run_scoped3A_88 : memref<!tpu.dma_semaphore, #tpu.memory_space<semaphore_mem>>) src(%arg14 : memref<136x16xf32, #tpu.memory_space<vmem>>) dst(%dma_wait3A_94 : memref<136x16xf32, #tpu.memory_space<vmem_shared>>)
      tpu.yield
    }) : () -> ()
    %barrier3A = arith.constant 0 : index
    tpu.barrier barrier_id(%barrier3A)
    %mul3A_55 = arith.constant 64 : i32
    %mul3A_56 = arith.muli %add3A, %mul3A_55 : i32
    %run_scoped3A = arith.constant 0 : i32
    "tpu.region"() ({
      %run_scoped3A_88 = tpu.sem_alloc : memref<!tpu.dma_semaphore, #tpu.memory_space<semaphore_mem>>
      %dma_start3A = arith.constant 0 : i32
      %dma_start3A_89 = tpu.memref_slice %arg4[%run_scoped3A, %mul3A_56, %dma_start3A] : memref<2x2048x128xi32, #tpu.memory_space<hbm>> -> memref<1x64x128xi32, #tpu.memory_space<hbm>>
      %dma_start3A_90 = tpu.memref_squeeze %dma_start3A_89 : memref<1x64x128xi32, #tpu.memory_space<hbm>> -> memref<64x128xi32, #tpu.memory_space<hbm>>
      %dma_start3A_91 = arith.constant 0 : i32
      %dma_start3A_92 = tpu.memref_slice %arg4[%run_scoped3A, %mul3A_56, %dma_start3A_91] : memref<2x2048x128xi32, #tpu.memory_space<hbm>> -> memref<1x64x128xi32, #tpu.memory_space<hbm>>
      %dma_start3A_93 = tpu.memref_squeeze %dma_start3A_92 : memref<1x64x128xi32, #tpu.memory_space<hbm>> -> memref<64x128xi32, #tpu.memory_space<hbm>>
      tpu.enqueue_dma source(%dma_start3A_93 : memref<64x128xi32, #tpu.memory_space<hbm>>) target(%arg9 : memref<64x128xi32, #tpu.memory_space<vmem>>) target_semaphore(%run_scoped3A_88 : memref<!tpu.dma_semaphore, #tpu.memory_space<semaphore_mem>>)
      %dma_wait3A = arith.constant 0 : i32
      %dma_wait3A_94 = tpu.memref_slice %arg4[%run_scoped3A, %mul3A_56, %dma_wait3A] : memref<2x2048x128xi32, #tpu.memory_space<hbm>> -> memref<1x64x128xi32, #tpu.memory_space<hbm>>
      %dma_wait3A_95 = tpu.memref_squeeze %dma_wait3A_94 : memref<1x64x128xi32, #tpu.memory_space<hbm>> -> memref<64x128xi32, #tpu.memory_space<hbm>>
      %dma_wait3A_96 = arith.constant 0 : i32
      %dma_wait3A_97 = tpu.memref_slice %arg4[%run_scoped3A, %mul3A_56, %dma_wait3A_96] : memref<2x2048x128xi32, #tpu.memory_space<hbm>> -> memref<1x64x128xi32, #tpu.memory_space<hbm>>
      %dma_wait3A_98 = tpu.memref_squeeze %dma_wait3A_97 : memref<1x64x128xi32, #tpu.memory_space<hbm>> -> memref<64x128xi32, #tpu.memory_space<hbm>>
      tpu.wait_dma2 semaphore(%run_scoped3A_88 : memref<!tpu.dma_semaphore, #tpu.memory_space<semaphore_mem>>) src(%dma_wait3A_98 : memref<64x128xi32, #tpu.memory_space<hbm>>) dst(%arg9 : memref<64x128xi32, #tpu.memory_space<vmem>>)
      tpu.yield
    }) : () -> ()
    %mul3A_57 = arith.constant 64 : i32
    %mul3A_58 = arith.muli %add3A, %mul3A_57 : i32
    %run_scoped3A_59 = arith.constant 1 : i32
    "tpu.region"() ({
      %run_scoped3A_88 = tpu.sem_alloc : memref<!tpu.dma_semaphore, #tpu.memory_space<semaphore_mem>>
      %dma_start3A = arith.constant 0 : i32
      %dma_start3A_89 = tpu.memref_slice %arg4[%run_scoped3A_59, %mul3A_58, %dma_start3A] : memref<2x2048x128xi32, #tpu.memory_space<hbm>> -> memref<1x64x128xi32, #tpu.memory_space<hbm>>
      %dma_start3A_90 = tpu.memref_squeeze %dma_start3A_89 : memref<1x64x128xi32, #tpu.memory_space<hbm>> -> memref<64x128xi32, #tpu.memory_space<hbm>>
      %dma_start3A_91 = arith.constant 0 : i32
      %dma_start3A_92 = tpu.memref_slice %arg4[%run_scoped3A_59, %mul3A_58, %dma_start3A_91] : memref<2x2048x128xi32, #tpu.memory_space<hbm>> -> memref<1x64x128xi32, #tpu.memory_space<hbm>>
      %dma_start3A_93 = tpu.memref_squeeze %dma_start3A_92 : memref<1x64x128xi32, #tpu.memory_space<hbm>> -> memref<64x128xi32, #tpu.memory_space<hbm>>
      tpu.enqueue_dma source(%dma_start3A_93 : memref<64x128xi32, #tpu.memory_space<hbm>>) target(%arg10 : memref<64x128xi32, #tpu.memory_space<vmem>>) target_semaphore(%run_scoped3A_88 : memref<!tpu.dma_semaphore, #tpu.memory_space<semaphore_mem>>)
      %dma_wait3A = arith.constant 0 : i32
      %dma_wait3A_94 = tpu.memref_slice %arg4[%run_scoped3A_59, %mul3A_58, %dma_wait3A] : memref<2x2048x128xi32, #tpu.memory_space<hbm>> -> memref<1x64x128xi32, #tpu.memory_space<hbm>>
      %dma_wait3A_95 = tpu.memref_squeeze %dma_wait3A_94 : memref<1x64x128xi32, #tpu.memory_space<hbm>> -> memref<64x128xi32, #tpu.memory_space<hbm>>
      %dma_wait3A_96 = arith.constant 0 : i32
      %dma_wait3A_97 = tpu.memref_slice %arg4[%run_scoped3A_59, %mul3A_58, %dma_wait3A_96] : memref<2x2048x128xi32, #tpu.memory_space<hbm>> -> memref<1x64x128xi32, #tpu.memory_space<hbm>>
      %dma_wait3A_98 = tpu.memref_squeeze %dma_wait3A_97 : memref<1x64x128xi32, #tpu.memory_space<hbm>> -> memref<64x128xi32, #tpu.memory_space<hbm>>
      tpu.wait_dma2 semaphore(%run_scoped3A_88 : memref<!tpu.dma_semaphore, #tpu.memory_space<semaphore_mem>>) src(%dma_wait3A_98 : memref<64x128xi32, #tpu.memory_space<hbm>>) dst(%arg10 : memref<64x128xi32, #tpu.memory_space<vmem>>)
      tpu.yield
    }) : () -> ()
    %mul3A_60 = arith.constant 32 : i32
    %mul3A_61 = arith.muli %add3A, %mul3A_60 : i32
    %run_scoped3A_62 = arith.constant 0 : i32
    "tpu.region"() ({
      %run_scoped3A_88 = tpu.sem_alloc : memref<!tpu.dma_semaphore, #tpu.memory_space<semaphore_mem>>
      %dma_start3A = arith.constant 0 : i32
      %dma_start3A_89 = tpu.memref_slice %arg5[%run_scoped3A_62, %mul3A_61, %dma_start3A] : memref<2x1024x128xi32, #tpu.memory_space<hbm>> -> memref<1x32x128xi32, #tpu.memory_space<hbm>>
      %dma_start3A_90 = tpu.memref_squeeze %dma_start3A_89 : memref<1x32x128xi32, #tpu.memory_space<hbm>> -> memref<32x128xi32, #tpu.memory_space<hbm>>
      %dma_start3A_91 = arith.constant 0 : i32
      %dma_start3A_92 = tpu.memref_slice %arg5[%run_scoped3A_62, %mul3A_61, %dma_start3A_91] : memref<2x1024x128xi32, #tpu.memory_space<hbm>> -> memref<1x32x128xi32, #tpu.memory_space<hbm>>
      %dma_start3A_93 = tpu.memref_squeeze %dma_start3A_92 : memref<1x32x128xi32, #tpu.memory_space<hbm>> -> memref<32x128xi32, #tpu.memory_space<hbm>>
      tpu.enqueue_dma source(%dma_start3A_93 : memref<32x128xi32, #tpu.memory_space<hbm>>) target(%arg11 : memref<32x128xi32, #tpu.memory_space<vmem>>) target_semaphore(%run_scoped3A_88 : memref<!tpu.dma_semaphore, #tpu.memory_space<semaphore_mem>>)
      %dma_wait3A = arith.constant 0 : i32
      %dma_wait3A_94 = tpu.memref_slice %arg5[%run_scoped3A_62, %mul3A_61, %dma_wait3A] : memref<2x1024x128xi32, #tpu.memory_space<hbm>> -> memref<1x32x128xi32, #tpu.memory_space<hbm>>
      %dma_wait3A_95 = tpu.memref_squeeze %dma_wait3A_94 : memref<1x32x128xi32, #tpu.memory_space<hbm>> -> memref<32x128xi32, #tpu.memory_space<hbm>>
      %dma_wait3A_96 = arith.constant 0 : i32
      %dma_wait3A_97 = tpu.memref_slice %arg5[%run_scoped3A_62, %mul3A_61, %dma_wait3A_96] : memref<2x1024x128xi32, #tpu.memory_space<hbm>> -> memref<1x32x128xi32, #tpu.memory_space<hbm>>
      %dma_wait3A_98 = tpu.memref_squeeze %dma_wait3A_97 : memref<1x32x128xi32, #tpu.memory_space<hbm>> -> memref<32x128xi32, #tpu.memory_space<hbm>>
      tpu.wait_dma2 semaphore(%run_scoped3A_88 : memref<!tpu.dma_semaphore, #tpu.memory_space<semaphore_mem>>) src(%dma_wait3A_98 : memref<32x128xi32, #tpu.memory_space<hbm>>) dst(%arg11 : memref<32x128xi32, #tpu.memory_space<vmem>>)
      tpu.yield
    }) : () -> ()
    %mul3A_63 = arith.constant 32 : i32
    %mul3A_64 = arith.muli %add3A, %mul3A_63 : i32
    %run_scoped3A_65 = arith.constant 1 : i32
    "tpu.region"() ({
      %run_scoped3A_88 = tpu.sem_alloc : memref<!tpu.dma_semaphore, #tpu.memory_space<semaphore_mem>>
      %dma_start3A = arith.constant 0 : i32
      %dma_start3A_89 = tpu.memref_slice %arg5[%run_scoped3A_65, %mul3A_64, %dma_start3A] : memref<2x1024x128xi32, #tpu.memory_space<hbm>> -> memref<1x32x128xi32, #tpu.memory_space<hbm>>
      %dma_start3A_90 = tpu.memref_squeeze %dma_start3A_89 : memref<1x32x128xi32, #tpu.memory_space<hbm>> -> memref<32x128xi32, #tpu.memory_space<hbm>>
      %dma_start3A_91 = arith.constant 0 : i32
      %dma_start3A_92 = tpu.memref_slice %arg5[%run_scoped3A_65, %mul3A_64, %dma_start3A_91] : memref<2x1024x128xi32, #tpu.memory_space<hbm>> -> memref<1x32x128xi32, #tpu.memory_space<hbm>>
      %dma_start3A_93 = tpu.memref_squeeze %dma_start3A_92 : memref<1x32x128xi32, #tpu.memory_space<hbm>> -> memref<32x128xi32, #tpu.memory_space<hbm>>
      tpu.enqueue_dma source(%dma_start3A_93 : memref<32x128xi32, #tpu.memory_space<hbm>>) target(%arg12 : memref<32x128xi32, #tpu.memory_space<vmem>>) target_semaphore(%run_scoped3A_88 : memref<!tpu.dma_semaphore, #tpu.memory_space<semaphore_mem>>)
      %dma_wait3A = arith.constant 0 : i32
      %dma_wait3A_94 = tpu.memref_slice %arg5[%run_scoped3A_65, %mul3A_64, %dma_wait3A] : memref<2x1024x128xi32, #tpu.memory_space<hbm>> -> memref<1x32x128xi32, #tpu.memory_space<hbm>>
      %dma_wait3A_95 = tpu.memref_squeeze %dma_wait3A_94 : memref<1x32x128xi32, #tpu.memory_space<hbm>> -> memref<32x128xi32, #tpu.memory_space<hbm>>
      %dma_wait3A_96 = arith.constant 0 : i32
      %dma_wait3A_97 = tpu.memref_slice %arg5[%run_scoped3A_65, %mul3A_64, %dma_wait3A_96] : memref<2x1024x128xi32, #tpu.memory_space<hbm>> -> memref<1x32x128xi32, #tpu.memory_space<hbm>>
      %dma_wait3A_98 = tpu.memref_squeeze %dma_wait3A_97 : memref<1x32x128xi32, #tpu.memory_space<hbm>> -> memref<32x128xi32, #tpu.memory_space<hbm>>
      tpu.wait_dma2 semaphore(%run_scoped3A_88 : memref<!tpu.dma_semaphore, #tpu.memory_space<semaphore_mem>>) src(%dma_wait3A_98 : memref<32x128xi32, #tpu.memory_space<hbm>>) dst(%arg12 : memref<32x128xi32, #tpu.memory_space<vmem>>)
      tpu.yield
    }) : () -> ()
    %scan3A_66 = arith.constant 0 : i32
    %scan3A_67 = arith.constant 0 : i32
    %scan3A_68 = arith.constant 8 : i32
    %scan3A_69 = arith.addi %scan3A_67, %scan3A_68 : i32
    %scan3A_70 = arith.constant 1 : i32
    %scan3A_71 = scf.for %scan3A_88 = %scan3A_67 to %scan3A_69 step %scan3A_70 iter_args(%scan3A_89 = %scan3A_66) -> (i32)  : i32 {
      %mul3A_90 = arith.constant 8 : i32
      %mul3A_91 = arith.muli %scan3A_88, %mul3A_90 : i32
      %add3A_92 = arith.constant 0 : i32
      %add3A_93 = arith.addi %mul3A_91, %add3A_92 : i32
      %dma_start3A = arith.constant 0 : i32
      %dma_start3A_94 = arith.constant 0 : i32
      %dma_start3A_95 = arith.constant 0 : i32
      %dma_start3A_96 = arith.constant 0 : i32
      %dma_start3A_97 = tpu.memref_slice %arg13[%dma_start3A, %dma_start3A_95, %dma_start3A_96] : memref<8x128x16xf32, #tpu.memory_space<vmem>> -> memref<1x128x16xf32, #tpu.memory_space<vmem>>
      %dma_start3A_98 = tpu.memref_squeeze %dma_start3A_97 : memref<1x128x16xf32, #tpu.memory_space<vmem>> -> memref<128x16xf32, #tpu.memory_space<vmem>>
      %dma_start3A_99 = arith.constant 0 : i32
      %dma_start3A_100 = tpu.memref_slice %arg9[%add3A_93, %dma_start3A_99] : memref<64x128xi32, #tpu.memory_space<vmem>> -> memref<1x128xi32, #tpu.memory_space<vmem>>
      %dma_start3A_101 = tpu.memref_squeeze %dma_start3A_100 : memref<1x128xi32, #tpu.memory_space<vmem>> -> memref<128xi32, #tpu.memory_space<vmem>>
      %dma_start3A_102 = arith.constant 0 : i32
      %dma_start3A_103 = arith.constant 0 : i32
      %dma_start3A_104 = tpu.memref_slice %arg2[%dma_start3A_102, %dma_start3A_103] : memref<50048x16xf32, #tpu.memory_space<hbm>> -> memref<50048x16xf32, #tpu.memory_space<hbm>>
      %dma_start3A_105 = tpu.memref_slice %arg15[%dma_start3A_94] : memref<8x!tpu.dma_semaphore, #tpu.memory_space<semaphore_mem>> -> memref<1x!tpu.dma_semaphore, #tpu.memory_space<semaphore_mem>>
      %dma_start3A_106 = tpu.memref_squeeze %dma_start3A_105 : memref<1x!tpu.dma_semaphore, #tpu.memory_space<semaphore_mem>> -> memref<!tpu.dma_semaphore, #tpu.memory_space<semaphore_mem>>
      tpu.enqueue_indirect_dma source(%dma_start3A_104 : memref<50048x16xf32, #tpu.memory_space<hbm>>) target(%dma_start3A_98 : memref<128x16xf32, #tpu.memory_space<vmem>>) offsets(%dma_start3A_101 : memref<128xi32, #tpu.memory_space<vmem>>) semaphore(%dma_start3A_106 : memref<!tpu.dma_semaphore, #tpu.memory_space<semaphore_mem>>)
      %add3A_107 = arith.constant 1 : i32
      %add3A_108 = arith.addi %mul3A_91, %add3A_107 : i32
      %dma_start3A_109 = arith.constant 1 : i32
      %dma_start3A_110 = arith.constant 1 : i32
      %dma_start3A_111 = arith.constant 0 : i32
      %dma_start3A_112 = arith.constant 0 : i32
      %dma_start3A_113 = tpu.memref_slice %arg13[%dma_start3A_109, %dma_start3A_111, %dma_start3A_112] : memref<8x128x16xf32, #tpu.memory_space<vmem>> -> memref<1x128x16xf32, #tpu.memory_space<vmem>>
      %dma_start3A_114 = tpu.memref_squeeze %dma_start3A_113 : memref<1x128x16xf32, #tpu.memory_space<vmem>> -> memref<128x16xf32, #tpu.memory_space<vmem>>
      %dma_start3A_115 = arith.constant 0 : i32
      %dma_start3A_116 = tpu.memref_slice %arg9[%add3A_108, %dma_start3A_115] : memref<64x128xi32, #tpu.memory_space<vmem>> -> memref<1x128xi32, #tpu.memory_space<vmem>>
      %dma_start3A_117 = tpu.memref_squeeze %dma_start3A_116 : memref<1x128xi32, #tpu.memory_space<vmem>> -> memref<128xi32, #tpu.memory_space<vmem>>
      %dma_start3A_118 = arith.constant 0 : i32
      %dma_start3A_119 = arith.constant 0 : i32
      %dma_start3A_120 = tpu.memref_slice %arg2[%dma_start3A_118, %dma_start3A_119] : memref<50048x16xf32, #tpu.memory_space<hbm>> -> memref<50048x16xf32, #tpu.memory_space<hbm>>
      %dma_start3A_121 = tpu.memref_slice %arg15[%dma_start3A_110] : memref<8x!tpu.dma_semaphore, #tpu.memory_space<semaphore_mem>> -> memref<1x!tpu.dma_semaphore, #tpu.memory_space<semaphore_mem>>
      %dma_start3A_122 = tpu.memref_squeeze %dma_start3A_121 : memref<1x!tpu.dma_semaphore, #tpu.memory_space<semaphore_mem>> -> memref<!tpu.dma_semaphore, #tpu.memory_space<semaphore_mem>>
      tpu.enqueue_indirect_dma source(%dma_start3A_120 : memref<50048x16xf32, #tpu.memory_space<hbm>>) target(%dma_start3A_114 : memref<128x16xf32, #tpu.memory_space<vmem>>) offsets(%dma_start3A_117 : memref<128xi32, #tpu.memory_space<vmem>>) semaphore(%dma_start3A_122 : memref<!tpu.dma_semaphore, #tpu.memory_space<semaphore_mem>>)
      %add3A_123 = arith.constant 2 : i32
      %add3A_124 = arith.addi %mul3A_91, %add3A_123 : i32
      %dma_start3A_125 = arith.constant 2 : i32
      %dma_start3A_126 = arith.constant 2 : i32
      %dma_start3A_127 = arith.constant 0 : i32
      %dma_start3A_128 = arith.constant 0 : i32
      %dma_start3A_129 = tpu.memref_slice %arg13[%dma_start3A_125, %dma_start3A_127, %dma_start3A_128] : memref<8x128x16xf32, #tpu.memory_space<vmem>> -> memref<1x128x16xf32, #tpu.memory_space<vmem>>
      %dma_start3A_130 = tpu.memref_squeeze %dma_start3A_129 : memref<1x128x16xf32, #tpu.memory_space<vmem>> -> memref<128x16xf32, #tpu.memory_space<vmem>>
      %dma_start3A_131 = arith.constant 0 : i32
      %dma_start3A_132 = tpu.memref_slice %arg9[%add3A_124, %dma_start3A_131] : memref<64x128xi32, #tpu.memory_space<vmem>> -> memref<1x128xi32, #tpu.memory_space<vmem>>
      %dma_start3A_133 = tpu.memref_squeeze %dma_start3A_132 : memref<1x128xi32, #tpu.memory_space<vmem>> -> memref<128xi32, #tpu.memory_space<vmem>>
      %dma_start3A_134 = arith.constant 0 : i32
      %dma_start3A_135 = arith.constant 0 : i32
      %dma_start3A_136 = tpu.memref_slice %arg2[%dma_start3A_134, %dma_start3A_135] : memref<50048x16xf32, #tpu.memory_space<hbm>> -> memref<50048x16xf32, #tpu.memory_space<hbm>>
      %dma_start3A_137 = tpu.memref_slice %arg15[%dma_start3A_126] : memref<8x!tpu.dma_semaphore, #tpu.memory_space<semaphore_mem>> -> memref<1x!tpu.dma_semaphore, #tpu.memory_space<semaphore_mem>>
      %dma_start3A_138 = tpu.memref_squeeze %dma_start3A_137 : memref<1x!tpu.dma_semaphore, #tpu.memory_space<semaphore_mem>> -> memref<!tpu.dma_semaphore, #tpu.memory_space<semaphore_mem>>
      tpu.enqueue_indirect_dma source(%dma_start3A_136 : memref<50048x16xf32, #tpu.memory_space<hbm>>) target(%dma_start3A_130 : memref<128x16xf32, #tpu.memory_space<vmem>>) offsets(%dma_start3A_133 : memref<128xi32, #tpu.memory_space<vmem>>) semaphore(%dma_start3A_138 : memref<!tpu.dma_semaphore, #tpu.memory_space<semaphore_mem>>)
      %add3A_139 = arith.constant 3 : i32
      %add3A_140 = arith.addi %mul3A_91, %add3A_139 : i32
      %dma_start3A_141 = arith.constant 3 : i32
      %dma_start3A_142 = arith.constant 3 : i32
      %dma_start3A_143 = arith.constant 0 : i32
      %dma_start3A_144 = arith.constant 0 : i32
      %dma_start3A_145 = tpu.memref_slice %arg13[%dma_start3A_141, %dma_start3A_143, %dma_start3A_144] : memref<8x128x16xf32, #tpu.memory_space<vmem>> -> memref<1x128x16xf32, #tpu.memory_space<vmem>>
      %dma_start3A_146 = tpu.memref_squeeze %dma_start3A_145 : memref<1x128x16xf32, #tpu.memory_space<vmem>> -> memref<128x16xf32, #tpu.memory_space<vmem>>
      %dma_start3A_147 = arith.constant 0 : i32
      %dma_start3A_148 = tpu.memref_slice %arg9[%add3A_140, %dma_start3A_147] : memref<64x128xi32, #tpu.memory_space<vmem>> -> memref<1x128xi32, #tpu.memory_space<vmem>>
      %dma_start3A_149 = tpu.memref_squeeze %dma_start3A_148 : memref<1x128xi32, #tpu.memory_space<vmem>> -> memref<128xi32, #tpu.memory_space<vmem>>
      %dma_start3A_150 = arith.constant 0 : i32
      %dma_start3A_151 = arith.constant 0 : i32
      %dma_start3A_152 = tpu.memref_slice %arg2[%dma_start3A_150, %dma_start3A_151] : memref<50048x16xf32, #tpu.memory_space<hbm>> -> memref<50048x16xf32, #tpu.memory_space<hbm>>
      %dma_start3A_153 = tpu.memref_slice %arg15[%dma_start3A_142] : memref<8x!tpu.dma_semaphore, #tpu.memory_space<semaphore_mem>> -> memref<1x!tpu.dma_semaphore, #tpu.memory_space<semaphore_mem>>
      %dma_start3A_154 = tpu.memref_squeeze %dma_start3A_153 : memref<1x!tpu.dma_semaphore, #tpu.memory_space<semaphore_mem>> -> memref<!tpu.dma_semaphore, #tpu.memory_space<semaphore_mem>>
      tpu.enqueue_indirect_dma source(%dma_start3A_152 : memref<50048x16xf32, #tpu.memory_space<hbm>>) target(%dma_start3A_146 : memref<128x16xf32, #tpu.memory_space<vmem>>) offsets(%dma_start3A_149 : memref<128xi32, #tpu.memory_space<vmem>>) semaphore(%dma_start3A_154 : memref<!tpu.dma_semaphore, #tpu.memory_space<semaphore_mem>>)
      %add3A_155 = arith.constant 4 : i32
      %add3A_156 = arith.addi %mul3A_91, %add3A_155 : i32
      %dma_start3A_157 = arith.constant 4 : i32
      %dma_start3A_158 = arith.constant 4 : i32
      %dma_start3A_159 = arith.constant 0 : i32
      %dma_start3A_160 = arith.constant 0 : i32
      %dma_start3A_161 = tpu.memref_slice %arg13[%dma_start3A_157, %dma_start3A_159, %dma_start3A_160] : memref<8x128x16xf32, #tpu.memory_space<vmem>> -> memref<1x128x16xf32, #tpu.memory_space<vmem>>
      %dma_start3A_162 = tpu.memref_squeeze %dma_start3A_161 : memref<1x128x16xf32, #tpu.memory_space<vmem>> -> memref<128x16xf32, #tpu.memory_space<vmem>>
      %dma_start3A_163 = arith.constant 0 : i32
      %dma_start3A_164 = tpu.memref_slice %arg9[%add3A_156, %dma_start3A_163] : memref<64x128xi32, #tpu.memory_space<vmem>> -> memref<1x128xi32, #tpu.memory_space<vmem>>
      %dma_start3A_165 = tpu.memref_squeeze %dma_start3A_164 : memref<1x128xi32, #tpu.memory_space<vmem>> -> memref<128xi32, #tpu.memory_space<vmem>>
      %dma_start3A_166 = arith.constant 0 : i32
      %dma_start3A_167 = arith.constant 0 : i32
      %dma_start3A_168 = tpu.memref_slice %arg2[%dma_start3A_166, %dma_start3A_167] : memref<50048x16xf32, #tpu.memory_space<hbm>> -> memref<50048x16xf32, #tpu.memory_space<hbm>>
      %dma_start3A_169 = tpu.memref_slice %arg15[%dma_start3A_158] : memref<8x!tpu.dma_semaphore, #tpu.memory_space<semaphore_mem>> -> memref<1x!tpu.dma_semaphore, #tpu.memory_space<semaphore_mem>>
      %dma_start3A_170 = tpu.memref_squeeze %dma_start3A_169 : memref<1x!tpu.dma_semaphore, #tpu.memory_space<semaphore_mem>> -> memref<!tpu.dma_semaphore, #tpu.memory_space<semaphore_mem>>
      tpu.enqueue_indirect_dma source(%dma_start3A_168 : memref<50048x16xf32, #tpu.memory_space<hbm>>) target(%dma_start3A_162 : memref<128x16xf32, #tpu.memory_space<vmem>>) offsets(%dma_start3A_165 : memref<128xi32, #tpu.memory_space<vmem>>) semaphore(%dma_start3A_170 : memref<!tpu.dma_semaphore, #tpu.memory_space<semaphore_mem>>)
      %add3A_171 = arith.constant 5 : i32
      %add3A_172 = arith.addi %mul3A_91, %add3A_171 : i32
      %dma_start3A_173 = arith.constant 5 : i32
      %dma_start3A_174 = arith.constant 5 : i32
      %dma_start3A_175 = arith.constant 0 : i32
      %dma_start3A_176 = arith.constant 0 : i32
      %dma_start3A_177 = tpu.memref_slice %arg13[%dma_start3A_173, %dma_start3A_175, %dma_start3A_176] : memref<8x128x16xf32, #tpu.memory_space<vmem>> -> memref<1x128x16xf32, #tpu.memory_space<vmem>>
      %dma_start3A_178 = tpu.memref_squeeze %dma_start3A_177 : memref<1x128x16xf32, #tpu.memory_space<vmem>> -> memref<128x16xf32, #tpu.memory_space<vmem>>
      %dma_start3A_179 = arith.constant 0 : i32
      %dma_start3A_180 = tpu.memref_slice %arg9[%add3A_172, %dma_start3A_179] : memref<64x128xi32, #tpu.memory_space<vmem>> -> memref<1x128xi32, #tpu.memory_space<vmem>>
      %dma_start3A_181 = tpu.memref_squeeze %dma_start3A_180 : memref<1x128xi32, #tpu.memory_space<vmem>> -> memref<128xi32, #tpu.memory_space<vmem>>
      %dma_start3A_182 = arith.constant 0 : i32
      %dma_start3A_183 = arith.constant 0 : i32
      %dma_start3A_184 = tpu.memref_slice %arg2[%dma_start3A_182, %dma_start3A_183] : memref<50048x16xf32, #tpu.memory_space<hbm>> -> memref<50048x16xf32, #tpu.memory_space<hbm>>
      %dma_start3A_185 = tpu.memref_slice %arg15[%dma_start3A_174] : memref<8x!tpu.dma_semaphore, #tpu.memory_space<semaphore_mem>> -> memref<1x!tpu.dma_semaphore, #tpu.memory_space<semaphore_mem>>
      %dma_start3A_186 = tpu.memref_squeeze %dma_start3A_185 : memref<1x!tpu.dma_semaphore, #tpu.memory_space<semaphore_mem>> -> memref<!tpu.dma_semaphore, #tpu.memory_space<semaphore_mem>>
      tpu.enqueue_indirect_dma source(%dma_start3A_184 : memref<50048x16xf32, #tpu.memory_space<hbm>>) target(%dma_start3A_178 : memref<128x16xf32, #tpu.memory_space<vmem>>) offsets(%dma_start3A_181 : memref<128xi32, #tpu.memory_space<vmem>>) semaphore(%dma_start3A_186 : memref<!tpu.dma_semaphore, #tpu.memory_space<semaphore_mem>>)
      %add3A_187 = arith.constant 6 : i32
      %add3A_188 = arith.addi %mul3A_91, %add3A_187 : i32
      %dma_start3A_189 = arith.constant 6 : i32
      %dma_start3A_190 = arith.constant 6 : i32
      %dma_start3A_191 = arith.constant 0 : i32
      %dma_start3A_192 = arith.constant 0 : i32
      %dma_start3A_193 = tpu.memref_slice %arg13[%dma_start3A_189, %dma_start3A_191, %dma_start3A_192] : memref<8x128x16xf32, #tpu.memory_space<vmem>> -> memref<1x128x16xf32, #tpu.memory_space<vmem>>
      %dma_start3A_194 = tpu.memref_squeeze %dma_start3A_193 : memref<1x128x16xf32, #tpu.memory_space<vmem>> -> memref<128x16xf32, #tpu.memory_space<vmem>>
      %dma_start3A_195 = arith.constant 0 : i32
      %dma_start3A_196 = tpu.memref_slice %arg9[%add3A_188, %dma_start3A_195] : memref<64x128xi32, #tpu.memory_space<vmem>> -> memref<1x128xi32, #tpu.memory_space<vmem>>
      %dma_start3A_197 = tpu.memref_squeeze %dma_start3A_196 : memref<1x128xi32, #tpu.memory_space<vmem>> -> memref<128xi32, #tpu.memory_space<vmem>>
      %dma_start3A_198 = arith.constant 0 : i32
      %dma_start3A_199 = arith.constant 0 : i32
      %dma_start3A_200 = tpu.memref_slice %arg2[%dma_start3A_198, %dma_start3A_199] : memref<50048x16xf32, #tpu.memory_space<hbm>> -> memref<50048x16xf32, #tpu.memory_space<hbm>>
      %dma_start3A_201 = tpu.memref_slice %arg15[%dma_start3A_190] : memref<8x!tpu.dma_semaphore, #tpu.memory_space<semaphore_mem>> -> memref<1x!tpu.dma_semaphore, #tpu.memory_space<semaphore_mem>>
      %dma_start3A_202 = tpu.memref_squeeze %dma_start3A_201 : memref<1x!tpu.dma_semaphore, #tpu.memory_space<semaphore_mem>> -> memref<!tpu.dma_semaphore, #tpu.memory_space<semaphore_mem>>
      tpu.enqueue_indirect_dma source(%dma_start3A_200 : memref<50048x16xf32, #tpu.memory_space<hbm>>) target(%dma_start3A_194 : memref<128x16xf32, #tpu.memory_space<vmem>>) offsets(%dma_start3A_197 : memref<128xi32, #tpu.memory_space<vmem>>) semaphore(%dma_start3A_202 : memref<!tpu.dma_semaphore, #tpu.memory_space<semaphore_mem>>)
      %add3A_203 = arith.constant 7 : i32
      %add3A_204 = arith.addi %mul3A_91, %add3A_203 : i32
      %dma_start3A_205 = arith.constant 7 : i32
      %dma_start3A_206 = arith.constant 7 : i32
      %dma_start3A_207 = arith.constant 0 : i32
      %dma_start3A_208 = arith.constant 0 : i32
      %dma_start3A_209 = tpu.memref_slice %arg13[%dma_start3A_205, %dma_start3A_207, %dma_start3A_208] : memref<8x128x16xf32, #tpu.memory_space<vmem>> -> memref<1x128x16xf32, #tpu.memory_space<vmem>>
      %dma_start3A_210 = tpu.memref_squeeze %dma_start3A_209 : memref<1x128x16xf32, #tpu.memory_space<vmem>> -> memref<128x16xf32, #tpu.memory_space<vmem>>
      %dma_start3A_211 = arith.constant 0 : i32
      %dma_start3A_212 = tpu.memref_slice %arg9[%add3A_204, %dma_start3A_211] : memref<64x128xi32, #tpu.memory_space<vmem>> -> memref<1x128xi32, #tpu.memory_space<vmem>>
      %dma_start3A_213 = tpu.memref_squeeze %dma_start3A_212 : memref<1x128xi32, #tpu.memory_space<vmem>> -> memref<128xi32, #tpu.memory_space<vmem>>
      %dma_start3A_214 = arith.constant 0 : i32
      %dma_start3A_215 = arith.constant 0 : i32
      %dma_start3A_216 = tpu.memref_slice %arg2[%dma_start3A_214, %dma_start3A_215] : memref<50048x16xf32, #tpu.memory_space<hbm>> -> memref<50048x16xf32, #tpu.memory_space<hbm>>
      %dma_start3A_217 = tpu.memref_slice %arg15[%dma_start3A_206] : memref<8x!tpu.dma_semaphore, #tpu.memory_space<semaphore_mem>> -> memref<1x!tpu.dma_semaphore, #tpu.memory_space<semaphore_mem>>
      %dma_start3A_218 = tpu.memref_squeeze %dma_start3A_217 : memref<1x!tpu.dma_semaphore, #tpu.memory_space<semaphore_mem>> -> memref<!tpu.dma_semaphore, #tpu.memory_space<semaphore_mem>>
      tpu.enqueue_indirect_dma source(%dma_start3A_216 : memref<50048x16xf32, #tpu.memory_space<hbm>>) target(%dma_start3A_210 : memref<128x16xf32, #tpu.memory_space<vmem>>) offsets(%dma_start3A_213 : memref<128xi32, #tpu.memory_space<vmem>>) semaphore(%dma_start3A_218 : memref<!tpu.dma_semaphore, #tpu.memory_space<semaphore_mem>>)
      %dma_wait3A = arith.constant 0 : i32
      %dma_wait3A_219 = arith.constant 0 : i32
      %dma_wait3A_220 = arith.constant 0 : i32
      %dma_wait3A_221 = arith.constant 0 : i32
      %dma_wait3A_222 = tpu.memref_slice %arg13[%dma_wait3A, %dma_wait3A_220, %dma_wait3A_221] : memref<8x128x16xf32, #tpu.memory_space<vmem>> -> memref<1x128x16xf32, #tpu.memory_space<vmem>>
      %dma_wait3A_223 = tpu.memref_squeeze %dma_wait3A_222 : memref<1x128x16xf32, #tpu.memory_space<vmem>> -> memref<128x16xf32, #tpu.memory_space<vmem>>
      %dma_wait3A_224 = arith.constant 0 : i32
      %dma_wait3A_225 = tpu.memref_slice %arg9[%add3A_93, %dma_wait3A_224] : memref<64x128xi32, #tpu.memory_space<vmem>> -> memref<1x128xi32, #tpu.memory_space<vmem>>
      %dma_wait3A_226 = tpu.memref_squeeze %dma_wait3A_225 : memref<1x128xi32, #tpu.memory_space<vmem>> -> memref<128xi32, #tpu.memory_space<vmem>>
      %dma_wait3A_227 = arith.constant 0 : i32
      %dma_wait3A_228 = arith.constant 0 : i32
      %dma_wait3A_229 = tpu.memref_slice %arg2[%dma_wait3A_227, %dma_wait3A_228] : memref<50048x16xf32, #tpu.memory_space<hbm>> -> memref<50048x16xf32, #tpu.memory_space<hbm>>
      %dma_wait3A_230 = tpu.memref_slice %arg15[%dma_wait3A_219] : memref<8x!tpu.dma_semaphore, #tpu.memory_space<semaphore_mem>> -> memref<1x!tpu.dma_semaphore, #tpu.memory_space<semaphore_mem>>
      %dma_wait3A_231 = tpu.memref_squeeze %dma_wait3A_230 : memref<1x!tpu.dma_semaphore, #tpu.memory_space<semaphore_mem>> -> memref<!tpu.dma_semaphore, #tpu.memory_space<semaphore_mem>>
      tpu.wait_indirect_dma semaphore(%dma_wait3A_231 : memref<!tpu.dma_semaphore, #tpu.memory_space<semaphore_mem>>) src(%dma_wait3A_229 : memref<50048x16xf32, #tpu.memory_space<hbm>>) dst(%dma_wait3A_223 : memref<128x16xf32, #tpu.memory_space<vmem>>)
      %add3A_232 = arith.constant 0 : i32
      %add3A_233 = arith.addi %mul3A_91, %add3A_232 : i32
      %dma_start3A_234 = arith.constant 0 : i32
      %dma_start3A_235 = arith.constant 0 : i32
      %dma_start3A_236 = arith.constant 0 : i32
      %dma_start3A_237 = arith.constant 0 : i32
      %dma_start3A_238 = tpu.memref_slice %arg13[%dma_start3A_234, %dma_start3A_236, %dma_start3A_237] : memref<8x128x16xf32, #tpu.memory_space<vmem>> -> memref<1x128x16xf32, #tpu.memory_space<vmem>>
      %dma_start3A_239 = tpu.memref_squeeze %dma_start3A_238 : memref<1x128x16xf32, #tpu.memory_space<vmem>> -> memref<128x16xf32, #tpu.memory_space<vmem>>
      %dma_start3A_240 = arith.constant 0 : i32
      %dma_start3A_241 = tpu.memref_slice %arg10[%add3A_233, %dma_start3A_240] : memref<64x128xi32, #tpu.memory_space<vmem>> -> memref<1x128xi32, #tpu.memory_space<vmem>>
      %dma_start3A_242 = tpu.memref_squeeze %dma_start3A_241 : memref<1x128xi32, #tpu.memory_space<vmem>> -> memref<128xi32, #tpu.memory_space<vmem>>
      %dma_start3A_243 = arith.constant 0 : i32
      %dma_start3A_244 = arith.constant 0 : i32
      %dma_start3A_245 = tpu.memref_slice %arg8[%dma_start3A_243, %dma_start3A_244] : memref<50048x16xf32, #tpu.memory_space<vmem_shared>> -> memref<50048x16xf32, #tpu.memory_space<vmem_shared>>
      %dma_start3A_246 = tpu.memref_slice %arg16[%dma_start3A_235] : memref<8x!tpu.dma_semaphore, #tpu.memory_space<semaphore_mem>> -> memref<1x!tpu.dma_semaphore, #tpu.memory_space<semaphore_mem>>
      %dma_start3A_247 = tpu.memref_squeeze %dma_start3A_246 : memref<1x!tpu.dma_semaphore, #tpu.memory_space<semaphore_mem>> -> memref<!tpu.dma_semaphore, #tpu.memory_space<semaphore_mem>>
      tpu.enqueue_indirect_dma source(%dma_start3A_239 : memref<128x16xf32, #tpu.memory_space<vmem>>) target(%dma_start3A_245 : memref<50048x16xf32, #tpu.memory_space<vmem_shared>>) offsets(%dma_start3A_242 : memref<128xi32, #tpu.memory_space<vmem>>) semaphore(%dma_start3A_247 : memref<!tpu.dma_semaphore, #tpu.memory_space<semaphore_mem>>) {add = true}
      %dma_wait3A_248 = arith.constant 1 : i32
      %dma_wait3A_249 = arith.constant 1 : i32
      %dma_wait3A_250 = arith.constant 0 : i32
      %dma_wait3A_251 = arith.constant 0 : i32
      %dma_wait3A_252 = tpu.memref_slice %arg13[%dma_wait3A_248, %dma_wait3A_250, %dma_wait3A_251] : memref<8x128x16xf32, #tpu.memory_space<vmem>> -> memref<1x128x16xf32, #tpu.memory_space<vmem>>
      %dma_wait3A_253 = tpu.memref_squeeze %dma_wait3A_252 : memref<1x128x16xf32, #tpu.memory_space<vmem>> -> memref<128x16xf32, #tpu.memory_space<vmem>>
      %dma_wait3A_254 = arith.constant 0 : i32
      %dma_wait3A_255 = tpu.memref_slice %arg9[%add3A_108, %dma_wait3A_254] : memref<64x128xi32, #tpu.memory_space<vmem>> -> memref<1x128xi32, #tpu.memory_space<vmem>>
      %dma_wait3A_256 = tpu.memref_squeeze %dma_wait3A_255 : memref<1x128xi32, #tpu.memory_space<vmem>> -> memref<128xi32, #tpu.memory_space<vmem>>
      %dma_wait3A_257 = arith.constant 0 : i32
      %dma_wait3A_258 = arith.constant 0 : i32
      %dma_wait3A_259 = tpu.memref_slice %arg2[%dma_wait3A_257, %dma_wait3A_258] : memref<50048x16xf32, #tpu.memory_space<hbm>> -> memref<50048x16xf32, #tpu.memory_space<hbm>>
      %dma_wait3A_260 = tpu.memref_slice %arg15[%dma_wait3A_249] : memref<8x!tpu.dma_semaphore, #tpu.memory_space<semaphore_mem>> -> memref<1x!tpu.dma_semaphore, #tpu.memory_space<semaphore_mem>>
      %dma_wait3A_261 = tpu.memref_squeeze %dma_wait3A_260 : memref<1x!tpu.dma_semaphore, #tpu.memory_space<semaphore_mem>> -> memref<!tpu.dma_semaphore, #tpu.memory_space<semaphore_mem>>
      tpu.wait_indirect_dma semaphore(%dma_wait3A_261 : memref<!tpu.dma_semaphore, #tpu.memory_space<semaphore_mem>>) src(%dma_wait3A_259 : memref<50048x16xf32, #tpu.memory_space<hbm>>) dst(%dma_wait3A_253 : memref<128x16xf32, #tpu.memory_space<vmem>>)
      %add3A_262 = arith.constant 1 : i32
      %add3A_263 = arith.addi %mul3A_91, %add3A_262 : i32
      %dma_start3A_264 = arith.constant 1 : i32
      %dma_start3A_265 = arith.constant 1 : i32
      %dma_start3A_266 = arith.constant 0 : i32
      %dma_start3A_267 = arith.constant 0 : i32
      %dma_start3A_268 = tpu.memref_slice %arg13[%dma_start3A_264, %dma_start3A_266, %dma_start3A_267] : memref<8x128x16xf32, #tpu.memory_space<vmem>> -> memref<1x128x16xf32, #tpu.memory_space<vmem>>
      %dma_start3A_269 = tpu.memref_squeeze %dma_start3A_268 : memref<1x128x16xf32, #tpu.memory_space<vmem>> -> memref<128x16xf32, #tpu.memory_space<vmem>>
      %dma_start3A_270 = arith.constant 0 : i32
      %dma_start3A_271 = tpu.memref_slice %arg10[%add3A_263, %dma_start3A_270] : memref<64x128xi32, #tpu.memory_space<vmem>> -> memref<1x128xi32, #tpu.memory_space<vmem>>
      %dma_start3A_272 = tpu.memref_squeeze %dma_start3A_271 : memref<1x128xi32, #tpu.memory_space<vmem>> -> memref<128xi32, #tpu.memory_space<vmem>>
      %dma_start3A_273 = arith.constant 0 : i32
      %dma_start3A_274 = arith.constant 0 : i32
      %dma_start3A_275 = tpu.memref_slice %arg8[%dma_start3A_273, %dma_start3A_274] : memref<50048x16xf32, #tpu.memory_space<vmem_shared>> -> memref<50048x16xf32, #tpu.memory_space<vmem_shared>>
      %dma_start3A_276 = tpu.memref_slice %arg16[%dma_start3A_265] : memref<8x!tpu.dma_semaphore, #tpu.memory_space<semaphore_mem>> -> memref<1x!tpu.dma_semaphore, #tpu.memory_space<semaphore_mem>>
      %dma_start3A_277 = tpu.memref_squeeze %dma_start3A_276 : memref<1x!tpu.dma_semaphore, #tpu.memory_space<semaphore_mem>> -> memref<!tpu.dma_semaphore, #tpu.memory_space<semaphore_mem>>
      tpu.enqueue_indirect_dma source(%dma_start3A_269 : memref<128x16xf32, #tpu.memory_space<vmem>>) target(%dma_start3A_275 : memref<50048x16xf32, #tpu.memory_space<vmem_shared>>) offsets(%dma_start3A_272 : memref<128xi32, #tpu.memory_space<vmem>>) semaphore(%dma_start3A_277 : memref<!tpu.dma_semaphore, #tpu.memory_space<semaphore_mem>>) {add = true}
      %dma_wait3A_278 = arith.constant 2 : i32
      %dma_wait3A_279 = arith.constant 2 : i32
      %dma_wait3A_280 = arith.constant 0 : i32
      %dma_wait3A_281 = arith.constant 0 : i32
      %dma_wait3A_282 = tpu.memref_slice %arg13[%dma_wait3A_278, %dma_wait3A_280, %dma_wait3A_281] : memref<8x128x16xf32, #tpu.memory_space<vmem>> -> memref<1x128x16xf32, #tpu.memory_space<vmem>>
      %dma_wait3A_283 = tpu.memref_squeeze %dma_wait3A_282 : memref<1x128x16xf32, #tpu.memory_space<vmem>> -> memref<128x16xf32, #tpu.memory_space<vmem>>
      %dma_wait3A_284 = arith.constant 0 : i32
      %dma_wait3A_285 = tpu.memref_slice %arg9[%add3A_124, %dma_wait3A_284] : memref<64x128xi32, #tpu.memory_space<vmem>> -> memref<1x128xi32, #tpu.memory_space<vmem>>
      %dma_wait3A_286 = tpu.memref_squeeze %dma_wait3A_285 : memref<1x128xi32, #tpu.memory_space<vmem>> -> memref<128xi32, #tpu.memory_space<vmem>>
      %dma_wait3A_287 = arith.constant 0 : i32
      %dma_wait3A_288 = arith.constant 0 : i32
      %dma_wait3A_289 = tpu.memref_slice %arg2[%dma_wait3A_287, %dma_wait3A_288] : memref<50048x16xf32, #tpu.memory_space<hbm>> -> memref<50048x16xf32, #tpu.memory_space<hbm>>
      %dma_wait3A_290 = tpu.memref_slice %arg15[%dma_wait3A_279] : memref<8x!tpu.dma_semaphore, #tpu.memory_space<semaphore_mem>> -> memref<1x!tpu.dma_semaphore, #tpu.memory_space<semaphore_mem>>
      %dma_wait3A_291 = tpu.memref_squeeze %dma_wait3A_290 : memref<1x!tpu.dma_semaphore, #tpu.memory_space<semaphore_mem>> -> memref<!tpu.dma_semaphore, #tpu.memory_space<semaphore_mem>>
      tpu.wait_indirect_dma semaphore(%dma_wait3A_291 : memref<!tpu.dma_semaphore, #tpu.memory_space<semaphore_mem>>) src(%dma_wait3A_289 : memref<50048x16xf32, #tpu.memory_space<hbm>>) dst(%dma_wait3A_283 : memref<128x16xf32, #tpu.memory_space<vmem>>)
      %add3A_292 = arith.constant 2 : i32
      %add3A_293 = arith.addi %mul3A_91, %add3A_292 : i32
      %dma_start3A_294 = arith.constant 2 : i32
      %dma_start3A_295 = arith.constant 2 : i32
      %dma_start3A_296 = arith.constant 0 : i32
      %dma_start3A_297 = arith.constant 0 : i32
      %dma_start3A_298 = tpu.memref_slice %arg13[%dma_start3A_294, %dma_start3A_296, %dma_start3A_297] : memref<8x128x16xf32, #tpu.memory_space<vmem>> -> memref<1x128x16xf32, #tpu.memory_space<vmem>>
      %dma_start3A_299 = tpu.memref_squeeze %dma_start3A_298 : memref<1x128x16xf32, #tpu.memory_space<vmem>> -> memref<128x16xf32, #tpu.memory_space<vmem>>
      %dma_start3A_300 = arith.constant 0 : i32
      %dma_start3A_301 = tpu.memref_slice %arg10[%add3A_293, %dma_start3A_300] : memref<64x128xi32, #tpu.memory_space<vmem>> -> memref<1x128xi32, #tpu.memory_space<vmem>>
      %dma_start3A_302 = tpu.memref_squeeze %dma_start3A_301 : memref<1x128xi32, #tpu.memory_space<vmem>> -> memref<128xi32, #tpu.memory_space<vmem>>
      %dma_start3A_303 = arith.constant 0 : i32
      %dma_start3A_304 = arith.constant 0 : i32
      %dma_start3A_305 = tpu.memref_slice %arg8[%dma_start3A_303, %dma_start3A_304] : memref<50048x16xf32, #tpu.memory_space<vmem_shared>> -> memref<50048x16xf32, #tpu.memory_space<vmem_shared>>
      %dma_start3A_306 = tpu.memref_slice %arg16[%dma_start3A_295] : memref<8x!tpu.dma_semaphore, #tpu.memory_space<semaphore_mem>> -> memref<1x!tpu.dma_semaphore, #tpu.memory_space<semaphore_mem>>
      %dma_start3A_307 = tpu.memref_squeeze %dma_start3A_306 : memref<1x!tpu.dma_semaphore, #tpu.memory_space<semaphore_mem>> -> memref<!tpu.dma_semaphore, #tpu.memory_space<semaphore_mem>>
      tpu.enqueue_indirect_dma source(%dma_start3A_299 : memref<128x16xf32, #tpu.memory_space<vmem>>) target(%dma_start3A_305 : memref<50048x16xf32, #tpu.memory_space<vmem_shared>>) offsets(%dma_start3A_302 : memref<128xi32, #tpu.memory_space<vmem>>) semaphore(%dma_start3A_307 : memref<!tpu.dma_semaphore, #tpu.memory_space<semaphore_mem>>) {add = true}
      %dma_wait3A_308 = arith.constant 3 : i32
      %dma_wait3A_309 = arith.constant 3 : i32
      %dma_wait3A_310 = arith.constant 0 : i32
      %dma_wait3A_311 = arith.constant 0 : i32
      %dma_wait3A_312 = tpu.memref_slice %arg13[%dma_wait3A_308, %dma_wait3A_310, %dma_wait3A_311] : memref<8x128x16xf32, #tpu.memory_space<vmem>> -> memref<1x128x16xf32, #tpu.memory_space<vmem>>
      %dma_wait3A_313 = tpu.memref_squeeze %dma_wait3A_312 : memref<1x128x16xf32, #tpu.memory_space<vmem>> -> memref<128x16xf32, #tpu.memory_space<vmem>>
      %dma_wait3A_314 = arith.constant 0 : i32
      %dma_wait3A_315 = tpu.memref_slice %arg9[%add3A_140, %dma_wait3A_314] : memref<64x128xi32, #tpu.memory_space<vmem>> -> memref<1x128xi32, #tpu.memory_space<vmem>>
      %dma_wait3A_316 = tpu.memref_squeeze %dma_wait3A_315 : memref<1x128xi32, #tpu.memory_space<vmem>> -> memref<128xi32, #tpu.memory_space<vmem>>
      %dma_wait3A_317 = arith.constant 0 : i32
      %dma_wait3A_318 = arith.constant 0 : i32
      %dma_wait3A_319 = tpu.memref_slice %arg2[%dma_wait3A_317, %dma_wait3A_318] : memref<50048x16xf32, #tpu.memory_space<hbm>> -> memref<50048x16xf32, #tpu.memory_space<hbm>>
      %dma_wait3A_320 = tpu.memref_slice %arg15[%dma_wait3A_309] : memref<8x!tpu.dma_semaphore, #tpu.memory_space<semaphore_mem>> -> memref<1x!tpu.dma_semaphore, #tpu.memory_space<semaphore_mem>>
      %dma_wait3A_321 = tpu.memref_squeeze %dma_wait3A_320 : memref<1x!tpu.dma_semaphore, #tpu.memory_space<semaphore_mem>> -> memref<!tpu.dma_semaphore, #tpu.memory_space<semaphore_mem>>
      tpu.wait_indirect_dma semaphore(%dma_wait3A_321 : memref<!tpu.dma_semaphore, #tpu.memory_space<semaphore_mem>>) src(%dma_wait3A_319 : memref<50048x16xf32, #tpu.memory_space<hbm>>) dst(%dma_wait3A_313 : memref<128x16xf32, #tpu.memory_space<vmem>>)
      %add3A_322 = arith.constant 3 : i32
      %add3A_323 = arith.addi %mul3A_91, %add3A_322 : i32
      %dma_start3A_324 = arith.constant 3 : i32
      %dma_start3A_325 = arith.constant 3 : i32
      %dma_start3A_326 = arith.constant 0 : i32
      %dma_start3A_327 = arith.constant 0 : i32
      %dma_start3A_328 = tpu.memref_slice %arg13[%dma_start3A_324, %dma_start3A_326, %dma_start3A_327] : memref<8x128x16xf32, #tpu.memory_space<vmem>> -> memref<1x128x16xf32, #tpu.memory_space<vmem>>
      %dma_start3A_329 = tpu.memref_squeeze %dma_start3A_328 : memref<1x128x16xf32, #tpu.memory_space<vmem>> -> memref<128x16xf32, #tpu.memory_space<vmem>>
      %dma_start3A_330 = arith.constant 0 : i32
      %dma_start3A_331 = tpu.memref_slice %arg10[%add3A_323, %dma_start3A_330] : memref<64x128xi32, #tpu.memory_space<vmem>> -> memref<1x128xi32, #tpu.memory_space<vmem>>
      %dma_start3A_332 = tpu.memref_squeeze %dma_start3A_331 : memref<1x128xi32, #tpu.memory_space<vmem>> -> memref<128xi32, #tpu.memory_space<vmem>>
      %dma_start3A_333 = arith.constant 0 : i32
      %dma_start3A_334 = arith.constant 0 : i32
      %dma_start3A_335 = tpu.memref_slice %arg8[%dma_start3A_333, %dma_start3A_334] : memref<50048x16xf32, #tpu.memory_space<vmem_shared>> -> memref<50048x16xf32, #tpu.memory_space<vmem_shared>>
      %dma_start3A_336 = tpu.memref_slice %arg16[%dma_start3A_325] : memref<8x!tpu.dma_semaphore, #tpu.memory_space<semaphore_mem>> -> memref<1x!tpu.dma_semaphore, #tpu.memory_space<semaphore_mem>>
      %dma_start3A_337 = tpu.memref_squeeze %dma_start3A_336 : memref<1x!tpu.dma_semaphore, #tpu.memory_space<semaphore_mem>> -> memref<!tpu.dma_semaphore, #tpu.memory_space<semaphore_mem>>
      tpu.enqueue_indirect_dma source(%dma_start3A_329 : memref<128x16xf32, #tpu.memory_space<vmem>>) target(%dma_start3A_335 : memref<50048x16xf32, #tpu.memory_space<vmem_shared>>) offsets(%dma_start3A_332 : memref<128xi32, #tpu.memory_space<vmem>>) semaphore(%dma_start3A_337 : memref<!tpu.dma_semaphore, #tpu.memory_space<semaphore_mem>>) {add = true}
      %dma_wait3A_338 = arith.constant 4 : i32
      %dma_wait3A_339 = arith.constant 4 : i32
      %dma_wait3A_340 = arith.constant 0 : i32
      %dma_wait3A_341 = arith.constant 0 : i32
      %dma_wait3A_342 = tpu.memref_slice %arg13[%dma_wait3A_338, %dma_wait3A_340, %dma_wait3A_341] : memref<8x128x16xf32, #tpu.memory_space<vmem>> -> memref<1x128x16xf32, #tpu.memory_space<vmem>>
      %dma_wait3A_343 = tpu.memref_squeeze %dma_wait3A_342 : memref<1x128x16xf32, #tpu.memory_space<vmem>> -> memref<128x16xf32, #tpu.memory_space<vmem>>
      %dma_wait3A_344 = arith.constant 0 : i32
      %dma_wait3A_345 = tpu.memref_slice %arg9[%add3A_156, %dma_wait3A_344] : memref<64x128xi32, #tpu.memory_space<vmem>> -> memref<1x128xi32, #tpu.memory_space<vmem>>
      %dma_wait3A_346 = tpu.memref_squeeze %dma_wait3A_345 : memref<1x128xi32, #tpu.memory_space<vmem>> -> memref<128xi32, #tpu.memory_space<vmem>>
      %dma_wait3A_347 = arith.constant 0 : i32
      %dma_wait3A_348 = arith.constant 0 : i32
      %dma_wait3A_349 = tpu.memref_slice %arg2[%dma_wait3A_347, %dma_wait3A_348] : memref<50048x16xf32, #tpu.memory_space<hbm>> -> memref<50048x16xf32, #tpu.memory_space<hbm>>
      %dma_wait3A_350 = tpu.memref_slice %arg15[%dma_wait3A_339] : memref<8x!tpu.dma_semaphore, #tpu.memory_space<semaphore_mem>> -> memref<1x!tpu.dma_semaphore, #tpu.memory_space<semaphore_mem>>
      %dma_wait3A_351 = tpu.memref_squeeze %dma_wait3A_350 : memref<1x!tpu.dma_semaphore, #tpu.memory_space<semaphore_mem>> -> memref<!tpu.dma_semaphore, #tpu.memory_space<semaphore_mem>>
      tpu.wait_indirect_dma semaphore(%dma_wait3A_351 : memref<!tpu.dma_semaphore, #tpu.memory_space<semaphore_mem>>) src(%dma_wait3A_349 : memref<50048x16xf32, #tpu.memory_space<hbm>>) dst(%dma_wait3A_343 : memref<128x16xf32, #tpu.memory_space<vmem>>)
      %add3A_352 = arith.constant 4 : i32
      %add3A_353 = arith.addi %mul3A_91, %add3A_352 : i32
      %dma_start3A_354 = arith.constant 4 : i32
      %dma_start3A_355 = arith.constant 4 : i32
      %dma_start3A_356 = arith.constant 0 : i32
      %dma_start3A_357 = arith.constant 0 : i32
      %dma_start3A_358 = tpu.memref_slice %arg13[%dma_start3A_354, %dma_start3A_356, %dma_start3A_357] : memref<8x128x16xf32, #tpu.memory_space<vmem>> -> memref<1x128x16xf32, #tpu.memory_space<vmem>>
      %dma_start3A_359 = tpu.memref_squeeze %dma_start3A_358 : memref<1x128x16xf32, #tpu.memory_space<vmem>> -> memref<128x16xf32, #tpu.memory_space<vmem>>
      %dma_start3A_360 = arith.constant 0 : i32
      %dma_start3A_361 = tpu.memref_slice %arg10[%add3A_353, %dma_start3A_360] : memref<64x128xi32, #tpu.memory_space<vmem>> -> memref<1x128xi32, #tpu.memory_space<vmem>>
      %dma_start3A_362 = tpu.memref_squeeze %dma_start3A_361 : memref<1x128xi32, #tpu.memory_space<vmem>> -> memref<128xi32, #tpu.memory_space<vmem>>
      %dma_start3A_363 = arith.constant 0 : i32
      %dma_start3A_364 = arith.constant 0 : i32
      %dma_start3A_365 = tpu.memref_slice %arg8[%dma_start3A_363, %dma_start3A_364] : memref<50048x16xf32, #tpu.memory_space<vmem_shared>> -> memref<50048x16xf32, #tpu.memory_space<vmem_shared>>
      %dma_start3A_366 = tpu.memref_slice %arg16[%dma_start3A_355] : memref<8x!tpu.dma_semaphore, #tpu.memory_space<semaphore_mem>> -> memref<1x!tpu.dma_semaphore, #tpu.memory_space<semaphore_mem>>
      %dma_start3A_367 = tpu.memref_squeeze %dma_start3A_366 : memref<1x!tpu.dma_semaphore, #tpu.memory_space<semaphore_mem>> -> memref<!tpu.dma_semaphore, #tpu.memory_space<semaphore_mem>>
      tpu.enqueue_indirect_dma source(%dma_start3A_359 : memref<128x16xf32, #tpu.memory_space<vmem>>) target(%dma_start3A_365 : memref<50048x16xf32, #tpu.memory_space<vmem_shared>>) offsets(%dma_start3A_362 : memref<128xi32, #tpu.memory_space<vmem>>) semaphore(%dma_start3A_367 : memref<!tpu.dma_semaphore, #tpu.memory_space<semaphore_mem>>) {add = true}
      %dma_wait3A_368 = arith.constant 5 : i32
      %dma_wait3A_369 = arith.constant 5 : i32
      %dma_wait3A_370 = arith.constant 0 : i32
      %dma_wait3A_371 = arith.constant 0 : i32
      %dma_wait3A_372 = tpu.memref_slice %arg13[%dma_wait3A_368, %dma_wait3A_370, %dma_wait3A_371] : memref<8x128x16xf32, #tpu.memory_space<vmem>> -> memref<1x128x16xf32, #tpu.memory_space<vmem>>
      %dma_wait3A_373 = tpu.memref_squeeze %dma_wait3A_372 : memref<1x128x16xf32, #tpu.memory_space<vmem>> -> memref<128x16xf32, #tpu.memory_space<vmem>>
      %dma_wait3A_374 = arith.constant 0 : i32
      %dma_wait3A_375 = tpu.memref_slice %arg9[%add3A_172, %dma_wait3A_374] : memref<64x128xi32, #tpu.memory_space<vmem>> -> memref<1x128xi32, #tpu.memory_space<vmem>>
      %dma_wait3A_376 = tpu.memref_squeeze %dma_wait3A_375 : memref<1x128xi32, #tpu.memory_space<vmem>> -> memref<128xi32, #tpu.memory_space<vmem>>
      %dma_wait3A_377 = arith.constant 0 : i32
      %dma_wait3A_378 = arith.constant 0 : i32
      %dma_wait3A_379 = tpu.memref_slice %arg2[%dma_wait3A_377, %dma_wait3A_378] : memref<50048x16xf32, #tpu.memory_space<hbm>> -> memref<50048x16xf32, #tpu.memory_space<hbm>>
      %dma_wait3A_380 = tpu.memref_slice %arg15[%dma_wait3A_369] : memref<8x!tpu.dma_semaphore, #tpu.memory_space<semaphore_mem>> -> memref<1x!tpu.dma_semaphore, #tpu.memory_space<semaphore_mem>>
      %dma_wait3A_381 = tpu.memref_squeeze %dma_wait3A_380 : memref<1x!tpu.dma_semaphore, #tpu.memory_space<semaphore_mem>> -> memref<!tpu.dma_semaphore, #tpu.memory_space<semaphore_mem>>
      tpu.wait_indirect_dma semaphore(%dma_wait3A_381 : memref<!tpu.dma_semaphore, #tpu.memory_space<semaphore_mem>>) src(%dma_wait3A_379 : memref<50048x16xf32, #tpu.memory_space<hbm>>) dst(%dma_wait3A_373 : memref<128x16xf32, #tpu.memory_space<vmem>>)
      %add3A_382 = arith.constant 5 : i32
      %add3A_383 = arith.addi %mul3A_91, %add3A_382 : i32
      %dma_start3A_384 = arith.constant 5 : i32
      %dma_start3A_385 = arith.constant 5 : i32
      %dma_start3A_386 = arith.constant 0 : i32
      %dma_start3A_387 = arith.constant 0 : i32
      %dma_start3A_388 = tpu.memref_slice %arg13[%dma_start3A_384, %dma_start3A_386, %dma_start3A_387] : memref<8x128x16xf32, #tpu.memory_space<vmem>> -> memref<1x128x16xf32, #tpu.memory_space<vmem>>
      %dma_start3A_389 = tpu.memref_squeeze %dma_start3A_388 : memref<1x128x16xf32, #tpu.memory_space<vmem>> -> memref<128x16xf32, #tpu.memory_space<vmem>>
      %dma_start3A_390 = arith.constant 0 : i32
      %dma_start3A_391 = tpu.memref_slice %arg10[%add3A_383, %dma_start3A_390] : memref<64x128xi32, #tpu.memory_space<vmem>> -> memref<1x128xi32, #tpu.memory_space<vmem>>
      %dma_start3A_392 = tpu.memref_squeeze %dma_start3A_391 : memref<1x128xi32, #tpu.memory_space<vmem>> -> memref<128xi32, #tpu.memory_space<vmem>>
      %dma_start3A_393 = arith.constant 0 : i32
      %dma_start3A_394 = arith.constant 0 : i32
      %dma_start3A_395 = tpu.memref_slice %arg8[%dma_start3A_393, %dma_start3A_394] : memref<50048x16xf32, #tpu.memory_space<vmem_shared>> -> memref<50048x16xf32, #tpu.memory_space<vmem_shared>>
      %dma_start3A_396 = tpu.memref_slice %arg16[%dma_start3A_385] : memref<8x!tpu.dma_semaphore, #tpu.memory_space<semaphore_mem>> -> memref<1x!tpu.dma_semaphore, #tpu.memory_space<semaphore_mem>>
      %dma_start3A_397 = tpu.memref_squeeze %dma_start3A_396 : memref<1x!tpu.dma_semaphore, #tpu.memory_space<semaphore_mem>> -> memref<!tpu.dma_semaphore, #tpu.memory_space<semaphore_mem>>
      tpu.enqueue_indirect_dma source(%dma_start3A_389 : memref<128x16xf32, #tpu.memory_space<vmem>>) target(%dma_start3A_395 : memref<50048x16xf32, #tpu.memory_space<vmem_shared>>) offsets(%dma_start3A_392 : memref<128xi32, #tpu.memory_space<vmem>>) semaphore(%dma_start3A_397 : memref<!tpu.dma_semaphore, #tpu.memory_space<semaphore_mem>>) {add = true}
      %dma_wait3A_398 = arith.constant 6 : i32
      %dma_wait3A_399 = arith.constant 6 : i32
      %dma_wait3A_400 = arith.constant 0 : i32
      %dma_wait3A_401 = arith.constant 0 : i32
      %dma_wait3A_402 = tpu.memref_slice %arg13[%dma_wait3A_398, %dma_wait3A_400, %dma_wait3A_401] : memref<8x128x16xf32, #tpu.memory_space<vmem>> -> memref<1x128x16xf32, #tpu.memory_space<vmem>>
      %dma_wait3A_403 = tpu.memref_squeeze %dma_wait3A_402 : memref<1x128x16xf32, #tpu.memory_space<vmem>> -> memref<128x16xf32, #tpu.memory_space<vmem>>
      %dma_wait3A_404 = arith.constant 0 : i32
      %dma_wait3A_405 = tpu.memref_slice %arg9[%add3A_188, %dma_wait3A_404] : memref<64x128xi32, #tpu.memory_space<vmem>> -> memref<1x128xi32, #tpu.memory_space<vmem>>
      %dma_wait3A_406 = tpu.memref_squeeze %dma_wait3A_405 : memref<1x128xi32, #tpu.memory_space<vmem>> -> memref<128xi32, #tpu.memory_space<vmem>>
      %dma_wait3A_407 = arith.constant 0 : i32
      %dma_wait3A_408 = arith.constant 0 : i32
      %dma_wait3A_409 = tpu.memref_slice %arg2[%dma_wait3A_407, %dma_wait3A_408] : memref<50048x16xf32, #tpu.memory_space<hbm>> -> memref<50048x16xf32, #tpu.memory_space<hbm>>
      %dma_wait3A_410 = tpu.memref_slice %arg15[%dma_wait3A_399] : memref<8x!tpu.dma_semaphore, #tpu.memory_space<semaphore_mem>> -> memref<1x!tpu.dma_semaphore, #tpu.memory_space<semaphore_mem>>
      %dma_wait3A_411 = tpu.memref_squeeze %dma_wait3A_410 : memref<1x!tpu.dma_semaphore, #tpu.memory_space<semaphore_mem>> -> memref<!tpu.dma_semaphore, #tpu.memory_space<semaphore_mem>>
      tpu.wait_indirect_dma semaphore(%dma_wait3A_411 : memref<!tpu.dma_semaphore, #tpu.memory_space<semaphore_mem>>) src(%dma_wait3A_409 : memref<50048x16xf32, #tpu.memory_space<hbm>>) dst(%dma_wait3A_403 : memref<128x16xf32, #tpu.memory_space<vmem>>)
      %add3A_412 = arith.constant 6 : i32
      %add3A_413 = arith.addi %mul3A_91, %add3A_412 : i32
      %dma_start3A_414 = arith.constant 6 : i32
      %dma_start3A_415 = arith.constant 6 : i32
      %dma_start3A_416 = arith.constant 0 : i32
      %dma_start3A_417 = arith.constant 0 : i32
      %dma_start3A_418 = tpu.memref_slice %arg13[%dma_start3A_414, %dma_start3A_416, %dma_start3A_417] : memref<8x128x16xf32, #tpu.memory_space<vmem>> -> memref<1x128x16xf32, #tpu.memory_space<vmem>>
      %dma_start3A_419 = tpu.memref_squeeze %dma_start3A_418 : memref<1x128x16xf32, #tpu.memory_space<vmem>> -> memref<128x16xf32, #tpu.memory_space<vmem>>
      %dma_start3A_420 = arith.constant 0 : i32
      %dma_start3A_421 = tpu.memref_slice %arg10[%add3A_413, %dma_start3A_420] : memref<64x128xi32, #tpu.memory_space<vmem>> -> memref<1x128xi32, #tpu.memory_space<vmem>>
      %dma_start3A_422 = tpu.memref_squeeze %dma_start3A_421 : memref<1x128xi32, #tpu.memory_space<vmem>> -> memref<128xi32, #tpu.memory_space<vmem>>
      %dma_start3A_423 = arith.constant 0 : i32
      %dma_start3A_424 = arith.constant 0 : i32
      %dma_start3A_425 = tpu.memref_slice %arg8[%dma_start3A_423, %dma_start3A_424] : memref<50048x16xf32, #tpu.memory_space<vmem_shared>> -> memref<50048x16xf32, #tpu.memory_space<vmem_shared>>
      %dma_start3A_426 = tpu.memref_slice %arg16[%dma_start3A_415] : memref<8x!tpu.dma_semaphore, #tpu.memory_space<semaphore_mem>> -> memref<1x!tpu.dma_semaphore, #tpu.memory_space<semaphore_mem>>
      %dma_start3A_427 = tpu.memref_squeeze %dma_start3A_426 : memref<1x!tpu.dma_semaphore, #tpu.memory_space<semaphore_mem>> -> memref<!tpu.dma_semaphore, #tpu.memory_space<semaphore_mem>>
      tpu.enqueue_indirect_dma source(%dma_start3A_419 : memref<128x16xf32, #tpu.memory_space<vmem>>) target(%dma_start3A_425 : memref<50048x16xf32, #tpu.memory_space<vmem_shared>>) offsets(%dma_start3A_422 : memref<128xi32, #tpu.memory_space<vmem>>) semaphore(%dma_start3A_427 : memref<!tpu.dma_semaphore, #tpu.memory_space<semaphore_mem>>) {add = true}
      %dma_wait3A_428 = arith.constant 7 : i32
      %dma_wait3A_429 = arith.constant 7 : i32
      %dma_wait3A_430 = arith.constant 0 : i32
      %dma_wait3A_431 = arith.constant 0 : i32
      %dma_wait3A_432 = tpu.memref_slice %arg13[%dma_wait3A_428, %dma_wait3A_430, %dma_wait3A_431] : memref<8x128x16xf32, #tpu.memory_space<vmem>> -> memref<1x128x16xf32, #tpu.memory_space<vmem>>
      %dma_wait3A_433 = tpu.memref_squeeze %dma_wait3A_432 : memref<1x128x16xf32, #tpu.memory_space<vmem>> -> memref<128x16xf32, #tpu.memory_space<vmem>>
      %dma_wait3A_434 = arith.constant 0 : i32
      %dma_wait3A_435 = tpu.memref_slice %arg9[%add3A_204, %dma_wait3A_434] : memref<64x128xi32, #tpu.memory_space<vmem>> -> memref<1x128xi32, #tpu.memory_space<vmem>>
      %dma_wait3A_436 = tpu.memref_squeeze %dma_wait3A_435 : memref<1x128xi32, #tpu.memory_space<vmem>> -> memref<128xi32, #tpu.memory_space<vmem>>
      %dma_wait3A_437 = arith.constant 0 : i32
      %dma_wait3A_438 = arith.constant 0 : i32
      %dma_wait3A_439 = tpu.memref_slice %arg2[%dma_wait3A_437, %dma_wait3A_438] : memref<50048x16xf32, #tpu.memory_space<hbm>> -> memref<50048x16xf32, #tpu.memory_space<hbm>>
      %dma_wait3A_440 = tpu.memref_slice %arg15[%dma_wait3A_429] : memref<8x!tpu.dma_semaphore, #tpu.memory_space<semaphore_mem>> -> memref<1x!tpu.dma_semaphore, #tpu.memory_space<semaphore_mem>>
      %dma_wait3A_441 = tpu.memref_squeeze %dma_wait3A_440 : memref<1x!tpu.dma_semaphore, #tpu.memory_space<semaphore_mem>> -> memref<!tpu.dma_semaphore, #tpu.memory_space<semaphore_mem>>
      tpu.wait_indirect_dma semaphore(%dma_wait3A_441 : memref<!tpu.dma_semaphore, #tpu.memory_space<semaphore_mem>>) src(%dma_wait3A_439 : memref<50048x16xf32, #tpu.memory_space<hbm>>) dst(%dma_wait3A_433 : memref<128x16xf32, #tpu.memory_space<vmem>>)
      %add3A_442 = arith.constant 7 : i32
      %add3A_443 = arith.addi %mul3A_91, %add3A_442 : i32
      %dma_start3A_444 = arith.constant 7 : i32
      %dma_start3A_445 = arith.constant 7 : i32
      %dma_start3A_446 = arith.constant 0 : i32
      %dma_start3A_447 = arith.constant 0 : i32
      %dma_start3A_448 = tpu.memref_slice %arg13[%dma_start3A_444, %dma_start3A_446, %dma_start3A_447] : memref<8x128x16xf32, #tpu.memory_space<vmem>> -> memref<1x128x16xf32, #tpu.memory_space<vmem>>
      %dma_start3A_449 = tpu.memref_squeeze %dma_start3A_448 : memref<1x128x16xf32, #tpu.memory_space<vmem>> -> memref<128x16xf32, #tpu.memory_space<vmem>>
      %dma_start3A_450 = arith.constant 0 : i32
      %dma_start3A_451 = tpu.memref_slice %arg10[%add3A_443, %dma_start3A_450] : memref<64x128xi32, #tpu.memory_space<vmem>> -> memref<1x128xi32, #tpu.memory_space<vmem>>
      %dma_start3A_452 = tpu.memref_squeeze %dma_start3A_451 : memref<1x128xi32, #tpu.memory_space<vmem>> -> memref<128xi32, #tpu.memory_space<vmem>>
      %dma_start3A_453 = arith.constant 0 : i32
      %dma_start3A_454 = arith.constant 0 : i32
      %dma_start3A_455 = tpu.memref_slice %arg8[%dma_start3A_453, %dma_start3A_454] : memref<50048x16xf32, #tpu.memory_space<vmem_shared>> -> memref<50048x16xf32, #tpu.memory_space<vmem_shared>>
      %dma_start3A_456 = tpu.memref_slice %arg16[%dma_start3A_445] : memref<8x!tpu.dma_semaphore, #tpu.memory_space<semaphore_mem>> -> memref<1x!tpu.dma_semaphore, #tpu.memory_space<semaphore_mem>>
      %dma_start3A_457 = tpu.memref_squeeze %dma_start3A_456 : memref<1x!tpu.dma_semaphore, #tpu.memory_space<semaphore_mem>> -> memref<!tpu.dma_semaphore, #tpu.memory_space<semaphore_mem>>
      tpu.enqueue_indirect_dma source(%dma_start3A_449 : memref<128x16xf32, #tpu.memory_space<vmem>>) target(%dma_start3A_455 : memref<50048x16xf32, #tpu.memory_space<vmem_shared>>) offsets(%dma_start3A_452 : memref<128xi32, #tpu.memory_space<vmem>>) semaphore(%dma_start3A_457 : memref<!tpu.dma_semaphore, #tpu.memory_space<semaphore_mem>>) {add = true}
      %dma_wait3A_458 = arith.constant 0 : i32
      %dma_wait3A_459 = arith.constant 0 : i32
      %dma_wait3A_460 = arith.constant 0 : i32
      %dma_wait3A_461 = arith.constant 0 : i32
      %dma_wait3A_462 = tpu.memref_slice %arg13[%dma_wait3A_458, %dma_wait3A_460, %dma_wait3A_461] : memref<8x128x16xf32, #tpu.memory_space<vmem>> -> memref<1x128x16xf32, #tpu.memory_space<vmem>>
      %dma_wait3A_463 = tpu.memref_squeeze %dma_wait3A_462 : memref<1x128x16xf32, #tpu.memory_space<vmem>> -> memref<128x16xf32, #tpu.memory_space<vmem>>
      %dma_wait3A_464 = arith.constant 0 : i32
      %dma_wait3A_465 = tpu.memref_slice %arg10[%add3A_233, %dma_wait3A_464] : memref<64x128xi32, #tpu.memory_space<vmem>> -> memref<1x128xi32, #tpu.memory_space<vmem>>
      %dma_wait3A_466 = tpu.memref_squeeze %dma_wait3A_465 : memref<1x128xi32, #tpu.memory_space<vmem>> -> memref<128xi32, #tpu.memory_space<vmem>>
      %dma_wait3A_467 = arith.constant 0 : i32
      %dma_wait3A_468 = arith.constant 0 : i32
      %dma_wait3A_469 = tpu.memref_slice %arg8[%dma_wait3A_467, %dma_wait3A_468] : memref<50048x16xf32, #tpu.memory_space<vmem_shared>> -> memref<50048x16xf32, #tpu.memory_space<vmem_shared>>
      %dma_wait3A_470 = tpu.memref_slice %arg16[%dma_wait3A_459] : memref<8x!tpu.dma_semaphore, #tpu.memory_space<semaphore_mem>> -> memref<1x!tpu.dma_semaphore, #tpu.memory_space<semaphore_mem>>
      %dma_wait3A_471 = tpu.memref_squeeze %dma_wait3A_470 : memref<1x!tpu.dma_semaphore, #tpu.memory_space<semaphore_mem>> -> memref<!tpu.dma_semaphore, #tpu.memory_space<semaphore_mem>>
      tpu.wait_indirect_dma semaphore(%dma_wait3A_471 : memref<!tpu.dma_semaphore, #tpu.memory_space<semaphore_mem>>) src(%dma_wait3A_463 : memref<128x16xf32, #tpu.memory_space<vmem>>) dst(%dma_wait3A_469 : memref<50048x16xf32, #tpu.memory_space<vmem_shared>>)
      %dma_wait3A_472 = arith.constant 1 : i32
      %dma_wait3A_473 = arith.constant 1 : i32
      %dma_wait3A_474 = arith.constant 0 : i32
      %dma_wait3A_475 = arith.constant 0 : i32
      %dma_wait3A_476 = tpu.memref_slice %arg13[%dma_wait3A_472, %dma_wait3A_474, %dma_wait3A_475] : memref<8x128x16xf32, #tpu.memory_space<vmem>> -> memref<1x128x16xf32, #tpu.memory_space<vmem>>
      %dma_wait3A_477 = tpu.memref_squeeze %dma_wait3A_476 : memref<1x128x16xf32, #tpu.memory_space<vmem>> -> memref<128x16xf32, #tpu.memory_space<vmem>>
      %dma_wait3A_478 = arith.constant 0 : i32
      %dma_wait3A_479 = tpu.memref_slice %arg10[%add3A_263, %dma_wait3A_478] : memref<64x128xi32, #tpu.memory_space<vmem>> -> memref<1x128xi32, #tpu.memory_space<vmem>>
      %dma_wait3A_480 = tpu.memref_squeeze %dma_wait3A_479 : memref<1x128xi32, #tpu.memory_space<vmem>> -> memref<128xi32, #tpu.memory_space<vmem>>
      %dma_wait3A_481 = arith.constant 0 : i32
      %dma_wait3A_482 = arith.constant 0 : i32
      %dma_wait3A_483 = tpu.memref_slice %arg8[%dma_wait3A_481, %dma_wait3A_482] : memref<50048x16xf32, #tpu.memory_space<vmem_shared>> -> memref<50048x16xf32, #tpu.memory_space<vmem_shared>>
      %dma_wait3A_484 = tpu.memref_slice %arg16[%dma_wait3A_473] : memref<8x!tpu.dma_semaphore, #tpu.memory_space<semaphore_mem>> -> memref<1x!tpu.dma_semaphore, #tpu.memory_space<semaphore_mem>>
      %dma_wait3A_485 = tpu.memref_squeeze %dma_wait3A_484 : memref<1x!tpu.dma_semaphore, #tpu.memory_space<semaphore_mem>> -> memref<!tpu.dma_semaphore, #tpu.memory_space<semaphore_mem>>
      tpu.wait_indirect_dma semaphore(%dma_wait3A_485 : memref<!tpu.dma_semaphore, #tpu.memory_space<semaphore_mem>>) src(%dma_wait3A_477 : memref<128x16xf32, #tpu.memory_space<vmem>>) dst(%dma_wait3A_483 : memref<50048x16xf32, #tpu.memory_space<vmem_shared>>)
      %dma_wait3A_486 = arith.constant 2 : i32
      %dma_wait3A_487 = arith.constant 2 : i32
      %dma_wait3A_488 = arith.constant 0 : i32
      %dma_wait3A_489 = arith.constant 0 : i32
      %dma_wait3A_490 = tpu.memref_slice %arg13[%dma_wait3A_486, %dma_wait3A_488, %dma_wait3A_489] : memref<8x128x16xf32, #tpu.memory_space<vmem>> -> memref<1x128x16xf32, #tpu.memory_space<vmem>>
      %dma_wait3A_491 = tpu.memref_squeeze %dma_wait3A_490 : memref<1x128x16xf32, #tpu.memory_space<vmem>> -> memref<128x16xf32, #tpu.memory_space<vmem>>
      %dma_wait3A_492 = arith.constant 0 : i32
      %dma_wait3A_493 = tpu.memref_slice %arg10[%add3A_293, %dma_wait3A_492] : memref<64x128xi32, #tpu.memory_space<vmem>> -> memref<1x128xi32, #tpu.memory_space<vmem>>
      %dma_wait3A_494 = tpu.memref_squeeze %dma_wait3A_493 : memref<1x128xi32, #tpu.memory_space<vmem>> -> memref<128xi32, #tpu.memory_space<vmem>>
      %dma_wait3A_495 = arith.constant 0 : i32
      %dma_wait3A_496 = arith.constant 0 : i32
      %dma_wait3A_497 = tpu.memref_slice %arg8[%dma_wait3A_495, %dma_wait3A_496] : memref<50048x16xf32, #tpu.memory_space<vmem_shared>> -> memref<50048x16xf32, #tpu.memory_space<vmem_shared>>
      %dma_wait3A_498 = tpu.memref_slice %arg16[%dma_wait3A_487] : memref<8x!tpu.dma_semaphore, #tpu.memory_space<semaphore_mem>> -> memref<1x!tpu.dma_semaphore, #tpu.memory_space<semaphore_mem>>
      %dma_wait3A_499 = tpu.memref_squeeze %dma_wait3A_498 : memref<1x!tpu.dma_semaphore, #tpu.memory_space<semaphore_mem>> -> memref<!tpu.dma_semaphore, #tpu.memory_space<semaphore_mem>>
      tpu.wait_indirect_dma semaphore(%dma_wait3A_499 : memref<!tpu.dma_semaphore, #tpu.memory_space<semaphore_mem>>) src(%dma_wait3A_491 : memref<128x16xf32, #tpu.memory_space<vmem>>) dst(%dma_wait3A_497 : memref<50048x16xf32, #tpu.memory_space<vmem_shared>>)
      %dma_wait3A_500 = arith.constant 3 : i32
      %dma_wait3A_501 = arith.constant 3 : i32
      %dma_wait3A_502 = arith.constant 0 : i32
      %dma_wait3A_503 = arith.constant 0 : i32
      %dma_wait3A_504 = tpu.memref_slice %arg13[%dma_wait3A_500, %dma_wait3A_502, %dma_wait3A_503] : memref<8x128x16xf32, #tpu.memory_space<vmem>> -> memref<1x128x16xf32, #tpu.memory_space<vmem>>
      %dma_wait3A_505 = tpu.memref_squeeze %dma_wait3A_504 : memref<1x128x16xf32, #tpu.memory_space<vmem>> -> memref<128x16xf32, #tpu.memory_space<vmem>>
      %dma_wait3A_506 = arith.constant 0 : i32
      %dma_wait3A_507 = tpu.memref_slice %arg10[%add3A_323, %dma_wait3A_506] : memref<64x128xi32, #tpu.memory_space<vmem>> -> memref<1x128xi32, #tpu.memory_space<vmem>>
      %dma_wait3A_508 = tpu.memref_squeeze %dma_wait3A_507 : memref<1x128xi32, #tpu.memory_space<vmem>> -> memref<128xi32, #tpu.memory_space<vmem>>
      %dma_wait3A_509 = arith.constant 0 : i32
      %dma_wait3A_510 = arith.constant 0 : i32
      %dma_wait3A_511 = tpu.memref_slice %arg8[%dma_wait3A_509, %dma_wait3A_510] : memref<50048x16xf32, #tpu.memory_space<vmem_shared>> -> memref<50048x16xf32, #tpu.memory_space<vmem_shared>>
      %dma_wait3A_512 = tpu.memref_slice %arg16[%dma_wait3A_501] : memref<8x!tpu.dma_semaphore, #tpu.memory_space<semaphore_mem>> -> memref<1x!tpu.dma_semaphore, #tpu.memory_space<semaphore_mem>>
      %dma_wait3A_513 = tpu.memref_squeeze %dma_wait3A_512 : memref<1x!tpu.dma_semaphore, #tpu.memory_space<semaphore_mem>> -> memref<!tpu.dma_semaphore, #tpu.memory_space<semaphore_mem>>
      tpu.wait_indirect_dma semaphore(%dma_wait3A_513 : memref<!tpu.dma_semaphore, #tpu.memory_space<semaphore_mem>>) src(%dma_wait3A_505 : memref<128x16xf32, #tpu.memory_space<vmem>>) dst(%dma_wait3A_511 : memref<50048x16xf32, #tpu.memory_space<vmem_shared>>)
      %dma_wait3A_514 = arith.constant 4 : i32
      %dma_wait3A_515 = arith.constant 4 : i32
      %dma_wait3A_516 = arith.constant 0 : i32
      %dma_wait3A_517 = arith.constant 0 : i32
      %dma_wait3A_518 = tpu.memref_slice %arg13[%dma_wait3A_514, %dma_wait3A_516, %dma_wait3A_517] : memref<8x128x16xf32, #tpu.memory_space<vmem>> -> memref<1x128x16xf32, #tpu.memory_space<vmem>>
      %dma_wait3A_519 = tpu.memref_squeeze %dma_wait3A_518 : memref<1x128x16xf32, #tpu.memory_space<vmem>> -> memref<128x16xf32, #tpu.memory_space<vmem>>
      %dma_wait3A_520 = arith.constant 0 : i32
      %dma_wait3A_521 = tpu.memref_slice %arg10[%add3A_353, %dma_wait3A_520] : memref<64x128xi32, #tpu.memory_space<vmem>> -> memref<1x128xi32, #tpu.memory_space<vmem>>
      %dma_wait3A_522 = tpu.memref_squeeze %dma_wait3A_521 : memref<1x128xi32, #tpu.memory_space<vmem>> -> memref<128xi32, #tpu.memory_space<vmem>>
      %dma_wait3A_523 = arith.constant 0 : i32
      %dma_wait3A_524 = arith.constant 0 : i32
      %dma_wait3A_525 = tpu.memref_slice %arg8[%dma_wait3A_523, %dma_wait3A_524] : memref<50048x16xf32, #tpu.memory_space<vmem_shared>> -> memref<50048x16xf32, #tpu.memory_space<vmem_shared>>
      %dma_wait3A_526 = tpu.memref_slice %arg16[%dma_wait3A_515] : memref<8x!tpu.dma_semaphore, #tpu.memory_space<semaphore_mem>> -> memref<1x!tpu.dma_semaphore, #tpu.memory_space<semaphore_mem>>
      %dma_wait3A_527 = tpu.memref_squeeze %dma_wait3A_526 : memref<1x!tpu.dma_semaphore, #tpu.memory_space<semaphore_mem>> -> memref<!tpu.dma_semaphore, #tpu.memory_space<semaphore_mem>>
      tpu.wait_indirect_dma semaphore(%dma_wait3A_527 : memref<!tpu.dma_semaphore, #tpu.memory_space<semaphore_mem>>) src(%dma_wait3A_519 : memref<128x16xf32, #tpu.memory_space<vmem>>) dst(%dma_wait3A_525 : memref<50048x16xf32, #tpu.memory_space<vmem_shared>>)
      %dma_wait3A_528 = arith.constant 5 : i32
      %dma_wait3A_529 = arith.constant 5 : i32
      %dma_wait3A_530 = arith.constant 0 : i32
      %dma_wait3A_531 = arith.constant 0 : i32
      %dma_wait3A_532 = tpu.memref_slice %arg13[%dma_wait3A_528, %dma_wait3A_530, %dma_wait3A_531] : memref<8x128x16xf32, #tpu.memory_space<vmem>> -> memref<1x128x16xf32, #tpu.memory_space<vmem>>
      %dma_wait3A_533 = tpu.memref_squeeze %dma_wait3A_532 : memref<1x128x16xf32, #tpu.memory_space<vmem>> -> memref<128x16xf32, #tpu.memory_space<vmem>>
      %dma_wait3A_534 = arith.constant 0 : i32
      %dma_wait3A_535 = tpu.memref_slice %arg10[%add3A_383, %dma_wait3A_534] : memref<64x128xi32, #tpu.memory_space<vmem>> -> memref<1x128xi32, #tpu.memory_space<vmem>>
      %dma_wait3A_536 = tpu.memref_squeeze %dma_wait3A_535 : memref<1x128xi32, #tpu.memory_space<vmem>> -> memref<128xi32, #tpu.memory_space<vmem>>
      %dma_wait3A_537 = arith.constant 0 : i32
      %dma_wait3A_538 = arith.constant 0 : i32
      %dma_wait3A_539 = tpu.memref_slice %arg8[%dma_wait3A_537, %dma_wait3A_538] : memref<50048x16xf32, #tpu.memory_space<vmem_shared>> -> memref<50048x16xf32, #tpu.memory_space<vmem_shared>>
      %dma_wait3A_540 = tpu.memref_slice %arg16[%dma_wait3A_529] : memref<8x!tpu.dma_semaphore, #tpu.memory_space<semaphore_mem>> -> memref<1x!tpu.dma_semaphore, #tpu.memory_space<semaphore_mem>>
      %dma_wait3A_541 = tpu.memref_squeeze %dma_wait3A_540 : memref<1x!tpu.dma_semaphore, #tpu.memory_space<semaphore_mem>> -> memref<!tpu.dma_semaphore, #tpu.memory_space<semaphore_mem>>
      tpu.wait_indirect_dma semaphore(%dma_wait3A_541 : memref<!tpu.dma_semaphore, #tpu.memory_space<semaphore_mem>>) src(%dma_wait3A_533 : memref<128x16xf32, #tpu.memory_space<vmem>>) dst(%dma_wait3A_539 : memref<50048x16xf32, #tpu.memory_space<vmem_shared>>)
      %dma_wait3A_542 = arith.constant 6 : i32
      %dma_wait3A_543 = arith.constant 6 : i32
      %dma_wait3A_544 = arith.constant 0 : i32
      %dma_wait3A_545 = arith.constant 0 : i32
      %dma_wait3A_546 = tpu.memref_slice %arg13[%dma_wait3A_542, %dma_wait3A_544, %dma_wait3A_545] : memref<8x128x16xf32, #tpu.memory_space<vmem>> -> memref<1x128x16xf32, #tpu.memory_space<vmem>>
      %dma_wait3A_547 = tpu.memref_squeeze %dma_wait3A_546 : memref<1x128x16xf32, #tpu.memory_space<vmem>> -> memref<128x16xf32, #tpu.memory_space<vmem>>
      %dma_wait3A_548 = arith.constant 0 : i32
      %dma_wait3A_549 = tpu.memref_slice %arg10[%add3A_413, %dma_wait3A_548] : memref<64x128xi32, #tpu.memory_space<vmem>> -> memref<1x128xi32, #tpu.memory_space<vmem>>
      %dma_wait3A_550 = tpu.memref_squeeze %dma_wait3A_549 : memref<1x128xi32, #tpu.memory_space<vmem>> -> memref<128xi32, #tpu.memory_space<vmem>>
      %dma_wait3A_551 = arith.constant 0 : i32
      %dma_wait3A_552 = arith.constant 0 : i32
      %dma_wait3A_553 = tpu.memref_slice %arg8[%dma_wait3A_551, %dma_wait3A_552] : memref<50048x16xf32, #tpu.memory_space<vmem_shared>> -> memref<50048x16xf32, #tpu.memory_space<vmem_shared>>
      %dma_wait3A_554 = tpu.memref_slice %arg16[%dma_wait3A_543] : memref<8x!tpu.dma_semaphore, #tpu.memory_space<semaphore_mem>> -> memref<1x!tpu.dma_semaphore, #tpu.memory_space<semaphore_mem>>
      %dma_wait3A_555 = tpu.memref_squeeze %dma_wait3A_554 : memref<1x!tpu.dma_semaphore, #tpu.memory_space<semaphore_mem>> -> memref<!tpu.dma_semaphore, #tpu.memory_space<semaphore_mem>>
      tpu.wait_indirect_dma semaphore(%dma_wait3A_555 : memref<!tpu.dma_semaphore, #tpu.memory_space<semaphore_mem>>) src(%dma_wait3A_547 : memref<128x16xf32, #tpu.memory_space<vmem>>) dst(%dma_wait3A_553 : memref<50048x16xf32, #tpu.memory_space<vmem_shared>>)
      %dma_wait3A_556 = arith.constant 7 : i32
      %dma_wait3A_557 = arith.constant 7 : i32
      %dma_wait3A_558 = arith.constant 0 : i32
      %dma_wait3A_559 = arith.constant 0 : i32
      %dma_wait3A_560 = tpu.memref_slice %arg13[%dma_wait3A_556, %dma_wait3A_558, %dma_wait3A_559] : memref<8x128x16xf32, #tpu.memory_space<vmem>> -> memref<1x128x16xf32, #tpu.memory_space<vmem>>
      %dma_wait3A_561 = tpu.memref_squeeze %dma_wait3A_560 : memref<1x128x16xf32, #tpu.memory_space<vmem>> -> memref<128x16xf32, #tpu.memory_space<vmem>>
      %dma_wait3A_562 = arith.constant 0 : i32
      %dma_wait3A_563 = tpu.memref_slice %arg10[%add3A_443, %dma_wait3A_562] : memref<64x128xi32, #tpu.memory_space<vmem>> -> memref<1x128xi32, #tpu.memory_space<vmem>>
      %dma_wait3A_564 = tpu.memref_squeeze %dma_wait3A_563 : memref<1x128xi32, #tpu.memory_space<vmem>> -> memref<128xi32, #tpu.memory_space<vmem>>
      %dma_wait3A_565 = arith.constant 0 : i32
      %dma_wait3A_566 = arith.constant 0 : i32
      %dma_wait3A_567 = tpu.memref_slice %arg8[%dma_wait3A_565, %dma_wait3A_566] : memref<50048x16xf32, #tpu.memory_space<vmem_shared>> -> memref<50048x16xf32, #tpu.memory_space<vmem_shared>>
      %dma_wait3A_568 = tpu.memref_slice %arg16[%dma_wait3A_557] : memref<8x!tpu.dma_semaphore, #tpu.memory_space<semaphore_mem>> -> memref<1x!tpu.dma_semaphore, #tpu.memory_space<semaphore_mem>>
      %dma_wait3A_569 = tpu.memref_squeeze %dma_wait3A_568 : memref<1x!tpu.dma_semaphore, #tpu.memory_space<semaphore_mem>> -> memref<!tpu.dma_semaphore, #tpu.memory_space<semaphore_mem>>
      tpu.wait_indirect_dma semaphore(%dma_wait3A_569 : memref<!tpu.dma_semaphore, #tpu.memory_space<semaphore_mem>>) src(%dma_wait3A_561 : memref<128x16xf32, #tpu.memory_space<vmem>>) dst(%dma_wait3A_567 : memref<50048x16xf32, #tpu.memory_space<vmem_shared>>)
      %scan3A_570 = arith.constant 0 : i32
      scf.yield %scan3A_570 : i32
    }
    %scan3A_72 = arith.constant 8 : i32
    %scan3A_73 = arith.constant 0 : i32
    %scan3A_74 = arith.constant 0 : i32
    %scan3A_75 = arith.constant 4 : i32
    %scan3A_76 = arith.addi %scan3A_74, %scan3A_75 : i32
    %scan3A_77 = arith.constant 1 : i32
    %scan3A_78 = scf.for %scan3A_88 = %scan3A_74 to %scan3A_76 step %scan3A_77 iter_args(%scan3A_89 = %scan3A_73) -> (i32)  : i32 {
      %mul3A_90 = arith.constant 8 : i32
      %mul3A_91 = arith.muli %scan3A_88, %mul3A_90 : i32
      %add3A_92 = arith.constant 0 : i32
      %add3A_93 = arith.addi %mul3A_91, %add3A_92 : i32
      %dma_start3A = arith.constant 0 : i32
      %dma_start3A_94 = arith.constant 0 : i32
      %dma_start3A_95 = arith.constant 0 : i32
      %dma_start3A_96 = arith.constant 0 : i32
      %dma_start3A_97 = tpu.memref_slice %arg13[%dma_start3A, %dma_start3A_95, %dma_start3A_96] : memref<8x128x16xf32, #tpu.memory_space<vmem>> -> memref<1x128x16xf32, #tpu.memory_space<vmem>>
      %dma_start3A_98 = tpu.memref_squeeze %dma_start3A_97 : memref<1x128x16xf32, #tpu.memory_space<vmem>> -> memref<128x16xf32, #tpu.memory_space<vmem>>
      %dma_start3A_99 = arith.constant 0 : i32
      %dma_start3A_100 = tpu.memref_slice %arg11[%add3A_93, %dma_start3A_99] : memref<32x128xi32, #tpu.memory_space<vmem>> -> memref<1x128xi32, #tpu.memory_space<vmem>>
      %dma_start3A_101 = tpu.memref_squeeze %dma_start3A_100 : memref<1x128xi32, #tpu.memory_space<vmem>> -> memref<128xi32, #tpu.memory_space<vmem>>
      %dma_start3A_102 = arith.constant 0 : i32
      %dma_start3A_103 = arith.constant 0 : i32
      %dma_start3A_104 = tpu.memref_slice %arg3[%dma_start3A_102, %dma_start3A_103] : memref<10048x16xf32, #tpu.memory_space<hbm>> -> memref<10048x16xf32, #tpu.memory_space<hbm>>
      %dma_start3A_105 = tpu.memref_slice %arg15[%dma_start3A_94] : memref<8x!tpu.dma_semaphore, #tpu.memory_space<semaphore_mem>> -> memref<1x!tpu.dma_semaphore, #tpu.memory_space<semaphore_mem>>
      %dma_start3A_106 = tpu.memref_squeeze %dma_start3A_105 : memref<1x!tpu.dma_semaphore, #tpu.memory_space<semaphore_mem>> -> memref<!tpu.dma_semaphore, #tpu.memory_space<semaphore_mem>>
      tpu.enqueue_indirect_dma source(%dma_start3A_104 : memref<10048x16xf32, #tpu.memory_space<hbm>>) target(%dma_start3A_98 : memref<128x16xf32, #tpu.memory_space<vmem>>) offsets(%dma_start3A_101 : memref<128xi32, #tpu.memory_space<vmem>>) semaphore(%dma_start3A_106 : memref<!tpu.dma_semaphore, #tpu.memory_space<semaphore_mem>>)
      %add3A_107 = arith.constant 1 : i32
      %add3A_108 = arith.addi %mul3A_91, %add3A_107 : i32
      %dma_start3A_109 = arith.constant 1 : i32
      %dma_start3A_110 = arith.constant 1 : i32
      %dma_start3A_111 = arith.constant 0 : i32
      %dma_start3A_112 = arith.constant 0 : i32
      %dma_start3A_113 = tpu.memref_slice %arg13[%dma_start3A_109, %dma_start3A_111, %dma_start3A_112] : memref<8x128x16xf32, #tpu.memory_space<vmem>> -> memref<1x128x16xf32, #tpu.memory_space<vmem>>
      %dma_start3A_114 = tpu.memref_squeeze %dma_start3A_113 : memref<1x128x16xf32, #tpu.memory_space<vmem>> -> memref<128x16xf32, #tpu.memory_space<vmem>>
      %dma_start3A_115 = arith.constant 0 : i32
      %dma_start3A_116 = tpu.memref_slice %arg11[%add3A_108, %dma_start3A_115] : memref<32x128xi32, #tpu.memory_space<vmem>> -> memref<1x128xi32, #tpu.memory_space<vmem>>
      %dma_start3A_117 = tpu.memref_squeeze %dma_start3A_116 : memref<1x128xi32, #tpu.memory_space<vmem>> -> memref<128xi32, #tpu.memory_space<vmem>>
      %dma_start3A_118 = arith.constant 0 : i32
      %dma_start3A_119 = arith.constant 0 : i32
      %dma_start3A_120 = tpu.memref_slice %arg3[%dma_start3A_118, %dma_start3A_119] : memref<10048x16xf32, #tpu.memory_space<hbm>> -> memref<10048x16xf32, #tpu.memory_space<hbm>>
      %dma_start3A_121 = tpu.memref_slice %arg15[%dma_start3A_110] : memref<8x!tpu.dma_semaphore, #tpu.memory_space<semaphore_mem>> -> memref<1x!tpu.dma_semaphore, #tpu.memory_space<semaphore_mem>>
      %dma_start3A_122 = tpu.memref_squeeze %dma_start3A_121 : memref<1x!tpu.dma_semaphore, #tpu.memory_space<semaphore_mem>> -> memref<!tpu.dma_semaphore, #tpu.memory_space<semaphore_mem>>
      tpu.enqueue_indirect_dma source(%dma_start3A_120 : memref<10048x16xf32, #tpu.memory_space<hbm>>) target(%dma_start3A_114 : memref<128x16xf32, #tpu.memory_space<vmem>>) offsets(%dma_start3A_117 : memref<128xi32, #tpu.memory_space<vmem>>) semaphore(%dma_start3A_122 : memref<!tpu.dma_semaphore, #tpu.memory_space<semaphore_mem>>)
      %add3A_123 = arith.constant 2 : i32
      %add3A_124 = arith.addi %mul3A_91, %add3A_123 : i32
      %dma_start3A_125 = arith.constant 2 : i32
      %dma_start3A_126 = arith.constant 2 : i32
      %dma_start3A_127 = arith.constant 0 : i32
      %dma_start3A_128 = arith.constant 0 : i32
      %dma_start3A_129 = tpu.memref_slice %arg13[%dma_start3A_125, %dma_start3A_127, %dma_start3A_128] : memref<8x128x16xf32, #tpu.memory_space<vmem>> -> memref<1x128x16xf32, #tpu.memory_space<vmem>>
      %dma_start3A_130 = tpu.memref_squeeze %dma_start3A_129 : memref<1x128x16xf32, #tpu.memory_space<vmem>> -> memref<128x16xf32, #tpu.memory_space<vmem>>
      %dma_start3A_131 = arith.constant 0 : i32
      %dma_start3A_132 = tpu.memref_slice %arg11[%add3A_124, %dma_start3A_131] : memref<32x128xi32, #tpu.memory_space<vmem>> -> memref<1x128xi32, #tpu.memory_space<vmem>>
      %dma_start3A_133 = tpu.memref_squeeze %dma_start3A_132 : memref<1x128xi32, #tpu.memory_space<vmem>> -> memref<128xi32, #tpu.memory_space<vmem>>
      %dma_start3A_134 = arith.constant 0 : i32
      %dma_start3A_135 = arith.constant 0 : i32
      %dma_start3A_136 = tpu.memref_slice %arg3[%dma_start3A_134, %dma_start3A_135] : memref<10048x16xf32, #tpu.memory_space<hbm>> -> memref<10048x16xf32, #tpu.memory_space<hbm>>
      %dma_start3A_137 = tpu.memref_slice %arg15[%dma_start3A_126] : memref<8x!tpu.dma_semaphore, #tpu.memory_space<semaphore_mem>> -> memref<1x!tpu.dma_semaphore, #tpu.memory_space<semaphore_mem>>
      %dma_start3A_138 = tpu.memref_squeeze %dma_start3A_137 : memref<1x!tpu.dma_semaphore, #tpu.memory_space<semaphore_mem>> -> memref<!tpu.dma_semaphore, #tpu.memory_space<semaphore_mem>>
      tpu.enqueue_indirect_dma source(%dma_start3A_136 : memref<10048x16xf32, #tpu.memory_space<hbm>>) target(%dma_start3A_130 : memref<128x16xf32, #tpu.memory_space<vmem>>) offsets(%dma_start3A_133 : memref<128xi32, #tpu.memory_space<vmem>>) semaphore(%dma_start3A_138 : memref<!tpu.dma_semaphore, #tpu.memory_space<semaphore_mem>>)
      %add3A_139 = arith.constant 3 : i32
      %add3A_140 = arith.addi %mul3A_91, %add3A_139 : i32
      %dma_start3A_141 = arith.constant 3 : i32
      %dma_start3A_142 = arith.constant 3 : i32
      %dma_start3A_143 = arith.constant 0 : i32
      %dma_start3A_144 = arith.constant 0 : i32
      %dma_start3A_145 = tpu.memref_slice %arg13[%dma_start3A_141, %dma_start3A_143, %dma_start3A_144] : memref<8x128x16xf32, #tpu.memory_space<vmem>> -> memref<1x128x16xf32, #tpu.memory_space<vmem>>
      %dma_start3A_146 = tpu.memref_squeeze %dma_start3A_145 : memref<1x128x16xf32, #tpu.memory_space<vmem>> -> memref<128x16xf32, #tpu.memory_space<vmem>>
      %dma_start3A_147 = arith.constant 0 : i32
      %dma_start3A_148 = tpu.memref_slice %arg11[%add3A_140, %dma_start3A_147] : memref<32x128xi32, #tpu.memory_space<vmem>> -> memref<1x128xi32, #tpu.memory_space<vmem>>
      %dma_start3A_149 = tpu.memref_squeeze %dma_start3A_148 : memref<1x128xi32, #tpu.memory_space<vmem>> -> memref<128xi32, #tpu.memory_space<vmem>>
      %dma_start3A_150 = arith.constant 0 : i32
      %dma_start3A_151 = arith.constant 0 : i32
      %dma_start3A_152 = tpu.memref_slice %arg3[%dma_start3A_150, %dma_start3A_151] : memref<10048x16xf32, #tpu.memory_space<hbm>> -> memref<10048x16xf32, #tpu.memory_space<hbm>>
      %dma_start3A_153 = tpu.memref_slice %arg15[%dma_start3A_142] : memref<8x!tpu.dma_semaphore, #tpu.memory_space<semaphore_mem>> -> memref<1x!tpu.dma_semaphore, #tpu.memory_space<semaphore_mem>>
      %dma_start3A_154 = tpu.memref_squeeze %dma_start3A_153 : memref<1x!tpu.dma_semaphore, #tpu.memory_space<semaphore_mem>> -> memref<!tpu.dma_semaphore, #tpu.memory_space<semaphore_mem>>
      tpu.enqueue_indirect_dma source(%dma_start3A_152 : memref<10048x16xf32, #tpu.memory_space<hbm>>) target(%dma_start3A_146 : memref<128x16xf32, #tpu.memory_space<vmem>>) offsets(%dma_start3A_149 : memref<128xi32, #tpu.memory_space<vmem>>) semaphore(%dma_start3A_154 : memref<!tpu.dma_semaphore, #tpu.memory_space<semaphore_mem>>)
      %add3A_155 = arith.constant 4 : i32
      %add3A_156 = arith.addi %mul3A_91, %add3A_155 : i32
      %dma_start3A_157 = arith.constant 4 : i32
      %dma_start3A_158 = arith.constant 4 : i32
      %dma_start3A_159 = arith.constant 0 : i32
      %dma_start3A_160 = arith.constant 0 : i32
      %dma_start3A_161 = tpu.memref_slice %arg13[%dma_start3A_157, %dma_start3A_159, %dma_start3A_160] : memref<8x128x16xf32, #tpu.memory_space<vmem>> -> memref<1x128x16xf32, #tpu.memory_space<vmem>>
      %dma_start3A_162 = tpu.memref_squeeze %dma_start3A_161 : memref<1x128x16xf32, #tpu.memory_space<vmem>> -> memref<128x16xf32, #tpu.memory_space<vmem>>
      %dma_start3A_163 = arith.constant 0 : i32
      %dma_start3A_164 = tpu.memref_slice %arg11[%add3A_156, %dma_start3A_163] : memref<32x128xi32, #tpu.memory_space<vmem>> -> memref<1x128xi32, #tpu.memory_space<vmem>>
      %dma_start3A_165 = tpu.memref_squeeze %dma_start3A_164 : memref<1x128xi32, #tpu.memory_space<vmem>> -> memref<128xi32, #tpu.memory_space<vmem>>
      %dma_start3A_166 = arith.constant 0 : i32
      %dma_start3A_167 = arith.constant 0 : i32
      %dma_start3A_168 = tpu.memref_slice %arg3[%dma_start3A_166, %dma_start3A_167] : memref<10048x16xf32, #tpu.memory_space<hbm>> -> memref<10048x16xf32, #tpu.memory_space<hbm>>
      %dma_start3A_169 = tpu.memref_slice %arg15[%dma_start3A_158] : memref<8x!tpu.dma_semaphore, #tpu.memory_space<semaphore_mem>> -> memref<1x!tpu.dma_semaphore, #tpu.memory_space<semaphore_mem>>
      %dma_start3A_170 = tpu.memref_squeeze %dma_start3A_169 : memref<1x!tpu.dma_semaphore, #tpu.memory_space<semaphore_mem>> -> memref<!tpu.dma_semaphore, #tpu.memory_space<semaphore_mem>>
      tpu.enqueue_indirect_dma source(%dma_start3A_168 : memref<10048x16xf32, #tpu.memory_space<hbm>>) target(%dma_start3A_162 : memref<128x16xf32, #tpu.memory_space<vmem>>) offsets(%dma_start3A_165 : memref<128xi32, #tpu.memory_space<vmem>>) semaphore(%dma_start3A_170 : memref<!tpu.dma_semaphore, #tpu.memory_space<semaphore_mem>>)
      %add3A_171 = arith.constant 5 : i32
      %add3A_172 = arith.addi %mul3A_91, %add3A_171 : i32
      %dma_start3A_173 = arith.constant 5 : i32
      %dma_start3A_174 = arith.constant 5 : i32
      %dma_start3A_175 = arith.constant 0 : i32
      %dma_start3A_176 = arith.constant 0 : i32
      %dma_start3A_177 = tpu.memref_slice %arg13[%dma_start3A_173, %dma_start3A_175, %dma_start3A_176] : memref<8x128x16xf32, #tpu.memory_space<vmem>> -> memref<1x128x16xf32, #tpu.memory_space<vmem>>
      %dma_start3A_178 = tpu.memref_squeeze %dma_start3A_177 : memref<1x128x16xf32, #tpu.memory_space<vmem>> -> memref<128x16xf32, #tpu.memory_space<vmem>>
      %dma_start3A_179 = arith.constant 0 : i32
      %dma_start3A_180 = tpu.memref_slice %arg11[%add3A_172, %dma_start3A_179] : memref<32x128xi32, #tpu.memory_space<vmem>> -> memref<1x128xi32, #tpu.memory_space<vmem>>
      %dma_start3A_181 = tpu.memref_squeeze %dma_start3A_180 : memref<1x128xi32, #tpu.memory_space<vmem>> -> memref<128xi32, #tpu.memory_space<vmem>>
      %dma_start3A_182 = arith.constant 0 : i32
      %dma_start3A_183 = arith.constant 0 : i32
      %dma_start3A_184 = tpu.memref_slice %arg3[%dma_start3A_182, %dma_start3A_183] : memref<10048x16xf32, #tpu.memory_space<hbm>> -> memref<10048x16xf32, #tpu.memory_space<hbm>>
      %dma_start3A_185 = tpu.memref_slice %arg15[%dma_start3A_174] : memref<8x!tpu.dma_semaphore, #tpu.memory_space<semaphore_mem>> -> memref<1x!tpu.dma_semaphore, #tpu.memory_space<semaphore_mem>>
      %dma_start3A_186 = tpu.memref_squeeze %dma_start3A_185 : memref<1x!tpu.dma_semaphore, #tpu.memory_space<semaphore_mem>> -> memref<!tpu.dma_semaphore, #tpu.memory_space<semaphore_mem>>
      tpu.enqueue_indirect_dma source(%dma_start3A_184 : memref<10048x16xf32, #tpu.memory_space<hbm>>) target(%dma_start3A_178 : memref<128x16xf32, #tpu.memory_space<vmem>>) offsets(%dma_start3A_181 : memref<128xi32, #tpu.memory_space<vmem>>) semaphore(%dma_start3A_186 : memref<!tpu.dma_semaphore, #tpu.memory_space<semaphore_mem>>)
      %add3A_187 = arith.constant 6 : i32
      %add3A_188 = arith.addi %mul3A_91, %add3A_187 : i32
      %dma_start3A_189 = arith.constant 6 : i32
      %dma_start3A_190 = arith.constant 6 : i32
      %dma_start3A_191 = arith.constant 0 : i32
      %dma_start3A_192 = arith.constant 0 : i32
      %dma_start3A_193 = tpu.memref_slice %arg13[%dma_start3A_189, %dma_start3A_191, %dma_start3A_192] : memref<8x128x16xf32, #tpu.memory_space<vmem>> -> memref<1x128x16xf32, #tpu.memory_space<vmem>>
      %dma_start3A_194 = tpu.memref_squeeze %dma_start3A_193 : memref<1x128x16xf32, #tpu.memory_space<vmem>> -> memref<128x16xf32, #tpu.memory_space<vmem>>
      %dma_start3A_195 = arith.constant 0 : i32
      %dma_start3A_196 = tpu.memref_slice %arg11[%add3A_188, %dma_start3A_195] : memref<32x128xi32, #tpu.memory_space<vmem>> -> memref<1x128xi32, #tpu.memory_space<vmem>>
      %dma_start3A_197 = tpu.memref_squeeze %dma_start3A_196 : memref<1x128xi32, #tpu.memory_space<vmem>> -> memref<128xi32, #tpu.memory_space<vmem>>
      %dma_start3A_198 = arith.constant 0 : i32
      %dma_start3A_199 = arith.constant 0 : i32
      %dma_start3A_200 = tpu.memref_slice %arg3[%dma_start3A_198, %dma_start3A_199] : memref<10048x16xf32, #tpu.memory_space<hbm>> -> memref<10048x16xf32, #tpu.memory_space<hbm>>
      %dma_start3A_201 = tpu.memref_slice %arg15[%dma_start3A_190] : memref<8x!tpu.dma_semaphore, #tpu.memory_space<semaphore_mem>> -> memref<1x!tpu.dma_semaphore, #tpu.memory_space<semaphore_mem>>
      %dma_start3A_202 = tpu.memref_squeeze %dma_start3A_201 : memref<1x!tpu.dma_semaphore, #tpu.memory_space<semaphore_mem>> -> memref<!tpu.dma_semaphore, #tpu.memory_space<semaphore_mem>>
      tpu.enqueue_indirect_dma source(%dma_start3A_200 : memref<10048x16xf32, #tpu.memory_space<hbm>>) target(%dma_start3A_194 : memref<128x16xf32, #tpu.memory_space<vmem>>) offsets(%dma_start3A_197 : memref<128xi32, #tpu.memory_space<vmem>>) semaphore(%dma_start3A_202 : memref<!tpu.dma_semaphore, #tpu.memory_space<semaphore_mem>>)
      %add3A_203 = arith.constant 7 : i32
      %add3A_204 = arith.addi %mul3A_91, %add3A_203 : i32
      %dma_start3A_205 = arith.constant 7 : i32
      %dma_start3A_206 = arith.constant 7 : i32
      %dma_start3A_207 = arith.constant 0 : i32
      %dma_start3A_208 = arith.constant 0 : i32
      %dma_start3A_209 = tpu.memref_slice %arg13[%dma_start3A_205, %dma_start3A_207, %dma_start3A_208] : memref<8x128x16xf32, #tpu.memory_space<vmem>> -> memref<1x128x16xf32, #tpu.memory_space<vmem>>
      %dma_start3A_210 = tpu.memref_squeeze %dma_start3A_209 : memref<1x128x16xf32, #tpu.memory_space<vmem>> -> memref<128x16xf32, #tpu.memory_space<vmem>>
      %dma_start3A_211 = arith.constant 0 : i32
      %dma_start3A_212 = tpu.memref_slice %arg11[%add3A_204, %dma_start3A_211] : memref<32x128xi32, #tpu.memory_space<vmem>> -> memref<1x128xi32, #tpu.memory_space<vmem>>
      %dma_start3A_213 = tpu.memref_squeeze %dma_start3A_212 : memref<1x128xi32, #tpu.memory_space<vmem>> -> memref<128xi32, #tpu.memory_space<vmem>>
      %dma_start3A_214 = arith.constant 0 : i32
      %dma_start3A_215 = arith.constant 0 : i32
      %dma_start3A_216 = tpu.memref_slice %arg3[%dma_start3A_214, %dma_start3A_215] : memref<10048x16xf32, #tpu.memory_space<hbm>> -> memref<10048x16xf32, #tpu.memory_space<hbm>>
      %dma_start3A_217 = tpu.memref_slice %arg15[%dma_start3A_206] : memref<8x!tpu.dma_semaphore, #tpu.memory_space<semaphore_mem>> -> memref<1x!tpu.dma_semaphore, #tpu.memory_space<semaphore_mem>>
      %dma_start3A_218 = tpu.memref_squeeze %dma_start3A_217 : memref<1x!tpu.dma_semaphore, #tpu.memory_space<semaphore_mem>> -> memref<!tpu.dma_semaphore, #tpu.memory_space<semaphore_mem>>
      tpu.enqueue_indirect_dma source(%dma_start3A_216 : memref<10048x16xf32, #tpu.memory_space<hbm>>) target(%dma_start3A_210 : memref<128x16xf32, #tpu.memory_space<vmem>>) offsets(%dma_start3A_213 : memref<128xi32, #tpu.memory_space<vmem>>) semaphore(%dma_start3A_218 : memref<!tpu.dma_semaphore, #tpu.memory_space<semaphore_mem>>)
      %dma_wait3A = arith.constant 0 : i32
      %dma_wait3A_219 = arith.constant 0 : i32
      %dma_wait3A_220 = arith.constant 0 : i32
      %dma_wait3A_221 = arith.constant 0 : i32
      %dma_wait3A_222 = tpu.memref_slice %arg13[%dma_wait3A, %dma_wait3A_220, %dma_wait3A_221] : memref<8x128x16xf32, #tpu.memory_space<vmem>> -> memref<1x128x16xf32, #tpu.memory_space<vmem>>
      %dma_wait3A_223 = tpu.memref_squeeze %dma_wait3A_222 : memref<1x128x16xf32, #tpu.memory_space<vmem>> -> memref<128x16xf32, #tpu.memory_space<vmem>>
      %dma_wait3A_224 = arith.constant 0 : i32
      %dma_wait3A_225 = tpu.memref_slice %arg11[%add3A_93, %dma_wait3A_224] : memref<32x128xi32, #tpu.memory_space<vmem>> -> memref<1x128xi32, #tpu.memory_space<vmem>>
      %dma_wait3A_226 = tpu.memref_squeeze %dma_wait3A_225 : memref<1x128xi32, #tpu.memory_space<vmem>> -> memref<128xi32, #tpu.memory_space<vmem>>
      %dma_wait3A_227 = arith.constant 0 : i32
      %dma_wait3A_228 = arith.constant 0 : i32
      %dma_wait3A_229 = tpu.memref_slice %arg3[%dma_wait3A_227, %dma_wait3A_228] : memref<10048x16xf32, #tpu.memory_space<hbm>> -> memref<10048x16xf32, #tpu.memory_space<hbm>>
      %dma_wait3A_230 = tpu.memref_slice %arg15[%dma_wait3A_219] : memref<8x!tpu.dma_semaphore, #tpu.memory_space<semaphore_mem>> -> memref<1x!tpu.dma_semaphore, #tpu.memory_space<semaphore_mem>>
      %dma_wait3A_231 = tpu.memref_squeeze %dma_wait3A_230 : memref<1x!tpu.dma_semaphore, #tpu.memory_space<semaphore_mem>> -> memref<!tpu.dma_semaphore, #tpu.memory_space<semaphore_mem>>
      tpu.wait_indirect_dma semaphore(%dma_wait3A_231 : memref<!tpu.dma_semaphore, #tpu.memory_space<semaphore_mem>>) src(%dma_wait3A_229 : memref<10048x16xf32, #tpu.memory_space<hbm>>) dst(%dma_wait3A_223 : memref<128x16xf32, #tpu.memory_space<vmem>>)
      %add3A_232 = arith.constant 0 : i32
      %add3A_233 = arith.addi %mul3A_91, %add3A_232 : i32
      %dma_start3A_234 = arith.constant 0 : i32
      %dma_start3A_235 = arith.constant 0 : i32
      %dma_start3A_236 = arith.constant 0 : i32
      %dma_start3A_237 = arith.constant 0 : i32
      %dma_start3A_238 = tpu.memref_slice %arg13[%dma_start3A_234, %dma_start3A_236, %dma_start3A_237] : memref<8x128x16xf32, #tpu.memory_space<vmem>> -> memref<1x128x16xf32, #tpu.memory_space<vmem>>
      %dma_start3A_239 = tpu.memref_squeeze %dma_start3A_238 : memref<1x128x16xf32, #tpu.memory_space<vmem>> -> memref<128x16xf32, #tpu.memory_space<vmem>>
      %dma_start3A_240 = arith.constant 0 : i32
      %dma_start3A_241 = tpu.memref_slice %arg12[%add3A_233, %dma_start3A_240] : memref<32x128xi32, #tpu.memory_space<vmem>> -> memref<1x128xi32, #tpu.memory_space<vmem>>
      %dma_start3A_242 = tpu.memref_squeeze %dma_start3A_241 : memref<1x128xi32, #tpu.memory_space<vmem>> -> memref<128xi32, #tpu.memory_space<vmem>>
      %dma_start3A_243 = arith.constant 0 : i32
      %dma_start3A_244 = arith.constant 0 : i32
      %dma_start3A_245 = tpu.memref_slice %arg8[%dma_start3A_243, %dma_start3A_244] : memref<50048x16xf32, #tpu.memory_space<vmem_shared>> -> memref<50048x16xf32, #tpu.memory_space<vmem_shared>>
      %dma_start3A_246 = tpu.memref_slice %arg16[%dma_start3A_235] : memref<8x!tpu.dma_semaphore, #tpu.memory_space<semaphore_mem>> -> memref<1x!tpu.dma_semaphore, #tpu.memory_space<semaphore_mem>>
      %dma_start3A_247 = tpu.memref_squeeze %dma_start3A_246 : memref<1x!tpu.dma_semaphore, #tpu.memory_space<semaphore_mem>> -> memref<!tpu.dma_semaphore, #tpu.memory_space<semaphore_mem>>
      tpu.enqueue_indirect_dma source(%dma_start3A_239 : memref<128x16xf32, #tpu.memory_space<vmem>>) target(%dma_start3A_245 : memref<50048x16xf32, #tpu.memory_space<vmem_shared>>) offsets(%dma_start3A_242 : memref<128xi32, #tpu.memory_space<vmem>>) semaphore(%dma_start3A_247 : memref<!tpu.dma_semaphore, #tpu.memory_space<semaphore_mem>>) {add = true}
      %dma_wait3A_248 = arith.constant 1 : i32
      %dma_wait3A_249 = arith.constant 1 : i32
      %dma_wait3A_250 = arith.constant 0 : i32
      %dma_wait3A_251 = arith.constant 0 : i32
      %dma_wait3A_252 = tpu.memref_slice %arg13[%dma_wait3A_248, %dma_wait3A_250, %dma_wait3A_251] : memref<8x128x16xf32, #tpu.memory_space<vmem>> -> memref<1x128x16xf32, #tpu.memory_space<vmem>>
      %dma_wait3A_253 = tpu.memref_squeeze %dma_wait3A_252 : memref<1x128x16xf32, #tpu.memory_space<vmem>> -> memref<128x16xf32, #tpu.memory_space<vmem>>
      %dma_wait3A_254 = arith.constant 0 : i32
      %dma_wait3A_255 = tpu.memref_slice %arg11[%add3A_108, %dma_wait3A_254] : memref<32x128xi32, #tpu.memory_space<vmem>> -> memref<1x128xi32, #tpu.memory_space<vmem>>
      %dma_wait3A_256 = tpu.memref_squeeze %dma_wait3A_255 : memref<1x128xi32, #tpu.memory_space<vmem>> -> memref<128xi32, #tpu.memory_space<vmem>>
      %dma_wait3A_257 = arith.constant 0 : i32
      %dma_wait3A_258 = arith.constant 0 : i32
      %dma_wait3A_259 = tpu.memref_slice %arg3[%dma_wait3A_257, %dma_wait3A_258] : memref<10048x16xf32, #tpu.memory_space<hbm>> -> memref<10048x16xf32, #tpu.memory_space<hbm>>
      %dma_wait3A_260 = tpu.memref_slice %arg15[%dma_wait3A_249] : memref<8x!tpu.dma_semaphore, #tpu.memory_space<semaphore_mem>> -> memref<1x!tpu.dma_semaphore, #tpu.memory_space<semaphore_mem>>
      %dma_wait3A_261 = tpu.memref_squeeze %dma_wait3A_260 : memref<1x!tpu.dma_semaphore, #tpu.memory_space<semaphore_mem>> -> memref<!tpu.dma_semaphore, #tpu.memory_space<semaphore_mem>>
      tpu.wait_indirect_dma semaphore(%dma_wait3A_261 : memref<!tpu.dma_semaphore, #tpu.memory_space<semaphore_mem>>) src(%dma_wait3A_259 : memref<10048x16xf32, #tpu.memory_space<hbm>>) dst(%dma_wait3A_253 : memref<128x16xf32, #tpu.memory_space<vmem>>)
      %add3A_262 = arith.constant 1 : i32
      %add3A_263 = arith.addi %mul3A_91, %add3A_262 : i32
      %dma_start3A_264 = arith.constant 1 : i32
      %dma_start3A_265 = arith.constant 1 : i32
      %dma_start3A_266 = arith.constant 0 : i32
      %dma_start3A_267 = arith.constant 0 : i32
      %dma_start3A_268 = tpu.memref_slice %arg13[%dma_start3A_264, %dma_start3A_266, %dma_start3A_267] : memref<8x128x16xf32, #tpu.memory_space<vmem>> -> memref<1x128x16xf32, #tpu.memory_space<vmem>>
      %dma_start3A_269 = tpu.memref_squeeze %dma_start3A_268 : memref<1x128x16xf32, #tpu.memory_space<vmem>> -> memref<128x16xf32, #tpu.memory_space<vmem>>
      %dma_start3A_270 = arith.constant 0 : i32
      %dma_start3A_271 = tpu.memref_slice %arg12[%add3A_263, %dma_start3A_270] : memref<32x128xi32, #tpu.memory_space<vmem>> -> memref<1x128xi32, #tpu.memory_space<vmem>>
      %dma_start3A_272 = tpu.memref_squeeze %dma_start3A_271 : memref<1x128xi32, #tpu.memory_space<vmem>> -> memref<128xi32, #tpu.memory_space<vmem>>
      %dma_start3A_273 = arith.constant 0 : i32
      %dma_start3A_274 = arith.constant 0 : i32
      %dma_start3A_275 = tpu.memref_slice %arg8[%dma_start3A_273, %dma_start3A_274] : memref<50048x16xf32, #tpu.memory_space<vmem_shared>> -> memref<50048x16xf32, #tpu.memory_space<vmem_shared>>
      %dma_start3A_276 = tpu.memref_slice %arg16[%dma_start3A_265] : memref<8x!tpu.dma_semaphore, #tpu.memory_space<semaphore_mem>> -> memref<1x!tpu.dma_semaphore, #tpu.memory_space<semaphore_mem>>
      %dma_start3A_277 = tpu.memref_squeeze %dma_start3A_276 : memref<1x!tpu.dma_semaphore, #tpu.memory_space<semaphore_mem>> -> memref<!tpu.dma_semaphore, #tpu.memory_space<semaphore_mem>>
      tpu.enqueue_indirect_dma source(%dma_start3A_269 : memref<128x16xf32, #tpu.memory_space<vmem>>) target(%dma_start3A_275 : memref<50048x16xf32, #tpu.memory_space<vmem_shared>>) offsets(%dma_start3A_272 : memref<128xi32, #tpu.memory_space<vmem>>) semaphore(%dma_start3A_277 : memref<!tpu.dma_semaphore, #tpu.memory_space<semaphore_mem>>) {add = true}
      %dma_wait3A_278 = arith.constant 2 : i32
      %dma_wait3A_279 = arith.constant 2 : i32
      %dma_wait3A_280 = arith.constant 0 : i32
      %dma_wait3A_281 = arith.constant 0 : i32
      %dma_wait3A_282 = tpu.memref_slice %arg13[%dma_wait3A_278, %dma_wait3A_280, %dma_wait3A_281] : memref<8x128x16xf32, #tpu.memory_space<vmem>> -> memref<1x128x16xf32, #tpu.memory_space<vmem>>
      %dma_wait3A_283 = tpu.memref_squeeze %dma_wait3A_282 : memref<1x128x16xf32, #tpu.memory_space<vmem>> -> memref<128x16xf32, #tpu.memory_space<vmem>>
      %dma_wait3A_284 = arith.constant 0 : i32
      %dma_wait3A_285 = tpu.memref_slice %arg11[%add3A_124, %dma_wait3A_284] : memref<32x128xi32, #tpu.memory_space<vmem>> -> memref<1x128xi32, #tpu.memory_space<vmem>>
      %dma_wait3A_286 = tpu.memref_squeeze %dma_wait3A_285 : memref<1x128xi32, #tpu.memory_space<vmem>> -> memref<128xi32, #tpu.memory_space<vmem>>
      %dma_wait3A_287 = arith.constant 0 : i32
      %dma_wait3A_288 = arith.constant 0 : i32
      %dma_wait3A_289 = tpu.memref_slice %arg3[%dma_wait3A_287, %dma_wait3A_288] : memref<10048x16xf32, #tpu.memory_space<hbm>> -> memref<10048x16xf32, #tpu.memory_space<hbm>>
      %dma_wait3A_290 = tpu.memref_slice %arg15[%dma_wait3A_279] : memref<8x!tpu.dma_semaphore, #tpu.memory_space<semaphore_mem>> -> memref<1x!tpu.dma_semaphore, #tpu.memory_space<semaphore_mem>>
      %dma_wait3A_291 = tpu.memref_squeeze %dma_wait3A_290 : memref<1x!tpu.dma_semaphore, #tpu.memory_space<semaphore_mem>> -> memref<!tpu.dma_semaphore, #tpu.memory_space<semaphore_mem>>
      tpu.wait_indirect_dma semaphore(%dma_wait3A_291 : memref<!tpu.dma_semaphore, #tpu.memory_space<semaphore_mem>>) src(%dma_wait3A_289 : memref<10048x16xf32, #tpu.memory_space<hbm>>) dst(%dma_wait3A_283 : memref<128x16xf32, #tpu.memory_space<vmem>>)
      %add3A_292 = arith.constant 2 : i32
      %add3A_293 = arith.addi %mul3A_91, %add3A_292 : i32
      %dma_start3A_294 = arith.constant 2 : i32
      %dma_start3A_295 = arith.constant 2 : i32
      %dma_start3A_296 = arith.constant 0 : i32
      %dma_start3A_297 = arith.constant 0 : i32
      %dma_start3A_298 = tpu.memref_slice %arg13[%dma_start3A_294, %dma_start3A_296, %dma_start3A_297] : memref<8x128x16xf32, #tpu.memory_space<vmem>> -> memref<1x128x16xf32, #tpu.memory_space<vmem>>
      %dma_start3A_299 = tpu.memref_squeeze %dma_start3A_298 : memref<1x128x16xf32, #tpu.memory_space<vmem>> -> memref<128x16xf32, #tpu.memory_space<vmem>>
      %dma_start3A_300 = arith.constant 0 : i32
      %dma_start3A_301 = tpu.memref_slice %arg12[%add3A_293, %dma_start3A_300] : memref<32x128xi32, #tpu.memory_space<vmem>> -> memref<1x128xi32, #tpu.memory_space<vmem>>
      %dma_start3A_302 = tpu.memref_squeeze %dma_start3A_301 : memref<1x128xi32, #tpu.memory_space<vmem>> -> memref<128xi32, #tpu.memory_space<vmem>>
      %dma_start3A_303 = arith.constant 0 : i32
      %dma_start3A_304 = arith.constant 0 : i32
      %dma_start3A_305 = tpu.memref_slice %arg8[%dma_start3A_303, %dma_start3A_304] : memref<50048x16xf32, #tpu.memory_space<vmem_shared>> -> memref<50048x16xf32, #tpu.memory_space<vmem_shared>>
      %dma_start3A_306 = tpu.memref_slice %arg16[%dma_start3A_295] : memref<8x!tpu.dma_semaphore, #tpu.memory_space<semaphore_mem>> -> memref<1x!tpu.dma_semaphore, #tpu.memory_space<semaphore_mem>>
      %dma_start3A_307 = tpu.memref_squeeze %dma_start3A_306 : memref<1x!tpu.dma_semaphore, #tpu.memory_space<semaphore_mem>> -> memref<!tpu.dma_semaphore, #tpu.memory_space<semaphore_mem>>
      tpu.enqueue_indirect_dma source(%dma_start3A_299 : memref<128x16xf32, #tpu.memory_space<vmem>>) target(%dma_start3A_305 : memref<50048x16xf32, #tpu.memory_space<vmem_shared>>) offsets(%dma_start3A_302 : memref<128xi32, #tpu.memory_space<vmem>>) semaphore(%dma_start3A_307 : memref<!tpu.dma_semaphore, #tpu.memory_space<semaphore_mem>>) {add = true}
      %dma_wait3A_308 = arith.constant 3 : i32
      %dma_wait3A_309 = arith.constant 3 : i32
      %dma_wait3A_310 = arith.constant 0 : i32
      %dma_wait3A_311 = arith.constant 0 : i32
      %dma_wait3A_312 = tpu.memref_slice %arg13[%dma_wait3A_308, %dma_wait3A_310, %dma_wait3A_311] : memref<8x128x16xf32, #tpu.memory_space<vmem>> -> memref<1x128x16xf32, #tpu.memory_space<vmem>>
      %dma_wait3A_313 = tpu.memref_squeeze %dma_wait3A_312 : memref<1x128x16xf32, #tpu.memory_space<vmem>> -> memref<128x16xf32, #tpu.memory_space<vmem>>
      %dma_wait3A_314 = arith.constant 0 : i32
      %dma_wait3A_315 = tpu.memref_slice %arg11[%add3A_140, %dma_wait3A_314] : memref<32x128xi32, #tpu.memory_space<vmem>> -> memref<1x128xi32, #tpu.memory_space<vmem>>
      %dma_wait3A_316 = tpu.memref_squeeze %dma_wait3A_315 : memref<1x128xi32, #tpu.memory_space<vmem>> -> memref<128xi32, #tpu.memory_space<vmem>>
      %dma_wait3A_317 = arith.constant 0 : i32
      %dma_wait3A_318 = arith.constant 0 : i32
      %dma_wait3A_319 = tpu.memref_slice %arg3[%dma_wait3A_317, %dma_wait3A_318] : memref<10048x16xf32, #tpu.memory_space<hbm>> -> memref<10048x16xf32, #tpu.memory_space<hbm>>
      %dma_wait3A_320 = tpu.memref_slice %arg15[%dma_wait3A_309] : memref<8x!tpu.dma_semaphore, #tpu.memory_space<semaphore_mem>> -> memref<1x!tpu.dma_semaphore, #tpu.memory_space<semaphore_mem>>
      %dma_wait3A_321 = tpu.memref_squeeze %dma_wait3A_320 : memref<1x!tpu.dma_semaphore, #tpu.memory_space<semaphore_mem>> -> memref<!tpu.dma_semaphore, #tpu.memory_space<semaphore_mem>>
      tpu.wait_indirect_dma semaphore(%dma_wait3A_321 : memref<!tpu.dma_semaphore, #tpu.memory_space<semaphore_mem>>) src(%dma_wait3A_319 : memref<10048x16xf32, #tpu.memory_space<hbm>>) dst(%dma_wait3A_313 : memref<128x16xf32, #tpu.memory_space<vmem>>)
      %add3A_322 = arith.constant 3 : i32
      %add3A_323 = arith.addi %mul3A_91, %add3A_322 : i32
      %dma_start3A_324 = arith.constant 3 : i32
      %dma_start3A_325 = arith.constant 3 : i32
      %dma_start3A_326 = arith.constant 0 : i32
      %dma_start3A_327 = arith.constant 0 : i32
      %dma_start3A_328 = tpu.memref_slice %arg13[%dma_start3A_324, %dma_start3A_326, %dma_start3A_327] : memref<8x128x16xf32, #tpu.memory_space<vmem>> -> memref<1x128x16xf32, #tpu.memory_space<vmem>>
      %dma_start3A_329 = tpu.memref_squeeze %dma_start3A_328 : memref<1x128x16xf32, #tpu.memory_space<vmem>> -> memref<128x16xf32, #tpu.memory_space<vmem>>
      %dma_start3A_330 = arith.constant 0 : i32
      %dma_start3A_331 = tpu.memref_slice %arg12[%add3A_323, %dma_start3A_330] : memref<32x128xi32, #tpu.memory_space<vmem>> -> memref<1x128xi32, #tpu.memory_space<vmem>>
      %dma_start3A_332 = tpu.memref_squeeze %dma_start3A_331 : memref<1x128xi32, #tpu.memory_space<vmem>> -> memref<128xi32, #tpu.memory_space<vmem>>
      %dma_start3A_333 = arith.constant 0 : i32
      %dma_start3A_334 = arith.constant 0 : i32
      %dma_start3A_335 = tpu.memref_slice %arg8[%dma_start3A_333, %dma_start3A_334] : memref<50048x16xf32, #tpu.memory_space<vmem_shared>> -> memref<50048x16xf32, #tpu.memory_space<vmem_shared>>
      %dma_start3A_336 = tpu.memref_slice %arg16[%dma_start3A_325] : memref<8x!tpu.dma_semaphore, #tpu.memory_space<semaphore_mem>> -> memref<1x!tpu.dma_semaphore, #tpu.memory_space<semaphore_mem>>
      %dma_start3A_337 = tpu.memref_squeeze %dma_start3A_336 : memref<1x!tpu.dma_semaphore, #tpu.memory_space<semaphore_mem>> -> memref<!tpu.dma_semaphore, #tpu.memory_space<semaphore_mem>>
      tpu.enqueue_indirect_dma source(%dma_start3A_329 : memref<128x16xf32, #tpu.memory_space<vmem>>) target(%dma_start3A_335 : memref<50048x16xf32, #tpu.memory_space<vmem_shared>>) offsets(%dma_start3A_332 : memref<128xi32, #tpu.memory_space<vmem>>) semaphore(%dma_start3A_337 : memref<!tpu.dma_semaphore, #tpu.memory_space<semaphore_mem>>) {add = true}
      %dma_wait3A_338 = arith.constant 4 : i32
      %dma_wait3A_339 = arith.constant 4 : i32
      %dma_wait3A_340 = arith.constant 0 : i32
      %dma_wait3A_341 = arith.constant 0 : i32
      %dma_wait3A_342 = tpu.memref_slice %arg13[%dma_wait3A_338, %dma_wait3A_340, %dma_wait3A_341] : memref<8x128x16xf32, #tpu.memory_space<vmem>> -> memref<1x128x16xf32, #tpu.memory_space<vmem>>
      %dma_wait3A_343 = tpu.memref_squeeze %dma_wait3A_342 : memref<1x128x16xf32, #tpu.memory_space<vmem>> -> memref<128x16xf32, #tpu.memory_space<vmem>>
      %dma_wait3A_344 = arith.constant 0 : i32
      %dma_wait3A_345 = tpu.memref_slice %arg11[%add3A_156, %dma_wait3A_344] : memref<32x128xi32, #tpu.memory_space<vmem>> -> memref<1x128xi32, #tpu.memory_space<vmem>>
      %dma_wait3A_346 = tpu.memref_squeeze %dma_wait3A_345 : memref<1x128xi32, #tpu.memory_space<vmem>> -> memref<128xi32, #tpu.memory_space<vmem>>
      %dma_wait3A_347 = arith.constant 0 : i32
      %dma_wait3A_348 = arith.constant 0 : i32
      %dma_wait3A_349 = tpu.memref_slice %arg3[%dma_wait3A_347, %dma_wait3A_348] : memref<10048x16xf32, #tpu.memory_space<hbm>> -> memref<10048x16xf32, #tpu.memory_space<hbm>>
      %dma_wait3A_350 = tpu.memref_slice %arg15[%dma_wait3A_339] : memref<8x!tpu.dma_semaphore, #tpu.memory_space<semaphore_mem>> -> memref<1x!tpu.dma_semaphore, #tpu.memory_space<semaphore_mem>>
      %dma_wait3A_351 = tpu.memref_squeeze %dma_wait3A_350 : memref<1x!tpu.dma_semaphore, #tpu.memory_space<semaphore_mem>> -> memref<!tpu.dma_semaphore, #tpu.memory_space<semaphore_mem>>
      tpu.wait_indirect_dma semaphore(%dma_wait3A_351 : memref<!tpu.dma_semaphore, #tpu.memory_space<semaphore_mem>>) src(%dma_wait3A_349 : memref<10048x16xf32, #tpu.memory_space<hbm>>) dst(%dma_wait3A_343 : memref<128x16xf32, #tpu.memory_space<vmem>>)
      %add3A_352 = arith.constant 4 : i32
      %add3A_353 = arith.addi %mul3A_91, %add3A_352 : i32
      %dma_start3A_354 = arith.constant 4 : i32
      %dma_start3A_355 = arith.constant 4 : i32
      %dma_start3A_356 = arith.constant 0 : i32
      %dma_start3A_357 = arith.constant 0 : i32
      %dma_start3A_358 = tpu.memref_slice %arg13[%dma_start3A_354, %dma_start3A_356, %dma_start3A_357] : memref<8x128x16xf32, #tpu.memory_space<vmem>> -> memref<1x128x16xf32, #tpu.memory_space<vmem>>
      %dma_start3A_359 = tpu.memref_squeeze %dma_start3A_358 : memref<1x128x16xf32, #tpu.memory_space<vmem>> -> memref<128x16xf32, #tpu.memory_space<vmem>>
      %dma_start3A_360 = arith.constant 0 : i32
      %dma_start3A_361 = tpu.memref_slice %arg12[%add3A_353, %dma_start3A_360] : memref<32x128xi32, #tpu.memory_space<vmem>> -> memref<1x128xi32, #tpu.memory_space<vmem>>
      %dma_start3A_362 = tpu.memref_squeeze %dma_start3A_361 : memref<1x128xi32, #tpu.memory_space<vmem>> -> memref<128xi32, #tpu.memory_space<vmem>>
      %dma_start3A_363 = arith.constant 0 : i32
      %dma_start3A_364 = arith.constant 0 : i32
      %dma_start3A_365 = tpu.memref_slice %arg8[%dma_start3A_363, %dma_start3A_364] : memref<50048x16xf32, #tpu.memory_space<vmem_shared>> -> memref<50048x16xf32, #tpu.memory_space<vmem_shared>>
      %dma_start3A_366 = tpu.memref_slice %arg16[%dma_start3A_355] : memref<8x!tpu.dma_semaphore, #tpu.memory_space<semaphore_mem>> -> memref<1x!tpu.dma_semaphore, #tpu.memory_space<semaphore_mem>>
      %dma_start3A_367 = tpu.memref_squeeze %dma_start3A_366 : memref<1x!tpu.dma_semaphore, #tpu.memory_space<semaphore_mem>> -> memref<!tpu.dma_semaphore, #tpu.memory_space<semaphore_mem>>
      tpu.enqueue_indirect_dma source(%dma_start3A_359 : memref<128x16xf32, #tpu.memory_space<vmem>>) target(%dma_start3A_365 : memref<50048x16xf32, #tpu.memory_space<vmem_shared>>) offsets(%dma_start3A_362 : memref<128xi32, #tpu.memory_space<vmem>>) semaphore(%dma_start3A_367 : memref<!tpu.dma_semaphore, #tpu.memory_space<semaphore_mem>>) {add = true}
      %dma_wait3A_368 = arith.constant 5 : i32
      %dma_wait3A_369 = arith.constant 5 : i32
      %dma_wait3A_370 = arith.constant 0 : i32
      %dma_wait3A_371 = arith.constant 0 : i32
      %dma_wait3A_372 = tpu.memref_slice %arg13[%dma_wait3A_368, %dma_wait3A_370, %dma_wait3A_371] : memref<8x128x16xf32, #tpu.memory_space<vmem>> -> memref<1x128x16xf32, #tpu.memory_space<vmem>>
      %dma_wait3A_373 = tpu.memref_squeeze %dma_wait3A_372 : memref<1x128x16xf32, #tpu.memory_space<vmem>> -> memref<128x16xf32, #tpu.memory_space<vmem>>
      %dma_wait3A_374 = arith.constant 0 : i32
      %dma_wait3A_375 = tpu.memref_slice %arg11[%add3A_172, %dma_wait3A_374] : memref<32x128xi32, #tpu.memory_space<vmem>> -> memref<1x128xi32, #tpu.memory_space<vmem>>
      %dma_wait3A_376 = tpu.memref_squeeze %dma_wait3A_375 : memref<1x128xi32, #tpu.memory_space<vmem>> -> memref<128xi32, #tpu.memory_space<vmem>>
      %dma_wait3A_377 = arith.constant 0 : i32
      %dma_wait3A_378 = arith.constant 0 : i32
      %dma_wait3A_379 = tpu.memref_slice %arg3[%dma_wait3A_377, %dma_wait3A_378] : memref<10048x16xf32, #tpu.memory_space<hbm>> -> memref<10048x16xf32, #tpu.memory_space<hbm>>
      %dma_wait3A_380 = tpu.memref_slice %arg15[%dma_wait3A_369] : memref<8x!tpu.dma_semaphore, #tpu.memory_space<semaphore_mem>> -> memref<1x!tpu.dma_semaphore, #tpu.memory_space<semaphore_mem>>
      %dma_wait3A_381 = tpu.memref_squeeze %dma_wait3A_380 : memref<1x!tpu.dma_semaphore, #tpu.memory_space<semaphore_mem>> -> memref<!tpu.dma_semaphore, #tpu.memory_space<semaphore_mem>>
      tpu.wait_indirect_dma semaphore(%dma_wait3A_381 : memref<!tpu.dma_semaphore, #tpu.memory_space<semaphore_mem>>) src(%dma_wait3A_379 : memref<10048x16xf32, #tpu.memory_space<hbm>>) dst(%dma_wait3A_373 : memref<128x16xf32, #tpu.memory_space<vmem>>)
      %add3A_382 = arith.constant 5 : i32
      %add3A_383 = arith.addi %mul3A_91, %add3A_382 : i32
      %dma_start3A_384 = arith.constant 5 : i32
      %dma_start3A_385 = arith.constant 5 : i32
      %dma_start3A_386 = arith.constant 0 : i32
      %dma_start3A_387 = arith.constant 0 : i32
      %dma_start3A_388 = tpu.memref_slice %arg13[%dma_start3A_384, %dma_start3A_386, %dma_start3A_387] : memref<8x128x16xf32, #tpu.memory_space<vmem>> -> memref<1x128x16xf32, #tpu.memory_space<vmem>>
      %dma_start3A_389 = tpu.memref_squeeze %dma_start3A_388 : memref<1x128x16xf32, #tpu.memory_space<vmem>> -> memref<128x16xf32, #tpu.memory_space<vmem>>
      %dma_start3A_390 = arith.constant 0 : i32
      %dma_start3A_391 = tpu.memref_slice %arg12[%add3A_383, %dma_start3A_390] : memref<32x128xi32, #tpu.memory_space<vmem>> -> memref<1x128xi32, #tpu.memory_space<vmem>>
      %dma_start3A_392 = tpu.memref_squeeze %dma_start3A_391 : memref<1x128xi32, #tpu.memory_space<vmem>> -> memref<128xi32, #tpu.memory_space<vmem>>
      %dma_start3A_393 = arith.constant 0 : i32
      %dma_start3A_394 = arith.constant 0 : i32
      %dma_start3A_395 = tpu.memref_slice %arg8[%dma_start3A_393, %dma_start3A_394] : memref<50048x16xf32, #tpu.memory_space<vmem_shared>> -> memref<50048x16xf32, #tpu.memory_space<vmem_shared>>
      %dma_start3A_396 = tpu.memref_slice %arg16[%dma_start3A_385] : memref<8x!tpu.dma_semaphore, #tpu.memory_space<semaphore_mem>> -> memref<1x!tpu.dma_semaphore, #tpu.memory_space<semaphore_mem>>
      %dma_start3A_397 = tpu.memref_squeeze %dma_start3A_396 : memref<1x!tpu.dma_semaphore, #tpu.memory_space<semaphore_mem>> -> memref<!tpu.dma_semaphore, #tpu.memory_space<semaphore_mem>>
      tpu.enqueue_indirect_dma source(%dma_start3A_389 : memref<128x16xf32, #tpu.memory_space<vmem>>) target(%dma_start3A_395 : memref<50048x16xf32, #tpu.memory_space<vmem_shared>>) offsets(%dma_start3A_392 : memref<128xi32, #tpu.memory_space<vmem>>) semaphore(%dma_start3A_397 : memref<!tpu.dma_semaphore, #tpu.memory_space<semaphore_mem>>) {add = true}
      %dma_wait3A_398 = arith.constant 6 : i32
      %dma_wait3A_399 = arith.constant 6 : i32
      %dma_wait3A_400 = arith.constant 0 : i32
      %dma_wait3A_401 = arith.constant 0 : i32
      %dma_wait3A_402 = tpu.memref_slice %arg13[%dma_wait3A_398, %dma_wait3A_400, %dma_wait3A_401] : memref<8x128x16xf32, #tpu.memory_space<vmem>> -> memref<1x128x16xf32, #tpu.memory_space<vmem>>
      %dma_wait3A_403 = tpu.memref_squeeze %dma_wait3A_402 : memref<1x128x16xf32, #tpu.memory_space<vmem>> -> memref<128x16xf32, #tpu.memory_space<vmem>>
      %dma_wait3A_404 = arith.constant 0 : i32
      %dma_wait3A_405 = tpu.memref_slice %arg11[%add3A_188, %dma_wait3A_404] : memref<32x128xi32, #tpu.memory_space<vmem>> -> memref<1x128xi32, #tpu.memory_space<vmem>>
      %dma_wait3A_406 = tpu.memref_squeeze %dma_wait3A_405 : memref<1x128xi32, #tpu.memory_space<vmem>> -> memref<128xi32, #tpu.memory_space<vmem>>
      %dma_wait3A_407 = arith.constant 0 : i32
      %dma_wait3A_408 = arith.constant 0 : i32
      %dma_wait3A_409 = tpu.memref_slice %arg3[%dma_wait3A_407, %dma_wait3A_408] : memref<10048x16xf32, #tpu.memory_space<hbm>> -> memref<10048x16xf32, #tpu.memory_space<hbm>>
      %dma_wait3A_410 = tpu.memref_slice %arg15[%dma_wait3A_399] : memref<8x!tpu.dma_semaphore, #tpu.memory_space<semaphore_mem>> -> memref<1x!tpu.dma_semaphore, #tpu.memory_space<semaphore_mem>>
      %dma_wait3A_411 = tpu.memref_squeeze %dma_wait3A_410 : memref<1x!tpu.dma_semaphore, #tpu.memory_space<semaphore_mem>> -> memref<!tpu.dma_semaphore, #tpu.memory_space<semaphore_mem>>
      tpu.wait_indirect_dma semaphore(%dma_wait3A_411 : memref<!tpu.dma_semaphore, #tpu.memory_space<semaphore_mem>>) src(%dma_wait3A_409 : memref<10048x16xf32, #tpu.memory_space<hbm>>) dst(%dma_wait3A_403 : memref<128x16xf32, #tpu.memory_space<vmem>>)
      %add3A_412 = arith.constant 6 : i32
      %add3A_413 = arith.addi %mul3A_91, %add3A_412 : i32
      %dma_start3A_414 = arith.constant 6 : i32
      %dma_start3A_415 = arith.constant 6 : i32
      %dma_start3A_416 = arith.constant 0 : i32
      %dma_start3A_417 = arith.constant 0 : i32
      %dma_start3A_418 = tpu.memref_slice %arg13[%dma_start3A_414, %dma_start3A_416, %dma_start3A_417] : memref<8x128x16xf32, #tpu.memory_space<vmem>> -> memref<1x128x16xf32, #tpu.memory_space<vmem>>
      %dma_start3A_419 = tpu.memref_squeeze %dma_start3A_418 : memref<1x128x16xf32, #tpu.memory_space<vmem>> -> memref<128x16xf32, #tpu.memory_space<vmem>>
      %dma_start3A_420 = arith.constant 0 : i32
      %dma_start3A_421 = tpu.memref_slice %arg12[%add3A_413, %dma_start3A_420] : memref<32x128xi32, #tpu.memory_space<vmem>> -> memref<1x128xi32, #tpu.memory_space<vmem>>
      %dma_start3A_422 = tpu.memref_squeeze %dma_start3A_421 : memref<1x128xi32, #tpu.memory_space<vmem>> -> memref<128xi32, #tpu.memory_space<vmem>>
      %dma_start3A_423 = arith.constant 0 : i32
      %dma_start3A_424 = arith.constant 0 : i32
      %dma_start3A_425 = tpu.memref_slice %arg8[%dma_start3A_423, %dma_start3A_424] : memref<50048x16xf32, #tpu.memory_space<vmem_shared>> -> memref<50048x16xf32, #tpu.memory_space<vmem_shared>>
      %dma_start3A_426 = tpu.memref_slice %arg16[%dma_start3A_415] : memref<8x!tpu.dma_semaphore, #tpu.memory_space<semaphore_mem>> -> memref<1x!tpu.dma_semaphore, #tpu.memory_space<semaphore_mem>>
      %dma_start3A_427 = tpu.memref_squeeze %dma_start3A_426 : memref<1x!tpu.dma_semaphore, #tpu.memory_space<semaphore_mem>> -> memref<!tpu.dma_semaphore, #tpu.memory_space<semaphore_mem>>
      tpu.enqueue_indirect_dma source(%dma_start3A_419 : memref<128x16xf32, #tpu.memory_space<vmem>>) target(%dma_start3A_425 : memref<50048x16xf32, #tpu.memory_space<vmem_shared>>) offsets(%dma_start3A_422 : memref<128xi32, #tpu.memory_space<vmem>>) semaphore(%dma_start3A_427 : memref<!tpu.dma_semaphore, #tpu.memory_space<semaphore_mem>>) {add = true}
      %dma_wait3A_428 = arith.constant 7 : i32
      %dma_wait3A_429 = arith.constant 7 : i32
      %dma_wait3A_430 = arith.constant 0 : i32
      %dma_wait3A_431 = arith.constant 0 : i32
      %dma_wait3A_432 = tpu.memref_slice %arg13[%dma_wait3A_428, %dma_wait3A_430, %dma_wait3A_431] : memref<8x128x16xf32, #tpu.memory_space<vmem>> -> memref<1x128x16xf32, #tpu.memory_space<vmem>>
      %dma_wait3A_433 = tpu.memref_squeeze %dma_wait3A_432 : memref<1x128x16xf32, #tpu.memory_space<vmem>> -> memref<128x16xf32, #tpu.memory_space<vmem>>
      %dma_wait3A_434 = arith.constant 0 : i32
      %dma_wait3A_435 = tpu.memref_slice %arg11[%add3A_204, %dma_wait3A_434] : memref<32x128xi32, #tpu.memory_space<vmem>> -> memref<1x128xi32, #tpu.memory_space<vmem>>
      %dma_wait3A_436 = tpu.memref_squeeze %dma_wait3A_435 : memref<1x128xi32, #tpu.memory_space<vmem>> -> memref<128xi32, #tpu.memory_space<vmem>>
      %dma_wait3A_437 = arith.constant 0 : i32
      %dma_wait3A_438 = arith.constant 0 : i32
      %dma_wait3A_439 = tpu.memref_slice %arg3[%dma_wait3A_437, %dma_wait3A_438] : memref<10048x16xf32, #tpu.memory_space<hbm>> -> memref<10048x16xf32, #tpu.memory_space<hbm>>
      %dma_wait3A_440 = tpu.memref_slice %arg15[%dma_wait3A_429] : memref<8x!tpu.dma_semaphore, #tpu.memory_space<semaphore_mem>> -> memref<1x!tpu.dma_semaphore, #tpu.memory_space<semaphore_mem>>
      %dma_wait3A_441 = tpu.memref_squeeze %dma_wait3A_440 : memref<1x!tpu.dma_semaphore, #tpu.memory_space<semaphore_mem>> -> memref<!tpu.dma_semaphore, #tpu.memory_space<semaphore_mem>>
      tpu.wait_indirect_dma semaphore(%dma_wait3A_441 : memref<!tpu.dma_semaphore, #tpu.memory_space<semaphore_mem>>) src(%dma_wait3A_439 : memref<10048x16xf32, #tpu.memory_space<hbm>>) dst(%dma_wait3A_433 : memref<128x16xf32, #tpu.memory_space<vmem>>)
      %add3A_442 = arith.constant 7 : i32
      %add3A_443 = arith.addi %mul3A_91, %add3A_442 : i32
      %dma_start3A_444 = arith.constant 7 : i32
      %dma_start3A_445 = arith.constant 7 : i32
      %dma_start3A_446 = arith.constant 0 : i32
      %dma_start3A_447 = arith.constant 0 : i32
      %dma_start3A_448 = tpu.memref_slice %arg13[%dma_start3A_444, %dma_start3A_446, %dma_start3A_447] : memref<8x128x16xf32, #tpu.memory_space<vmem>> -> memref<1x128x16xf32, #tpu.memory_space<vmem>>
      %dma_start3A_449 = tpu.memref_squeeze %dma_start3A_448 : memref<1x128x16xf32, #tpu.memory_space<vmem>> -> memref<128x16xf32, #tpu.memory_space<vmem>>
      %dma_start3A_450 = arith.constant 0 : i32
      %dma_start3A_451 = tpu.memref_slice %arg12[%add3A_443, %dma_start3A_450] : memref<32x128xi32, #tpu.memory_space<vmem>> -> memref<1x128xi32, #tpu.memory_space<vmem>>
      %dma_start3A_452 = tpu.memref_squeeze %dma_start3A_451 : memref<1x128xi32, #tpu.memory_space<vmem>> -> memref<128xi32, #tpu.memory_space<vmem>>
      %dma_start3A_453 = arith.constant 0 : i32
      %dma_start3A_454 = arith.constant 0 : i32
      %dma_start3A_455 = tpu.memref_slice %arg8[%dma_start3A_453, %dma_start3A_454] : memref<50048x16xf32, #tpu.memory_space<vmem_shared>> -> memref<50048x16xf32, #tpu.memory_space<vmem_shared>>
      %dma_start3A_456 = tpu.memref_slice %arg16[%dma_start3A_445] : memref<8x!tpu.dma_semaphore, #tpu.memory_space<semaphore_mem>> -> memref<1x!tpu.dma_semaphore, #tpu.memory_space<semaphore_mem>>
      %dma_start3A_457 = tpu.memref_squeeze %dma_start3A_456 : memref<1x!tpu.dma_semaphore, #tpu.memory_space<semaphore_mem>> -> memref<!tpu.dma_semaphore, #tpu.memory_space<semaphore_mem>>
      tpu.enqueue_indirect_dma source(%dma_start3A_449 : memref<128x16xf32, #tpu.memory_space<vmem>>) target(%dma_start3A_455 : memref<50048x16xf32, #tpu.memory_space<vmem_shared>>) offsets(%dma_start3A_452 : memref<128xi32, #tpu.memory_space<vmem>>) semaphore(%dma_start3A_457 : memref<!tpu.dma_semaphore, #tpu.memory_space<semaphore_mem>>) {add = true}
      %dma_wait3A_458 = arith.constant 0 : i32
      %dma_wait3A_459 = arith.constant 0 : i32
      %dma_wait3A_460 = arith.constant 0 : i32
      %dma_wait3A_461 = arith.constant 0 : i32
      %dma_wait3A_462 = tpu.memref_slice %arg13[%dma_wait3A_458, %dma_wait3A_460, %dma_wait3A_461] : memref<8x128x16xf32, #tpu.memory_space<vmem>> -> memref<1x128x16xf32, #tpu.memory_space<vmem>>
      %dma_wait3A_463 = tpu.memref_squeeze %dma_wait3A_462 : memref<1x128x16xf32, #tpu.memory_space<vmem>> -> memref<128x16xf32, #tpu.memory_space<vmem>>
      %dma_wait3A_464 = arith.constant 0 : i32
      %dma_wait3A_465 = tpu.memref_slice %arg12[%add3A_233, %dma_wait3A_464] : memref<32x128xi32, #tpu.memory_space<vmem>> -> memref<1x128xi32, #tpu.memory_space<vmem>>
      %dma_wait3A_466 = tpu.memref_squeeze %dma_wait3A_465 : memref<1x128xi32, #tpu.memory_space<vmem>> -> memref<128xi32, #tpu.memory_space<vmem>>
      %dma_wait3A_467 = arith.constant 0 : i32
      %dma_wait3A_468 = arith.constant 0 : i32
      %dma_wait3A_469 = tpu.memref_slice %arg8[%dma_wait3A_467, %dma_wait3A_468] : memref<50048x16xf32, #tpu.memory_space<vmem_shared>> -> memref<50048x16xf32, #tpu.memory_space<vmem_shared>>
      %dma_wait3A_470 = tpu.memref_slice %arg16[%dma_wait3A_459] : memref<8x!tpu.dma_semaphore, #tpu.memory_space<semaphore_mem>> -> memref<1x!tpu.dma_semaphore, #tpu.memory_space<semaphore_mem>>
      %dma_wait3A_471 = tpu.memref_squeeze %dma_wait3A_470 : memref<1x!tpu.dma_semaphore, #tpu.memory_space<semaphore_mem>> -> memref<!tpu.dma_semaphore, #tpu.memory_space<semaphore_mem>>
      tpu.wait_indirect_dma semaphore(%dma_wait3A_471 : memref<!tpu.dma_semaphore, #tpu.memory_space<semaphore_mem>>) src(%dma_wait3A_463 : memref<128x16xf32, #tpu.memory_space<vmem>>) dst(%dma_wait3A_469 : memref<50048x16xf32, #tpu.memory_space<vmem_shared>>)
      %dma_wait3A_472 = arith.constant 1 : i32
      %dma_wait3A_473 = arith.constant 1 : i32
      %dma_wait3A_474 = arith.constant 0 : i32
      %dma_wait3A_475 = arith.constant 0 : i32
      %dma_wait3A_476 = tpu.memref_slice %arg13[%dma_wait3A_472, %dma_wait3A_474, %dma_wait3A_475] : memref<8x128x16xf32, #tpu.memory_space<vmem>> -> memref<1x128x16xf32, #tpu.memory_space<vmem>>
      %dma_wait3A_477 = tpu.memref_squeeze %dma_wait3A_476 : memref<1x128x16xf32, #tpu.memory_space<vmem>> -> memref<128x16xf32, #tpu.memory_space<vmem>>
      %dma_wait3A_478 = arith.constant 0 : i32
      %dma_wait3A_479 = tpu.memref_slice %arg12[%add3A_263, %dma_wait3A_478] : memref<32x128xi32, #tpu.memory_space<vmem>> -> memref<1x128xi32, #tpu.memory_space<vmem>>
      %dma_wait3A_480 = tpu.memref_squeeze %dma_wait3A_479 : memref<1x128xi32, #tpu.memory_space<vmem>> -> memref<128xi32, #tpu.memory_space<vmem>>
      %dma_wait3A_481 = arith.constant 0 : i32
      %dma_wait3A_482 = arith.constant 0 : i32
      %dma_wait3A_483 = tpu.memref_slice %arg8[%dma_wait3A_481, %dma_wait3A_482] : memref<50048x16xf32, #tpu.memory_space<vmem_shared>> -> memref<50048x16xf32, #tpu.memory_space<vmem_shared>>
      %dma_wait3A_484 = tpu.memref_slice %arg16[%dma_wait3A_473] : memref<8x!tpu.dma_semaphore, #tpu.memory_space<semaphore_mem>> -> memref<1x!tpu.dma_semaphore, #tpu.memory_space<semaphore_mem>>
      %dma_wait3A_485 = tpu.memref_squeeze %dma_wait3A_484 : memref<1x!tpu.dma_semaphore, #tpu.memory_space<semaphore_mem>> -> memref<!tpu.dma_semaphore, #tpu.memory_space<semaphore_mem>>
      tpu.wait_indirect_dma semaphore(%dma_wait3A_485 : memref<!tpu.dma_semaphore, #tpu.memory_space<semaphore_mem>>) src(%dma_wait3A_477 : memref<128x16xf32, #tpu.memory_space<vmem>>) dst(%dma_wait3A_483 : memref<50048x16xf32, #tpu.memory_space<vmem_shared>>)
      %dma_wait3A_486 = arith.constant 2 : i32
      %dma_wait3A_487 = arith.constant 2 : i32
      %dma_wait3A_488 = arith.constant 0 : i32
      %dma_wait3A_489 = arith.constant 0 : i32
      %dma_wait3A_490 = tpu.memref_slice %arg13[%dma_wait3A_486, %dma_wait3A_488, %dma_wait3A_489] : memref<8x128x16xf32, #tpu.memory_space<vmem>> -> memref<1x128x16xf32, #tpu.memory_space<vmem>>
      %dma_wait3A_491 = tpu.memref_squeeze %dma_wait3A_490 : memref<1x128x16xf32, #tpu.memory_space<vmem>> -> memref<128x16xf32, #tpu.memory_space<vmem>>
      %dma_wait3A_492 = arith.constant 0 : i32
      %dma_wait3A_493 = tpu.memref_slice %arg12[%add3A_293, %dma_wait3A_492] : memref<32x128xi32, #tpu.memory_space<vmem>> -> memref<1x128xi32, #tpu.memory_space<vmem>>
      %dma_wait3A_494 = tpu.memref_squeeze %dma_wait3A_493 : memref<1x128xi32, #tpu.memory_space<vmem>> -> memref<128xi32, #tpu.memory_space<vmem>>
      %dma_wait3A_495 = arith.constant 0 : i32
      %dma_wait3A_496 = arith.constant 0 : i32
      %dma_wait3A_497 = tpu.memref_slice %arg8[%dma_wait3A_495, %dma_wait3A_496] : memref<50048x16xf32, #tpu.memory_space<vmem_shared>> -> memref<50048x16xf32, #tpu.memory_space<vmem_shared>>
      %dma_wait3A_498 = tpu.memref_slice %arg16[%dma_wait3A_487] : memref<8x!tpu.dma_semaphore, #tpu.memory_space<semaphore_mem>> -> memref<1x!tpu.dma_semaphore, #tpu.memory_space<semaphore_mem>>
      %dma_wait3A_499 = tpu.memref_squeeze %dma_wait3A_498 : memref<1x!tpu.dma_semaphore, #tpu.memory_space<semaphore_mem>> -> memref<!tpu.dma_semaphore, #tpu.memory_space<semaphore_mem>>
      tpu.wait_indirect_dma semaphore(%dma_wait3A_499 : memref<!tpu.dma_semaphore, #tpu.memory_space<semaphore_mem>>) src(%dma_wait3A_491 : memref<128x16xf32, #tpu.memory_space<vmem>>) dst(%dma_wait3A_497 : memref<50048x16xf32, #tpu.memory_space<vmem_shared>>)
      %dma_wait3A_500 = arith.constant 3 : i32
      %dma_wait3A_501 = arith.constant 3 : i32
      %dma_wait3A_502 = arith.constant 0 : i32
      %dma_wait3A_503 = arith.constant 0 : i32
      %dma_wait3A_504 = tpu.memref_slice %arg13[%dma_wait3A_500, %dma_wait3A_502, %dma_wait3A_503] : memref<8x128x16xf32, #tpu.memory_space<vmem>> -> memref<1x128x16xf32, #tpu.memory_space<vmem>>
      %dma_wait3A_505 = tpu.memref_squeeze %dma_wait3A_504 : memref<1x128x16xf32, #tpu.memory_space<vmem>> -> memref<128x16xf32, #tpu.memory_space<vmem>>
      %dma_wait3A_506 = arith.constant 0 : i32
      %dma_wait3A_507 = tpu.memref_slice %arg12[%add3A_323, %dma_wait3A_506] : memref<32x128xi32, #tpu.memory_space<vmem>> -> memref<1x128xi32, #tpu.memory_space<vmem>>
      %dma_wait3A_508 = tpu.memref_squeeze %dma_wait3A_507 : memref<1x128xi32, #tpu.memory_space<vmem>> -> memref<128xi32, #tpu.memory_space<vmem>>
      %dma_wait3A_509 = arith.constant 0 : i32
      %dma_wait3A_510 = arith.constant 0 : i32
      %dma_wait3A_511 = tpu.memref_slice %arg8[%dma_wait3A_509, %dma_wait3A_510] : memref<50048x16xf32, #tpu.memory_space<vmem_shared>> -> memref<50048x16xf32, #tpu.memory_space<vmem_shared>>
      %dma_wait3A_512 = tpu.memref_slice %arg16[%dma_wait3A_501] : memref<8x!tpu.dma_semaphore, #tpu.memory_space<semaphore_mem>> -> memref<1x!tpu.dma_semaphore, #tpu.memory_space<semaphore_mem>>
      %dma_wait3A_513 = tpu.memref_squeeze %dma_wait3A_512 : memref<1x!tpu.dma_semaphore, #tpu.memory_space<semaphore_mem>> -> memref<!tpu.dma_semaphore, #tpu.memory_space<semaphore_mem>>
      tpu.wait_indirect_dma semaphore(%dma_wait3A_513 : memref<!tpu.dma_semaphore, #tpu.memory_space<semaphore_mem>>) src(%dma_wait3A_505 : memref<128x16xf32, #tpu.memory_space<vmem>>) dst(%dma_wait3A_511 : memref<50048x16xf32, #tpu.memory_space<vmem_shared>>)
      %dma_wait3A_514 = arith.constant 4 : i32
      %dma_wait3A_515 = arith.constant 4 : i32
      %dma_wait3A_516 = arith.constant 0 : i32
      %dma_wait3A_517 = arith.constant 0 : i32
      %dma_wait3A_518 = tpu.memref_slice %arg13[%dma_wait3A_514, %dma_wait3A_516, %dma_wait3A_517] : memref<8x128x16xf32, #tpu.memory_space<vmem>> -> memref<1x128x16xf32, #tpu.memory_space<vmem>>
      %dma_wait3A_519 = tpu.memref_squeeze %dma_wait3A_518 : memref<1x128x16xf32, #tpu.memory_space<vmem>> -> memref<128x16xf32, #tpu.memory_space<vmem>>
      %dma_wait3A_520 = arith.constant 0 : i32
      %dma_wait3A_521 = tpu.memref_slice %arg12[%add3A_353, %dma_wait3A_520] : memref<32x128xi32, #tpu.memory_space<vmem>> -> memref<1x128xi32, #tpu.memory_space<vmem>>
      %dma_wait3A_522 = tpu.memref_squeeze %dma_wait3A_521 : memref<1x128xi32, #tpu.memory_space<vmem>> -> memref<128xi32, #tpu.memory_space<vmem>>
      %dma_wait3A_523 = arith.constant 0 : i32
      %dma_wait3A_524 = arith.constant 0 : i32
      %dma_wait3A_525 = tpu.memref_slice %arg8[%dma_wait3A_523, %dma_wait3A_524] : memref<50048x16xf32, #tpu.memory_space<vmem_shared>> -> memref<50048x16xf32, #tpu.memory_space<vmem_shared>>
      %dma_wait3A_526 = tpu.memref_slice %arg16[%dma_wait3A_515] : memref<8x!tpu.dma_semaphore, #tpu.memory_space<semaphore_mem>> -> memref<1x!tpu.dma_semaphore, #tpu.memory_space<semaphore_mem>>
      %dma_wait3A_527 = tpu.memref_squeeze %dma_wait3A_526 : memref<1x!tpu.dma_semaphore, #tpu.memory_space<semaphore_mem>> -> memref<!tpu.dma_semaphore, #tpu.memory_space<semaphore_mem>>
      tpu.wait_indirect_dma semaphore(%dma_wait3A_527 : memref<!tpu.dma_semaphore, #tpu.memory_space<semaphore_mem>>) src(%dma_wait3A_519 : memref<128x16xf32, #tpu.memory_space<vmem>>) dst(%dma_wait3A_525 : memref<50048x16xf32, #tpu.memory_space<vmem_shared>>)
      %dma_wait3A_528 = arith.constant 5 : i32
      %dma_wait3A_529 = arith.constant 5 : i32
      %dma_wait3A_530 = arith.constant 0 : i32
      %dma_wait3A_531 = arith.constant 0 : i32
      %dma_wait3A_532 = tpu.memref_slice %arg13[%dma_wait3A_528, %dma_wait3A_530, %dma_wait3A_531] : memref<8x128x16xf32, #tpu.memory_space<vmem>> -> memref<1x128x16xf32, #tpu.memory_space<vmem>>
      %dma_wait3A_533 = tpu.memref_squeeze %dma_wait3A_532 : memref<1x128x16xf32, #tpu.memory_space<vmem>> -> memref<128x16xf32, #tpu.memory_space<vmem>>
      %dma_wait3A_534 = arith.constant 0 : i32
      %dma_wait3A_535 = tpu.memref_slice %arg12[%add3A_383, %dma_wait3A_534] : memref<32x128xi32, #tpu.memory_space<vmem>> -> memref<1x128xi32, #tpu.memory_space<vmem>>
      %dma_wait3A_536 = tpu.memref_squeeze %dma_wait3A_535 : memref<1x128xi32, #tpu.memory_space<vmem>> -> memref<128xi32, #tpu.memory_space<vmem>>
      %dma_wait3A_537 = arith.constant 0 : i32
      %dma_wait3A_538 = arith.constant 0 : i32
      %dma_wait3A_539 = tpu.memref_slice %arg8[%dma_wait3A_537, %dma_wait3A_538] : memref<50048x16xf32, #tpu.memory_space<vmem_shared>> -> memref<50048x16xf32, #tpu.memory_space<vmem_shared>>
      %dma_wait3A_540 = tpu.memref_slice %arg16[%dma_wait3A_529] : memref<8x!tpu.dma_semaphore, #tpu.memory_space<semaphore_mem>> -> memref<1x!tpu.dma_semaphore, #tpu.memory_space<semaphore_mem>>
      %dma_wait3A_541 = tpu.memref_squeeze %dma_wait3A_540 : memref<1x!tpu.dma_semaphore, #tpu.memory_space<semaphore_mem>> -> memref<!tpu.dma_semaphore, #tpu.memory_space<semaphore_mem>>
      tpu.wait_indirect_dma semaphore(%dma_wait3A_541 : memref<!tpu.dma_semaphore, #tpu.memory_space<semaphore_mem>>) src(%dma_wait3A_533 : memref<128x16xf32, #tpu.memory_space<vmem>>) dst(%dma_wait3A_539 : memref<50048x16xf32, #tpu.memory_space<vmem_shared>>)
      %dma_wait3A_542 = arith.constant 6 : i32
      %dma_wait3A_543 = arith.constant 6 : i32
      %dma_wait3A_544 = arith.constant 0 : i32
      %dma_wait3A_545 = arith.constant 0 : i32
      %dma_wait3A_546 = tpu.memref_slice %arg13[%dma_wait3A_542, %dma_wait3A_544, %dma_wait3A_545] : memref<8x128x16xf32, #tpu.memory_space<vmem>> -> memref<1x128x16xf32, #tpu.memory_space<vmem>>
      %dma_wait3A_547 = tpu.memref_squeeze %dma_wait3A_546 : memref<1x128x16xf32, #tpu.memory_space<vmem>> -> memref<128x16xf32, #tpu.memory_space<vmem>>
      %dma_wait3A_548 = arith.constant 0 : i32
      %dma_wait3A_549 = tpu.memref_slice %arg12[%add3A_413, %dma_wait3A_548] : memref<32x128xi32, #tpu.memory_space<vmem>> -> memref<1x128xi32, #tpu.memory_space<vmem>>
      %dma_wait3A_550 = tpu.memref_squeeze %dma_wait3A_549 : memref<1x128xi32, #tpu.memory_space<vmem>> -> memref<128xi32, #tpu.memory_space<vmem>>
      %dma_wait3A_551 = arith.constant 0 : i32
      %dma_wait3A_552 = arith.constant 0 : i32
      %dma_wait3A_553 = tpu.memref_slice %arg8[%dma_wait3A_551, %dma_wait3A_552] : memref<50048x16xf32, #tpu.memory_space<vmem_shared>> -> memref<50048x16xf32, #tpu.memory_space<vmem_shared>>
      %dma_wait3A_554 = tpu.memref_slice %arg16[%dma_wait3A_543] : memref<8x!tpu.dma_semaphore, #tpu.memory_space<semaphore_mem>> -> memref<1x!tpu.dma_semaphore, #tpu.memory_space<semaphore_mem>>
      %dma_wait3A_555 = tpu.memref_squeeze %dma_wait3A_554 : memref<1x!tpu.dma_semaphore, #tpu.memory_space<semaphore_mem>> -> memref<!tpu.dma_semaphore, #tpu.memory_space<semaphore_mem>>
      tpu.wait_indirect_dma semaphore(%dma_wait3A_555 : memref<!tpu.dma_semaphore, #tpu.memory_space<semaphore_mem>>) src(%dma_wait3A_547 : memref<128x16xf32, #tpu.memory_space<vmem>>) dst(%dma_wait3A_553 : memref<50048x16xf32, #tpu.memory_space<vmem_shared>>)
      %dma_wait3A_556 = arith.constant 7 : i32
      %dma_wait3A_557 = arith.constant 7 : i32
      %dma_wait3A_558 = arith.constant 0 : i32
      %dma_wait3A_559 = arith.constant 0 : i32
      %dma_wait3A_560 = tpu.memref_slice %arg13[%dma_wait3A_556, %dma_wait3A_558, %dma_wait3A_559] : memref<8x128x16xf32, #tpu.memory_space<vmem>> -> memref<1x128x16xf32, #tpu.memory_space<vmem>>
      %dma_wait3A_561 = tpu.memref_squeeze %dma_wait3A_560 : memref<1x128x16xf32, #tpu.memory_space<vmem>> -> memref<128x16xf32, #tpu.memory_space<vmem>>
      %dma_wait3A_562 = arith.constant 0 : i32
      %dma_wait3A_563 = tpu.memref_slice %arg12[%add3A_443, %dma_wait3A_562] : memref<32x128xi32, #tpu.memory_space<vmem>> -> memref<1x128xi32, #tpu.memory_space<vmem>>
      %dma_wait3A_564 = tpu.memref_squeeze %dma_wait3A_563 : memref<1x128xi32, #tpu.memory_space<vmem>> -> memref<128xi32, #tpu.memory_space<vmem>>
      %dma_wait3A_565 = arith.constant 0 : i32
      %dma_wait3A_566 = arith.constant 0 : i32
      %dma_wait3A_567 = tpu.memref_slice %arg8[%dma_wait3A_565, %dma_wait3A_566] : memref<50048x16xf32, #tpu.memory_space<vmem_shared>> -> memref<50048x16xf32, #tpu.memory_space<vmem_shared>>
      %dma_wait3A_568 = tpu.memref_slice %arg16[%dma_wait3A_557] : memref<8x!tpu.dma_semaphore, #tpu.memory_space<semaphore_mem>> -> memref<1x!tpu.dma_semaphore, #tpu.memory_space<semaphore_mem>>
      %dma_wait3A_569 = tpu.memref_squeeze %dma_wait3A_568 : memref<1x!tpu.dma_semaphore, #tpu.memory_space<semaphore_mem>> -> memref<!tpu.dma_semaphore, #tpu.memory_space<semaphore_mem>>
      tpu.wait_indirect_dma semaphore(%dma_wait3A_569 : memref<!tpu.dma_semaphore, #tpu.memory_space<semaphore_mem>>) src(%dma_wait3A_561 : memref<128x16xf32, #tpu.memory_space<vmem>>) dst(%dma_wait3A_567 : memref<50048x16xf32, #tpu.memory_space<vmem_shared>>)
      %scan3A_570 = arith.constant 0 : i32
      scf.yield %scan3A_570 : i32
    }
    %scan3A_79 = arith.constant 4 : i32
    %barrier3A_80 = arith.constant 0 : index
    tpu.barrier barrier_id(%barrier3A_80)
    %eq3A = arith.constant 0 : i32
    %eq3A_81 = arith.cmpi eq, %arg0, %eq3A : i32
    %convert_element_type3A = arith.extui %eq3A_81 : i1 to i32
    %cond3A = arith.constant 0 : i32
    %cond3A_82 = arith.cmpi ne, %convert_element_type3A, %cond3A : i32
    scf.if %cond3A_82 {
      "tpu.region"() ({
        %run_scoped3A_88 = tpu.sem_alloc : memref<!tpu.dma_semaphore, #tpu.memory_space<semaphore_mem>>
        %dma_start3A = arith.constant 0 : i32
        %dma_start3A_89 = tpu.memref_slice %arg6[%mul3A_8, %dma_start3A] : memref<50048x16xf32, #tpu.memory_space<hbm>> -> memref<3128x16xf32, #tpu.memory_space<hbm>>
        %dma_start3A_90 = arith.constant 0 : i32
        %dma_start3A_91 = tpu.memref_slice %arg8[%mul3A_8, %dma_start3A_90] : memref<50048x16xf32, #tpu.memory_space<vmem_shared>> -> memref<3128x16xf32, #tpu.memory_space<vmem_shared>>
        tpu.enqueue_dma source(%dma_start3A_91 : memref<3128x16xf32, #tpu.memory_space<vmem_shared>>) target(%dma_start3A_89 : memref<3128x16xf32, #tpu.memory_space<hbm>>) target_semaphore(%run_scoped3A_88 : memref<!tpu.dma_semaphore, #tpu.memory_space<semaphore_mem>>)
        %dma_wait3A = arith.constant 0 : i32
        %dma_wait3A_92 = tpu.memref_slice %arg6[%mul3A_8, %dma_wait3A] : memref<50048x16xf32, #tpu.memory_space<hbm>> -> memref<3128x16xf32, #tpu.memory_space<hbm>>
        %dma_wait3A_93 = arith.constant 0 : i32
        %dma_wait3A_94 = tpu.memref_slice %arg8[%mul3A_8, %dma_wait3A_93] : memref<50048x16xf32, #tpu.memory_space<vmem_shared>> -> memref<3128x16xf32, #tpu.memory_space<vmem_shared>>
        tpu.wait_dma2 semaphore(%run_scoped3A_88 : memref<!tpu.dma_semaphore, #tpu.memory_space<semaphore_mem>>) src(%dma_wait3A_94 : memref<3128x16xf32, #tpu.memory_space<vmem_shared>>) dst(%dma_wait3A_92 : memref<3128x16xf32, #tpu.memory_space<hbm>>)
        tpu.yield
      }) : () -> ()
    } else {
    }
    %eq3A_83 = arith.constant 1 : i32
    %eq3A_84 = arith.cmpi eq, %arg0, %eq3A_83 : i32
    %convert_element_type3A_85 = arith.extui %eq3A_84 : i1 to i32
    %cond3A_86 = arith.constant 0 : i32
    %cond3A_87 = arith.cmpi ne, %convert_element_type3A_85, %cond3A_86 : i32
    scf.if %cond3A_87 {
      "tpu.region"() ({
        %run_scoped3A_88 = tpu.sem_alloc : memref<!tpu.dma_semaphore, #tpu.memory_space<semaphore_mem>>
        %dma_start3A = arith.constant 0 : i32
        %dma_start3A_89 = tpu.memref_slice %arg7[%mul3A_8, %dma_start3A] : memref<50048x16xf32, #tpu.memory_space<hbm>> -> memref<3128x16xf32, #tpu.memory_space<hbm>>
        %dma_start3A_90 = arith.constant 0 : i32
        %dma_start3A_91 = tpu.memref_slice %arg8[%mul3A_8, %dma_start3A_90] : memref<50048x16xf32, #tpu.memory_space<vmem_shared>> -> memref<3128x16xf32, #tpu.memory_space<vmem_shared>>
        tpu.enqueue_dma source(%dma_start3A_91 : memref<3128x16xf32, #tpu.memory_space<vmem_shared>>) target(%dma_start3A_89 : memref<3128x16xf32, #tpu.memory_space<hbm>>) target_semaphore(%run_scoped3A_88 : memref<!tpu.dma_semaphore, #tpu.memory_space<semaphore_mem>>)
        %dma_wait3A = arith.constant 0 : i32
        %dma_wait3A_92 = tpu.memref_slice %arg7[%mul3A_8, %dma_wait3A] : memref<50048x16xf32, #tpu.memory_space<hbm>> -> memref<3128x16xf32, #tpu.memory_space<hbm>>
        %dma_wait3A_93 = arith.constant 0 : i32
        %dma_wait3A_94 = tpu.memref_slice %arg8[%mul3A_8, %dma_wait3A_93] : memref<50048x16xf32, #tpu.memory_space<vmem_shared>> -> memref<3128x16xf32, #tpu.memory_space<vmem_shared>>
        tpu.wait_dma2 semaphore(%run_scoped3A_88 : memref<!tpu.dma_semaphore, #tpu.memory_space<semaphore_mem>>) src(%dma_wait3A_94 : memref<3128x16xf32, #tpu.memory_space<vmem_shared>>) dst(%dma_wait3A_92 : memref<3128x16xf32, #tpu.memory_space<hbm>>)
        tpu.yield
      }) : () -> ()
    } else {
    }
    return
  }
}

module attributes {stable_mosaic.version = 14 : i64} {
  func.func @_tc_body(%arg0: i32, %arg1: memref<1000x768xf32, #tpu.memory_space<vmem>>, %arg2: memref<1000x16xf32, #tpu.memory_space<vmem>>, %arg3: memref<1000x16xf32, #tpu.memory_space<vmem>>, %arg4: memref<128x768xf32, #tpu.memory_space<vmem>>, %arg5: memref<1x128xf32, #tpu.memory_space<vmem>>, %arg6: memref<128x128xf32, #tpu.memory_space<vmem>>, %arg7: memref<128x8xf32, #tpu.memory_space<vmem>>, %arg8: memref<1x128xf32, #tpu.memory_space<vmem>>, %arg9: memref<1x128xf32, #tpu.memory_space<vmem>>, %arg10: memref<1x128xf32, #tpu.memory_space<vmem>>, %arg11: memref<1x128xf32, #tpu.memory_space<vmem>>, %arg12: memref<2x128xf32, #tpu.memory_space<vmem>>, %arg13: memref<16x128xf32, #tpu.memory_space<vmem>>, %arg14: memref<1000x2xf32, #tpu.memory_space<vmem>>) attributes {dimension_semantics = [#tpu.dimension_semantics<arbitrary>], iteration_bounds = array<i64: 50>, scalar_prefetch = 0 : i64, scratch_operands = 0 : i64, tpu.core_type = #tpu.core_type<tc>, window_params = [{transform_indices = @transform_0, window_bounds = array<i64: 1000, 768>}, {transform_indices = @transform_1, window_bounds = array<i64: 1000, 16>}, {transform_indices = @transform_2, window_bounds = array<i64: 1000, 16>}, {pipeline_mode = #tpu.pipeline_mode<synchronous>, transform_indices = @transform_3, window_bounds = array<i64: 128, 768>}, {pipeline_mode = #tpu.pipeline_mode<synchronous>, transform_indices = @transform_4, window_bounds = array<i64: 1, 128>}, {pipeline_mode = #tpu.pipeline_mode<synchronous>, transform_indices = @transform_5, window_bounds = array<i64: 128, 128>}, {pipeline_mode = #tpu.pipeline_mode<synchronous>, transform_indices = @transform_6, window_bounds = array<i64: 128, 8>}, {pipeline_mode = #tpu.pipeline_mode<synchronous>, transform_indices = @transform_7, window_bounds = array<i64: 1, 128>}, {pipeline_mode = #tpu.pipeline_mode<synchronous>, transform_indices = @transform_8, window_bounds = array<i64: 1, 128>}, {pipeline_mode = #tpu.pipeline_mode<synchronous>, transform_indices = @transform_9, window_bounds = array<i64: 1, 128>}, {pipeline_mode = #tpu.pipeline_mode<synchronous>, transform_indices = @transform_10, window_bounds = array<i64: 1, 128>}, {pipeline_mode = #tpu.pipeline_mode<synchronous>, transform_indices = @transform_11, window_bounds = array<i64: 2, 128>}, {pipeline_mode = #tpu.pipeline_mode<synchronous>, transform_indices = @transform_12, window_bounds = array<i64: 16, 128>}, {transform_indices = @transform_13, window_bounds = array<i64: 1000, 2>}]} {
    %get3A = arith.constant 0 : index
    %get3A_0 = arith.constant 0 : index
    %get3A_1 = vector.load %arg1[%get3A, %get3A_0] : memref<1000x768xf32, #tpu.memory_space<vmem>>, vector<1000x768xf32>
    %get3A_2 = arith.constant 0 : index
    %get3A_3 = arith.constant 0 : index
    %get3A_4 = vector.load %arg4[%get3A_2, %get3A_3] : memref<128x768xf32, #tpu.memory_space<vmem>>, vector<128x768xf32>
    %dot_general3A = arith.constant dense<0.000000e+00> : vector<1000x128xf32>
    %dot_general3A_5 = tpu.matmul %get3A_1, %get3A_4, %dot_general3A {dimension_numbers = #tpu.dot_dimension_numbers<[1], [1], [0], [0], [0, 0, 1, 0], [], []>, transpose_lhs_hint = false} : vector<1000x768xf32>, vector<128x768xf32>, vector<1000x128xf32> -> vector<1000x128xf32>
    %get3A_6 = arith.constant 0 : index
    %get3A_7 = arith.constant 0 : index
    %get3A_8 = vector.load %arg5[%get3A_6, %get3A_7] : memref<1x128xf32, #tpu.memory_space<vmem>>, vector<1x128xf32>
    %add3A = vector.broadcast %get3A_8 : vector<1x128xf32> to vector<1000x128xf32>
    %add3A_9 = arith.addf %dot_general3A_5, %add3A : vector<1000x128xf32>
    %get3A_10 = arith.constant 0 : index
    %get3A_11 = arith.constant 0 : index
    %get3A_12 = vector.load %arg2[%get3A_10, %get3A_11] : memref<1000x16xf32, #tpu.memory_space<vmem>>, vector<1000x16xf32>
    %get3A_13 = arith.constant 0 : index
    %get3A_14 = arith.constant 0 : index
    %get3A_15 = vector.load %arg3[%get3A_13, %get3A_14] : memref<1000x16xf32, #tpu.memory_space<vmem>>, vector<1000x16xf32>
    %add3A_16 = arith.addf %get3A_12, %get3A_15 : vector<1000x16xf32>
    %slice3A = vector.extract_strided_slice %add3A_16 {offsets = [0, 8], sizes = [1000, 1], strides = [1, 1]} : vector<1000x16xf32> to vector<1000x1xf32>
    %slice3A_17 = vector.extract_strided_slice %add3A_16 {offsets = [0, 9], sizes = [1000, 1], strides = [1, 1]} : vector<1000x16xf32> to vector<1000x1xf32>
    %slice3A_18 = vector.extract_strided_slice %add3A_16 {offsets = [0, 10], sizes = [1000, 1], strides = [1, 1]} : vector<1000x16xf32> to vector<1000x1xf32>
    %slice3A_19 = vector.extract_strided_slice %add3A_16 {offsets = [0, 0], sizes = [1000, 8], strides = [1, 1]} : vector<1000x16xf32> to vector<1000x8xf32>
    %max3A = arith.constant 1.000000e+00 : f32
    %max3A_20 = vector.broadcast %max3A : f32 to vector<1000x1xf32>
    %max3A_21 = arith.maximumf %slice3A, %max3A_20 : vector<1000x1xf32>
    %div3A = vector.broadcast %max3A_21 : vector<1000x1xf32> to vector<1000x8xf32>
    %div3A_22 = arith.divf %slice3A_19, %div3A : vector<1000x8xf32>
    %max3A_23 = arith.constant 1.000000e+00 : f32
    %max3A_24 = vector.broadcast %max3A_23 : f32 to vector<1000x1xf32>
    %max3A_25 = arith.maximumf %slice3A_18, %max3A_24 : vector<1000x1xf32>
    %div3A_26 = arith.divf %slice3A_17, %max3A_25 : vector<1000x1xf32>
    %gt3A = arith.constant 0.000000e+00 : f32
    %gt3A_27 = vector.broadcast %gt3A : f32 to vector<1000x1xf32>
    %gt3A_28 = arith.cmpf ogt, %slice3A, %gt3A_27 : vector<1000x1xf32>
    %jit3A = arith.constant 1.000000e+00 : f32
    %jit3A_29 = arith.constant 0.000000e+00 : f32
    %broadcast_in_dim3A = vector.broadcast %jit3A : f32 to vector<1000x1xf32>
    %broadcast_in_dim3A_30 = vector.broadcast %jit3A_29 : f32 to vector<1000x1xf32>
    %select_n3A = arith.select %gt3A_28, %broadcast_in_dim3A, %broadcast_in_dim3A_30 : vector<1000x1xi1>, vector<1000x1xf32>
    %gt3A_31 = arith.constant 0.000000e+00 : f32
    %gt3A_32 = vector.broadcast %gt3A_31 : f32 to vector<1000x1xf32>
    %gt3A_33 = arith.cmpf ogt, %slice3A_18, %gt3A_32 : vector<1000x1xf32>
    %jit3A_34 = arith.constant 1.000000e+00 : f32
    %jit3A_35 = arith.constant 0.000000e+00 : f32
    %broadcast_in_dim3A_36 = vector.broadcast %jit3A_34 : f32 to vector<1000x1xf32>
    %broadcast_in_dim3A_37 = vector.broadcast %jit3A_35 : f32 to vector<1000x1xf32>
    %select_n3A_38 = arith.select %gt3A_33, %broadcast_in_dim3A_36, %broadcast_in_dim3A_37 : vector<1000x1xi1>, vector<1000x1xf32>
    %get3A_39 = arith.constant 0 : index
    %get3A_40 = arith.constant 0 : index
    %get3A_41 = vector.load %arg8[%get3A_39, %get3A_40] : memref<1x128xf32, #tpu.memory_space<vmem>>, vector<1x128xf32>
    %mul3A = vector.broadcast %div3A_26 : vector<1000x1xf32> to vector<1000x128xf32>
    %mul3A_42 = vector.broadcast %get3A_41 : vector<1x128xf32> to vector<1000x128xf32>
    %mul3A_43 = arith.mulf %mul3A, %mul3A_42 : vector<1000x128xf32>
    %get3A_44 = arith.constant 0 : index
    %get3A_45 = arith.constant 0 : index
    %get3A_46 = vector.load %arg9[%get3A_44, %get3A_45] : memref<1x128xf32, #tpu.memory_space<vmem>>, vector<1x128xf32>
    %mul3A_47 = vector.broadcast %select_n3A_38 : vector<1000x1xf32> to vector<1000x128xf32>
    %mul3A_48 = vector.broadcast %get3A_46 : vector<1x128xf32> to vector<1000x128xf32>
    %mul3A_49 = arith.mulf %mul3A_47, %mul3A_48 : vector<1000x128xf32>
    %add3A_50 = arith.addf %mul3A_43, %mul3A_49 : vector<1000x128xf32>
    %get3A_51 = arith.constant 0 : index
    %get3A_52 = arith.constant 0 : index
    %get3A_53 = vector.load %arg7[%get3A_51, %get3A_52] : memref<128x8xf32, #tpu.memory_space<vmem>>, vector<128x8xf32>
    %dot_general3A_54 = arith.constant dense<0.000000e+00> : vector<1000x128xf32>
    %dot_general3A_55 = tpu.matmul %div3A_22, %get3A_53, %dot_general3A_54 {dimension_numbers = #tpu.dot_dimension_numbers<[1], [1], [0], [0], [0, 0, 1, 0], [], []>, transpose_lhs_hint = false} : vector<1000x8xf32>, vector<128x8xf32>, vector<1000x128xf32> -> vector<1000x128xf32>
    %add3A_56 = arith.addf %add3A_50, %dot_general3A_55 : vector<1000x128xf32>
    %get3A_57 = arith.constant 0 : index
    %get3A_58 = arith.constant 0 : index
    %get3A_59 = vector.load %arg10[%get3A_57, %get3A_58] : memref<1x128xf32, #tpu.memory_space<vmem>>, vector<1x128xf32>
    %mul3A_60 = vector.broadcast %select_n3A : vector<1000x1xf32> to vector<1000x128xf32>
    %mul3A_61 = vector.broadcast %get3A_59 : vector<1x128xf32> to vector<1000x128xf32>
    %mul3A_62 = arith.mulf %mul3A_60, %mul3A_61 : vector<1000x128xf32>
    %add3A_63 = arith.addf %add3A_56, %mul3A_62 : vector<1000x128xf32>
    %get3A_64 = arith.constant 0 : index
    %get3A_65 = arith.constant 0 : index
    %get3A_66 = vector.load %arg11[%get3A_64, %get3A_65] : memref<1x128xf32, #tpu.memory_space<vmem>>, vector<1x128xf32>
    %add3A_67 = vector.broadcast %get3A_66 : vector<1x128xf32> to vector<1000x128xf32>
    %add3A_68 = arith.addf %add3A_63, %add3A_67 : vector<1000x128xf32>
    %get3A_69 = arith.constant 0 : index
    %get3A_70 = arith.constant 0 : index
    %get3A_71 = vector.load %arg6[%get3A_69, %get3A_70] : memref<128x128xf32, #tpu.memory_space<vmem>>, vector<128x128xf32>
    %dot_general3A_72 = arith.constant dense<0.000000e+00> : vector<1000x128xf32>
    %dot_general3A_73 = tpu.matmul %add3A_9, %get3A_71, %dot_general3A_72 {dimension_numbers = #tpu.dot_dimension_numbers<[1], [1], [0], [0], [0, 0, 1, 0], [], []>, transpose_lhs_hint = false} : vector<1000x128xf32>, vector<128x128xf32>, vector<1000x128xf32> -> vector<1000x128xf32>
    %add3A_74 = arith.addf %dot_general3A_73, %add3A_68 : vector<1000x128xf32>
    %mul3A_75 = arith.constant 5.000000e-01 : f32
    %mul3A_76 = vector.broadcast %mul3A_75 : f32 to vector<1000x128xf32>
    %mul3A_77 = arith.mulf %add3A_74, %mul3A_76 : vector<1000x128xf32>
    %ge3A = arith.constant 0.000000e+00 : f32
    %ge3A_78 = vector.broadcast %ge3A : f32 to vector<1000x128xf32>
    %ge3A_79 = arith.cmpf oge, %mul3A_77, %ge3A_78 : vector<1000x128xf32>
    %mul3A_80 = arith.constant 2.000000e-01 : f32
    %mul3A_81 = vector.broadcast %mul3A_80 : f32 to vector<1000x128xf32>
    %mul3A_82 = arith.mulf %mul3A_81, %mul3A_77 : vector<1000x128xf32>
    %select_n3A_83 = arith.select %ge3A_79, %mul3A_77, %mul3A_82 : vector<1000x128xi1>, vector<1000x128xf32>
    %add3A_84 = arith.addf %select_n3A_83, %add3A_9 : vector<1000x128xf32>
    %logistic3A = arith.negf %add3A_84 : vector<1000x128xf32>
    %logistic3A_85 = math.exp %logistic3A : vector<1000x128xf32>
    %logistic3A_86 = arith.constant 1.000000e+00 : f32
    %logistic3A_87 = vector.broadcast %logistic3A_86 : f32 to vector<1000x128xf32>
    %logistic3A_88 = arith.addf %logistic3A_87, %logistic3A_85 : vector<1000x128xf32>
    %logistic3A_89 = arith.divf %logistic3A_87, %logistic3A_88 : vector<1000x128xf32>
    %mul3A_90 = arith.mulf %add3A_84, %logistic3A_89 : vector<1000x128xf32>
    %ge3A_91 = arith.constant -2.200000e+00 : f32
    %ge3A_92 = vector.broadcast %ge3A_91 : f32 to vector<1000x128xf32>
    %ge3A_93 = arith.cmpf oge, %add3A_84, %ge3A_92 : vector<1000x128xf32>
    %lt3A = arith.constant -1.800000e+00 : f32
    %lt3A_94 = vector.broadcast %lt3A : f32 to vector<1000x128xf32>
    %lt3A_95 = arith.cmpf olt, %add3A_84, %lt3A_94 : vector<1000x128xf32>
    %and3A = arith.andi %ge3A_93, %lt3A_95 : vector<1000x128xi1>
    %jit3A_96 = arith.constant 1.000000e+00 : f32
    %jit3A_97 = arith.constant 0.000000e+00 : f32
    %broadcast_in_dim3A_98 = vector.broadcast %jit3A_96 : f32 to vector<1000x128xf32>
    %broadcast_in_dim3A_99 = vector.broadcast %jit3A_97 : f32 to vector<1000x128xf32>
    %select_n3A_100 = arith.select %and3A, %broadcast_in_dim3A_98, %broadcast_in_dim3A_99 : vector<1000x128xi1>, vector<1000x128xf32>
    %ge3A_101 = arith.constant -1.800000e+00 : f32
    %ge3A_102 = vector.broadcast %ge3A_101 : f32 to vector<1000x128xf32>
    %ge3A_103 = arith.cmpf oge, %add3A_84, %ge3A_102 : vector<1000x128xf32>
    %lt3A_104 = arith.constant -1.400000e+00 : f32
    %lt3A_105 = vector.broadcast %lt3A_104 : f32 to vector<1000x128xf32>
    %lt3A_106 = arith.cmpf olt, %add3A_84, %lt3A_105 : vector<1000x128xf32>
    %and3A_107 = arith.andi %ge3A_103, %lt3A_106 : vector<1000x128xi1>
    %jit3A_108 = arith.constant 1.000000e+00 : f32
    %jit3A_109 = arith.constant 0.000000e+00 : f32
    %broadcast_in_dim3A_110 = vector.broadcast %jit3A_108 : f32 to vector<1000x128xf32>
    %broadcast_in_dim3A_111 = vector.broadcast %jit3A_109 : f32 to vector<1000x128xf32>
    %select_n3A_112 = arith.select %and3A_107, %broadcast_in_dim3A_110, %broadcast_in_dim3A_111 : vector<1000x128xi1>, vector<1000x128xf32>
    %ge3A_113 = arith.constant -1.400000e+00 : f32
    %ge3A_114 = vector.broadcast %ge3A_113 : f32 to vector<1000x128xf32>
    %ge3A_115 = arith.cmpf oge, %add3A_84, %ge3A_114 : vector<1000x128xf32>
    %lt3A_116 = arith.constant -1.000000e+00 : f32
    %lt3A_117 = vector.broadcast %lt3A_116 : f32 to vector<1000x128xf32>
    %lt3A_118 = arith.cmpf olt, %add3A_84, %lt3A_117 : vector<1000x128xf32>
    %and3A_119 = arith.andi %ge3A_115, %lt3A_118 : vector<1000x128xi1>
    %jit3A_120 = arith.constant 1.000000e+00 : f32
    %jit3A_121 = arith.constant 0.000000e+00 : f32
    %broadcast_in_dim3A_122 = vector.broadcast %jit3A_120 : f32 to vector<1000x128xf32>
    %broadcast_in_dim3A_123 = vector.broadcast %jit3A_121 : f32 to vector<1000x128xf32>
    %select_n3A_124 = arith.select %and3A_119, %broadcast_in_dim3A_122, %broadcast_in_dim3A_123 : vector<1000x128xi1>, vector<1000x128xf32>
    %ge3A_125 = arith.constant -1.000000e+00 : f32
    %ge3A_126 = vector.broadcast %ge3A_125 : f32 to vector<1000x128xf32>
    %ge3A_127 = arith.cmpf oge, %add3A_84, %ge3A_126 : vector<1000x128xf32>
    %lt3A_128 = arith.constant -6.000000e-01 : f32
    %lt3A_129 = vector.broadcast %lt3A_128 : f32 to vector<1000x128xf32>
    %lt3A_130 = arith.cmpf olt, %add3A_84, %lt3A_129 : vector<1000x128xf32>
    %and3A_131 = arith.andi %ge3A_127, %lt3A_130 : vector<1000x128xi1>
    %jit3A_132 = arith.constant 1.000000e+00 : f32
    %jit3A_133 = arith.constant 0.000000e+00 : f32
    %broadcast_in_dim3A_134 = vector.broadcast %jit3A_132 : f32 to vector<1000x128xf32>
    %broadcast_in_dim3A_135 = vector.broadcast %jit3A_133 : f32 to vector<1000x128xf32>
    %select_n3A_136 = arith.select %and3A_131, %broadcast_in_dim3A_134, %broadcast_in_dim3A_135 : vector<1000x128xi1>, vector<1000x128xf32>
    %ge3A_137 = arith.constant -6.000000e-01 : f32
    %ge3A_138 = vector.broadcast %ge3A_137 : f32 to vector<1000x128xf32>
    %ge3A_139 = arith.cmpf oge, %add3A_84, %ge3A_138 : vector<1000x128xf32>
    %lt3A_140 = arith.constant -2.000000e-01 : f32
    %lt3A_141 = vector.broadcast %lt3A_140 : f32 to vector<1000x128xf32>
    %lt3A_142 = arith.cmpf olt, %add3A_84, %lt3A_141 : vector<1000x128xf32>
    %and3A_143 = arith.andi %ge3A_139, %lt3A_142 : vector<1000x128xi1>
    %jit3A_144 = arith.constant 1.000000e+00 : f32
    %jit3A_145 = arith.constant 0.000000e+00 : f32
    %broadcast_in_dim3A_146 = vector.broadcast %jit3A_144 : f32 to vector<1000x128xf32>
    %broadcast_in_dim3A_147 = vector.broadcast %jit3A_145 : f32 to vector<1000x128xf32>
    %select_n3A_148 = arith.select %and3A_143, %broadcast_in_dim3A_146, %broadcast_in_dim3A_147 : vector<1000x128xi1>, vector<1000x128xf32>
    %ge3A_149 = arith.constant -2.000000e-01 : f32
    %ge3A_150 = vector.broadcast %ge3A_149 : f32 to vector<1000x128xf32>
    %ge3A_151 = arith.cmpf oge, %add3A_84, %ge3A_150 : vector<1000x128xf32>
    %lt3A_152 = arith.constant 2.000000e-01 : f32
    %lt3A_153 = vector.broadcast %lt3A_152 : f32 to vector<1000x128xf32>
    %lt3A_154 = arith.cmpf olt, %add3A_84, %lt3A_153 : vector<1000x128xf32>
    %and3A_155 = arith.andi %ge3A_151, %lt3A_154 : vector<1000x128xi1>
    %jit3A_156 = arith.constant 1.000000e+00 : f32
    %jit3A_157 = arith.constant 0.000000e+00 : f32
    %broadcast_in_dim3A_158 = vector.broadcast %jit3A_156 : f32 to vector<1000x128xf32>
    %broadcast_in_dim3A_159 = vector.broadcast %jit3A_157 : f32 to vector<1000x128xf32>
    %select_n3A_160 = arith.select %and3A_155, %broadcast_in_dim3A_158, %broadcast_in_dim3A_159 : vector<1000x128xi1>, vector<1000x128xf32>
    %ge3A_161 = arith.constant 2.000000e-01 : f32
    %ge3A_162 = vector.broadcast %ge3A_161 : f32 to vector<1000x128xf32>
    %ge3A_163 = arith.cmpf oge, %add3A_84, %ge3A_162 : vector<1000x128xf32>
    %lt3A_164 = arith.constant 6.000000e-01 : f32
    %lt3A_165 = vector.broadcast %lt3A_164 : f32 to vector<1000x128xf32>
    %lt3A_166 = arith.cmpf olt, %add3A_84, %lt3A_165 : vector<1000x128xf32>
    %and3A_167 = arith.andi %ge3A_163, %lt3A_166 : vector<1000x128xi1>
    %jit3A_168 = arith.constant 1.000000e+00 : f32
    %jit3A_169 = arith.constant 0.000000e+00 : f32
    %broadcast_in_dim3A_170 = vector.broadcast %jit3A_168 : f32 to vector<1000x128xf32>
    %broadcast_in_dim3A_171 = vector.broadcast %jit3A_169 : f32 to vector<1000x128xf32>
    %select_n3A_172 = arith.select %and3A_167, %broadcast_in_dim3A_170, %broadcast_in_dim3A_171 : vector<1000x128xi1>, vector<1000x128xf32>
    %ge3A_173 = arith.constant 6.000000e-01 : f32
    %ge3A_174 = vector.broadcast %ge3A_173 : f32 to vector<1000x128xf32>
    %ge3A_175 = arith.cmpf oge, %add3A_84, %ge3A_174 : vector<1000x128xf32>
    %lt3A_176 = arith.constant 1.000000e+00 : f32
    %lt3A_177 = vector.broadcast %lt3A_176 : f32 to vector<1000x128xf32>
    %lt3A_178 = arith.cmpf olt, %add3A_84, %lt3A_177 : vector<1000x128xf32>
    %and3A_179 = arith.andi %ge3A_175, %lt3A_178 : vector<1000x128xi1>
    %jit3A_180 = arith.constant 1.000000e+00 : f32
    %jit3A_181 = arith.constant 0.000000e+00 : f32
    %broadcast_in_dim3A_182 = vector.broadcast %jit3A_180 : f32 to vector<1000x128xf32>
    %broadcast_in_dim3A_183 = vector.broadcast %jit3A_181 : f32 to vector<1000x128xf32>
    %select_n3A_184 = arith.select %and3A_179, %broadcast_in_dim3A_182, %broadcast_in_dim3A_183 : vector<1000x128xi1>, vector<1000x128xf32>
    %ge3A_185 = arith.constant 1.000000e+00 : f32
    %ge3A_186 = vector.broadcast %ge3A_185 : f32 to vector<1000x128xf32>
    %ge3A_187 = arith.cmpf oge, %add3A_84, %ge3A_186 : vector<1000x128xf32>
    %lt3A_188 = arith.constant 1.400000e+00 : f32
    %lt3A_189 = vector.broadcast %lt3A_188 : f32 to vector<1000x128xf32>
    %lt3A_190 = arith.cmpf olt, %add3A_84, %lt3A_189 : vector<1000x128xf32>
    %and3A_191 = arith.andi %ge3A_187, %lt3A_190 : vector<1000x128xi1>
    %jit3A_192 = arith.constant 1.000000e+00 : f32
    %jit3A_193 = arith.constant 0.000000e+00 : f32
    %broadcast_in_dim3A_194 = vector.broadcast %jit3A_192 : f32 to vector<1000x128xf32>
    %broadcast_in_dim3A_195 = vector.broadcast %jit3A_193 : f32 to vector<1000x128xf32>
    %select_n3A_196 = arith.select %and3A_191, %broadcast_in_dim3A_194, %broadcast_in_dim3A_195 : vector<1000x128xi1>, vector<1000x128xf32>
    %ge3A_197 = arith.constant 1.400000e+00 : f32
    %ge3A_198 = vector.broadcast %ge3A_197 : f32 to vector<1000x128xf32>
    %ge3A_199 = arith.cmpf oge, %add3A_84, %ge3A_198 : vector<1000x128xf32>
    %lt3A_200 = arith.constant 1.800000e+00 : f32
    %lt3A_201 = vector.broadcast %lt3A_200 : f32 to vector<1000x128xf32>
    %lt3A_202 = arith.cmpf olt, %add3A_84, %lt3A_201 : vector<1000x128xf32>
    %and3A_203 = arith.andi %ge3A_199, %lt3A_202 : vector<1000x128xi1>
    %jit3A_204 = arith.constant 1.000000e+00 : f32
    %jit3A_205 = arith.constant 0.000000e+00 : f32
    %broadcast_in_dim3A_206 = vector.broadcast %jit3A_204 : f32 to vector<1000x128xf32>
    %broadcast_in_dim3A_207 = vector.broadcast %jit3A_205 : f32 to vector<1000x128xf32>
    %select_n3A_208 = arith.select %and3A_203, %broadcast_in_dim3A_206, %broadcast_in_dim3A_207 : vector<1000x128xi1>, vector<1000x128xf32>
    %ge3A_209 = arith.constant 1.800000e+00 : f32
    %ge3A_210 = vector.broadcast %ge3A_209 : f32 to vector<1000x128xf32>
    %ge3A_211 = arith.cmpf oge, %add3A_84, %ge3A_210 : vector<1000x128xf32>
    %lt3A_212 = arith.constant 2.200000e+00 : f32
    %lt3A_213 = vector.broadcast %lt3A_212 : f32 to vector<1000x128xf32>
    %lt3A_214 = arith.cmpf olt, %add3A_84, %lt3A_213 : vector<1000x128xf32>
    %and3A_215 = arith.andi %ge3A_211, %lt3A_214 : vector<1000x128xi1>
    %jit3A_216 = arith.constant 1.000000e+00 : f32
    %jit3A_217 = arith.constant 0.000000e+00 : f32
    %broadcast_in_dim3A_218 = vector.broadcast %jit3A_216 : f32 to vector<1000x128xf32>
    %broadcast_in_dim3A_219 = vector.broadcast %jit3A_217 : f32 to vector<1000x128xf32>
    %select_n3A_220 = arith.select %and3A_215, %broadcast_in_dim3A_218, %broadcast_in_dim3A_219 : vector<1000x128xi1>, vector<1000x128xf32>
    %sub3A = arith.constant -2.200000e+00 : f32
    %sub3A_221 = vector.broadcast %sub3A : f32 to vector<1000x128xf32>
    %sub3A_222 = arith.subf %add3A_84, %sub3A_221 : vector<1000x128xf32>
    %div3A_223 = arith.constant 0.400000095 : f32
    %div3A_224 = vector.broadcast %div3A_223 : f32 to vector<1000x128xf32>
    %div3A_225 = arith.divf %sub3A_222, %div3A_224 : vector<1000x128xf32>
    %mul3A_226 = arith.mulf %div3A_225, %select_n3A_100 : vector<1000x128xf32>
    %sub3A_227 = arith.constant -1.400000e+00 : f32
    %sub3A_228 = vector.broadcast %sub3A_227 : f32 to vector<1000x128xf32>
    %sub3A_229 = arith.subf %sub3A_228, %add3A_84 : vector<1000x128xf32>
    %div3A_230 = arith.constant 0.399999976 : f32
    %div3A_231 = vector.broadcast %div3A_230 : f32 to vector<1000x128xf32>
    %div3A_232 = arith.divf %sub3A_229, %div3A_231 : vector<1000x128xf32>
    %mul3A_233 = arith.mulf %div3A_232, %select_n3A_112 : vector<1000x128xf32>
    %add3A_234 = arith.addf %mul3A_226, %mul3A_233 : vector<1000x128xf32>
    %sub3A_235 = arith.constant -1.800000e+00 : f32
    %sub3A_236 = vector.broadcast %sub3A_235 : f32 to vector<1000x128xf32>
    %sub3A_237 = arith.subf %add3A_84, %sub3A_236 : vector<1000x128xf32>
    %div3A_238 = arith.constant 0.399999976 : f32
    %div3A_239 = vector.broadcast %div3A_238 : f32 to vector<1000x128xf32>
    %div3A_240 = arith.divf %sub3A_237, %div3A_239 : vector<1000x128xf32>
    %mul3A_241 = arith.mulf %div3A_240, %select_n3A_112 : vector<1000x128xf32>
    %sub3A_242 = arith.constant -1.000000e+00 : f32
    %sub3A_243 = vector.broadcast %sub3A_242 : f32 to vector<1000x128xf32>
    %sub3A_244 = arith.subf %sub3A_243, %add3A_84 : vector<1000x128xf32>
    %div3A_245 = arith.constant 0.399999976 : f32
    %div3A_246 = vector.broadcast %div3A_245 : f32 to vector<1000x128xf32>
    %div3A_247 = arith.divf %sub3A_244, %div3A_246 : vector<1000x128xf32>
    %mul3A_248 = arith.mulf %div3A_247, %select_n3A_124 : vector<1000x128xf32>
    %add3A_249 = arith.addf %mul3A_241, %mul3A_248 : vector<1000x128xf32>
    %sub3A_250 = arith.constant -1.400000e+00 : f32
    %sub3A_251 = vector.broadcast %sub3A_250 : f32 to vector<1000x128xf32>
    %sub3A_252 = arith.subf %add3A_84, %sub3A_251 : vector<1000x128xf32>
    %div3A_253 = arith.constant 0.399999976 : f32
    %div3A_254 = vector.broadcast %div3A_253 : f32 to vector<1000x128xf32>
    %div3A_255 = arith.divf %sub3A_252, %div3A_254 : vector<1000x128xf32>
    %mul3A_256 = arith.mulf %div3A_255, %select_n3A_124 : vector<1000x128xf32>
    %sub3A_257 = arith.constant -6.000000e-01 : f32
    %sub3A_258 = vector.broadcast %sub3A_257 : f32 to vector<1000x128xf32>
    %sub3A_259 = arith.subf %sub3A_258, %add3A_84 : vector<1000x128xf32>
    %div3A_260 = arith.constant 0.399999976 : f32
    %div3A_261 = vector.broadcast %div3A_260 : f32 to vector<1000x128xf32>
    %div3A_262 = arith.divf %sub3A_259, %div3A_261 : vector<1000x128xf32>
    %mul3A_263 = arith.mulf %div3A_262, %select_n3A_136 : vector<1000x128xf32>
    %add3A_264 = arith.addf %mul3A_256, %mul3A_263 : vector<1000x128xf32>
    %sub3A_265 = arith.constant -1.000000e+00 : f32
    %sub3A_266 = vector.broadcast %sub3A_265 : f32 to vector<1000x128xf32>
    %sub3A_267 = arith.subf %add3A_84, %sub3A_266 : vector<1000x128xf32>
    %div3A_268 = arith.constant 0.399999976 : f32
    %div3A_269 = vector.broadcast %div3A_268 : f32 to vector<1000x128xf32>
    %div3A_270 = arith.divf %sub3A_267, %div3A_269 : vector<1000x128xf32>
    %mul3A_271 = arith.mulf %div3A_270, %select_n3A_136 : vector<1000x128xf32>
    %sub3A_272 = arith.constant -2.000000e-01 : f32
    %sub3A_273 = vector.broadcast %sub3A_272 : f32 to vector<1000x128xf32>
    %sub3A_274 = arith.subf %sub3A_273, %add3A_84 : vector<1000x128xf32>
    %div3A_275 = arith.constant 0.400000036 : f32
    %div3A_276 = vector.broadcast %div3A_275 : f32 to vector<1000x128xf32>
    %div3A_277 = arith.divf %sub3A_274, %div3A_276 : vector<1000x128xf32>
    %mul3A_278 = arith.mulf %div3A_277, %select_n3A_148 : vector<1000x128xf32>
    %add3A_279 = arith.addf %mul3A_271, %mul3A_278 : vector<1000x128xf32>
    %sub3A_280 = arith.constant -6.000000e-01 : f32
    %sub3A_281 = vector.broadcast %sub3A_280 : f32 to vector<1000x128xf32>
    %sub3A_282 = arith.subf %add3A_84, %sub3A_281 : vector<1000x128xf32>
    %div3A_283 = arith.constant 0.400000036 : f32
    %div3A_284 = vector.broadcast %div3A_283 : f32 to vector<1000x128xf32>
    %div3A_285 = arith.divf %sub3A_282, %div3A_284 : vector<1000x128xf32>
    %mul3A_286 = arith.mulf %div3A_285, %select_n3A_148 : vector<1000x128xf32>
    %sub3A_287 = arith.constant 2.000000e-01 : f32
    %sub3A_288 = vector.broadcast %sub3A_287 : f32 to vector<1000x128xf32>
    %sub3A_289 = arith.subf %sub3A_288, %add3A_84 : vector<1000x128xf32>
    %div3A_290 = arith.constant 4.000000e-01 : f32
    %div3A_291 = vector.broadcast %div3A_290 : f32 to vector<1000x128xf32>
    %div3A_292 = arith.divf %sub3A_289, %div3A_291 : vector<1000x128xf32>
    %mul3A_293 = arith.mulf %div3A_292, %select_n3A_160 : vector<1000x128xf32>
    %add3A_294 = arith.addf %mul3A_286, %mul3A_293 : vector<1000x128xf32>
    %sub3A_295 = arith.constant -2.000000e-01 : f32
    %sub3A_296 = vector.broadcast %sub3A_295 : f32 to vector<1000x128xf32>
    %sub3A_297 = arith.subf %add3A_84, %sub3A_296 : vector<1000x128xf32>
    %div3A_298 = arith.constant 4.000000e-01 : f32
    %div3A_299 = vector.broadcast %div3A_298 : f32 to vector<1000x128xf32>
    %div3A_300 = arith.divf %sub3A_297, %div3A_299 : vector<1000x128xf32>
    %mul3A_301 = arith.mulf %div3A_300, %select_n3A_160 : vector<1000x128xf32>
    %sub3A_302 = arith.constant 6.000000e-01 : f32
    %sub3A_303 = vector.broadcast %sub3A_302 : f32 to vector<1000x128xf32>
    %sub3A_304 = arith.subf %sub3A_303, %add3A_84 : vector<1000x128xf32>
    %div3A_305 = arith.constant 0.400000036 : f32
    %div3A_306 = vector.broadcast %div3A_305 : f32 to vector<1000x128xf32>
    %div3A_307 = arith.divf %sub3A_304, %div3A_306 : vector<1000x128xf32>
    %mul3A_308 = arith.mulf %div3A_307, %select_n3A_172 : vector<1000x128xf32>
    %add3A_309 = arith.addf %mul3A_301, %mul3A_308 : vector<1000x128xf32>
    %sub3A_310 = arith.constant 2.000000e-01 : f32
    %sub3A_311 = vector.broadcast %sub3A_310 : f32 to vector<1000x128xf32>
    %sub3A_312 = arith.subf %add3A_84, %sub3A_311 : vector<1000x128xf32>
    %div3A_313 = arith.constant 0.400000036 : f32
    %div3A_314 = vector.broadcast %div3A_313 : f32 to vector<1000x128xf32>
    %div3A_315 = arith.divf %sub3A_312, %div3A_314 : vector<1000x128xf32>
    %mul3A_316 = arith.mulf %div3A_315, %select_n3A_172 : vector<1000x128xf32>
    %sub3A_317 = arith.constant 1.000000e+00 : f32
    %sub3A_318 = vector.broadcast %sub3A_317 : f32 to vector<1000x128xf32>
    %sub3A_319 = arith.subf %sub3A_318, %add3A_84 : vector<1000x128xf32>
    %div3A_320 = arith.constant 0.399999976 : f32
    %div3A_321 = vector.broadcast %div3A_320 : f32 to vector<1000x128xf32>
    %div3A_322 = arith.divf %sub3A_319, %div3A_321 : vector<1000x128xf32>
    %mul3A_323 = arith.mulf %div3A_322, %select_n3A_184 : vector<1000x128xf32>
    %add3A_324 = arith.addf %mul3A_316, %mul3A_323 : vector<1000x128xf32>
    %sub3A_325 = arith.constant 6.000000e-01 : f32
    %sub3A_326 = vector.broadcast %sub3A_325 : f32 to vector<1000x128xf32>
    %sub3A_327 = arith.subf %add3A_84, %sub3A_326 : vector<1000x128xf32>
    %div3A_328 = arith.constant 0.399999976 : f32
    %div3A_329 = vector.broadcast %div3A_328 : f32 to vector<1000x128xf32>
    %div3A_330 = arith.divf %sub3A_327, %div3A_329 : vector<1000x128xf32>
    %mul3A_331 = arith.mulf %div3A_330, %select_n3A_184 : vector<1000x128xf32>
    %sub3A_332 = arith.constant 1.400000e+00 : f32
    %sub3A_333 = vector.broadcast %sub3A_332 : f32 to vector<1000x128xf32>
    %sub3A_334 = arith.subf %sub3A_333, %add3A_84 : vector<1000x128xf32>
    %div3A_335 = arith.constant 0.399999976 : f32
    %div3A_336 = vector.broadcast %div3A_335 : f32 to vector<1000x128xf32>
    %div3A_337 = arith.divf %sub3A_334, %div3A_336 : vector<1000x128xf32>
    %mul3A_338 = arith.mulf %div3A_337, %select_n3A_196 : vector<1000x128xf32>
    %add3A_339 = arith.addf %mul3A_331, %mul3A_338 : vector<1000x128xf32>
    %sub3A_340 = arith.constant 1.000000e+00 : f32
    %sub3A_341 = vector.broadcast %sub3A_340 : f32 to vector<1000x128xf32>
    %sub3A_342 = arith.subf %add3A_84, %sub3A_341 : vector<1000x128xf32>
    %div3A_343 = arith.constant 0.399999976 : f32
    %div3A_344 = vector.broadcast %div3A_343 : f32 to vector<1000x128xf32>
    %div3A_345 = arith.divf %sub3A_342, %div3A_344 : vector<1000x128xf32>
    %mul3A_346 = arith.mulf %div3A_345, %select_n3A_196 : vector<1000x128xf32>
    %sub3A_347 = arith.constant 1.800000e+00 : f32
    %sub3A_348 = vector.broadcast %sub3A_347 : f32 to vector<1000x128xf32>
    %sub3A_349 = arith.subf %sub3A_348, %add3A_84 : vector<1000x128xf32>
    %div3A_350 = arith.constant 0.399999976 : f32
    %div3A_351 = vector.broadcast %div3A_350 : f32 to vector<1000x128xf32>
    %div3A_352 = arith.divf %sub3A_349, %div3A_351 : vector<1000x128xf32>
    %mul3A_353 = arith.mulf %div3A_352, %select_n3A_208 : vector<1000x128xf32>
    %add3A_354 = arith.addf %mul3A_346, %mul3A_353 : vector<1000x128xf32>
    %sub3A_355 = arith.constant 1.400000e+00 : f32
    %sub3A_356 = vector.broadcast %sub3A_355 : f32 to vector<1000x128xf32>
    %sub3A_357 = arith.subf %add3A_84, %sub3A_356 : vector<1000x128xf32>
    %div3A_358 = arith.constant 0.399999976 : f32
    %div3A_359 = vector.broadcast %div3A_358 : f32 to vector<1000x128xf32>
    %div3A_360 = arith.divf %sub3A_357, %div3A_359 : vector<1000x128xf32>
    %mul3A_361 = arith.mulf %div3A_360, %select_n3A_208 : vector<1000x128xf32>
    %sub3A_362 = arith.constant 2.200000e+00 : f32
    %sub3A_363 = vector.broadcast %sub3A_362 : f32 to vector<1000x128xf32>
    %sub3A_364 = arith.subf %sub3A_363, %add3A_84 : vector<1000x128xf32>
    %div3A_365 = arith.constant 0.400000095 : f32
    %div3A_366 = vector.broadcast %div3A_365 : f32 to vector<1000x128xf32>
    %div3A_367 = arith.divf %sub3A_364, %div3A_366 : vector<1000x128xf32>
    %mul3A_368 = arith.mulf %div3A_367, %select_n3A_220 : vector<1000x128xf32>
    %add3A_369 = arith.addf %mul3A_361, %mul3A_368 : vector<1000x128xf32>
    %sub3A_370 = arith.constant -2.200000e+00 : f32
    %sub3A_371 = vector.broadcast %sub3A_370 : f32 to vector<1000x128xf32>
    %sub3A_372 = arith.subf %add3A_84, %sub3A_371 : vector<1000x128xf32>
    %div3A_373 = arith.constant 0.800000071 : f32
    %div3A_374 = vector.broadcast %div3A_373 : f32 to vector<1000x128xf32>
    %div3A_375 = arith.divf %sub3A_372, %div3A_374 : vector<1000x128xf32>
    %mul3A_376 = arith.mulf %div3A_375, %add3A_234 : vector<1000x128xf32>
    %sub3A_377 = arith.constant -1.000000e+00 : f32
    %sub3A_378 = vector.broadcast %sub3A_377 : f32 to vector<1000x128xf32>
    %sub3A_379 = arith.subf %sub3A_378, %add3A_84 : vector<1000x128xf32>
    %div3A_380 = arith.constant 0.799999952 : f32
    %div3A_381 = vector.broadcast %div3A_380 : f32 to vector<1000x128xf32>
    %div3A_382 = arith.divf %sub3A_379, %div3A_381 : vector<1000x128xf32>
    %mul3A_383 = arith.mulf %div3A_382, %add3A_249 : vector<1000x128xf32>
    %add3A_384 = arith.addf %mul3A_376, %mul3A_383 : vector<1000x128xf32>
    %sub3A_385 = arith.constant -1.800000e+00 : f32
    %sub3A_386 = vector.broadcast %sub3A_385 : f32 to vector<1000x128xf32>
    %sub3A_387 = arith.subf %add3A_84, %sub3A_386 : vector<1000x128xf32>
    %div3A_388 = arith.constant 0.799999952 : f32
    %div3A_389 = vector.broadcast %div3A_388 : f32 to vector<1000x128xf32>
    %div3A_390 = arith.divf %sub3A_387, %div3A_389 : vector<1000x128xf32>
    %mul3A_391 = arith.mulf %div3A_390, %add3A_249 : vector<1000x128xf32>
    %sub3A_392 = arith.constant -6.000000e-01 : f32
    %sub3A_393 = vector.broadcast %sub3A_392 : f32 to vector<1000x128xf32>
    %sub3A_394 = arith.subf %sub3A_393, %add3A_84 : vector<1000x128xf32>
    %div3A_395 = arith.constant 0.799999952 : f32
    %div3A_396 = vector.broadcast %div3A_395 : f32 to vector<1000x128xf32>
    %div3A_397 = arith.divf %sub3A_394, %div3A_396 : vector<1000x128xf32>
    %mul3A_398 = arith.mulf %div3A_397, %add3A_264 : vector<1000x128xf32>
    %add3A_399 = arith.addf %mul3A_391, %mul3A_398 : vector<1000x128xf32>
    %sub3A_400 = arith.constant -1.400000e+00 : f32
    %sub3A_401 = vector.broadcast %sub3A_400 : f32 to vector<1000x128xf32>
    %sub3A_402 = arith.subf %add3A_84, %sub3A_401 : vector<1000x128xf32>
    %div3A_403 = arith.constant 0.799999952 : f32
    %div3A_404 = vector.broadcast %div3A_403 : f32 to vector<1000x128xf32>
    %div3A_405 = arith.divf %sub3A_402, %div3A_404 : vector<1000x128xf32>
    %mul3A_406 = arith.mulf %div3A_405, %add3A_264 : vector<1000x128xf32>
    %sub3A_407 = arith.constant -2.000000e-01 : f32
    %sub3A_408 = vector.broadcast %sub3A_407 : f32 to vector<1000x128xf32>
    %sub3A_409 = arith.subf %sub3A_408, %add3A_84 : vector<1000x128xf32>
    %div3A_410 = arith.constant 8.000000e-01 : f32
    %div3A_411 = vector.broadcast %div3A_410 : f32 to vector<1000x128xf32>
    %div3A_412 = arith.divf %sub3A_409, %div3A_411 : vector<1000x128xf32>
    %mul3A_413 = arith.mulf %div3A_412, %add3A_279 : vector<1000x128xf32>
    %add3A_414 = arith.addf %mul3A_406, %mul3A_413 : vector<1000x128xf32>
    %sub3A_415 = arith.constant -1.000000e+00 : f32
    %sub3A_416 = vector.broadcast %sub3A_415 : f32 to vector<1000x128xf32>
    %sub3A_417 = arith.subf %add3A_84, %sub3A_416 : vector<1000x128xf32>
    %div3A_418 = arith.constant 8.000000e-01 : f32
    %div3A_419 = vector.broadcast %div3A_418 : f32 to vector<1000x128xf32>
    %div3A_420 = arith.divf %sub3A_417, %div3A_419 : vector<1000x128xf32>
    %mul3A_421 = arith.mulf %div3A_420, %add3A_279 : vector<1000x128xf32>
    %sub3A_422 = arith.constant 2.000000e-01 : f32
    %sub3A_423 = vector.broadcast %sub3A_422 : f32 to vector<1000x128xf32>
    %sub3A_424 = arith.subf %sub3A_423, %add3A_84 : vector<1000x128xf32>
    %div3A_425 = arith.constant 8.000000e-01 : f32
    %div3A_426 = vector.broadcast %div3A_425 : f32 to vector<1000x128xf32>
    %div3A_427 = arith.divf %sub3A_424, %div3A_426 : vector<1000x128xf32>
    %mul3A_428 = arith.mulf %div3A_427, %add3A_294 : vector<1000x128xf32>
    %add3A_429 = arith.addf %mul3A_421, %mul3A_428 : vector<1000x128xf32>
    %sub3A_430 = arith.constant -6.000000e-01 : f32
    %sub3A_431 = vector.broadcast %sub3A_430 : f32 to vector<1000x128xf32>
    %sub3A_432 = arith.subf %add3A_84, %sub3A_431 : vector<1000x128xf32>
    %div3A_433 = arith.constant 8.000000e-01 : f32
    %div3A_434 = vector.broadcast %div3A_433 : f32 to vector<1000x128xf32>
    %div3A_435 = arith.divf %sub3A_432, %div3A_434 : vector<1000x128xf32>
    %mul3A_436 = arith.mulf %div3A_435, %add3A_294 : vector<1000x128xf32>
    %sub3A_437 = arith.constant 6.000000e-01 : f32
    %sub3A_438 = vector.broadcast %sub3A_437 : f32 to vector<1000x128xf32>
    %sub3A_439 = arith.subf %sub3A_438, %add3A_84 : vector<1000x128xf32>
    %div3A_440 = arith.constant 8.000000e-01 : f32
    %div3A_441 = vector.broadcast %div3A_440 : f32 to vector<1000x128xf32>
    %div3A_442 = arith.divf %sub3A_439, %div3A_441 : vector<1000x128xf32>
    %mul3A_443 = arith.mulf %div3A_442, %add3A_309 : vector<1000x128xf32>
    %add3A_444 = arith.addf %mul3A_436, %mul3A_443 : vector<1000x128xf32>
    %sub3A_445 = arith.constant -2.000000e-01 : f32
    %sub3A_446 = vector.broadcast %sub3A_445 : f32 to vector<1000x128xf32>
    %sub3A_447 = arith.subf %add3A_84, %sub3A_446 : vector<1000x128xf32>
    %div3A_448 = arith.constant 8.000000e-01 : f32
    %div3A_449 = vector.broadcast %div3A_448 : f32 to vector<1000x128xf32>
    %div3A_450 = arith.divf %sub3A_447, %div3A_449 : vector<1000x128xf32>
    %mul3A_451 = arith.mulf %div3A_450, %add3A_309 : vector<1000x128xf32>
    %sub3A_452 = arith.constant 1.000000e+00 : f32
    %sub3A_453 = vector.broadcast %sub3A_452 : f32 to vector<1000x128xf32>
    %sub3A_454 = arith.subf %sub3A_453, %add3A_84 : vector<1000x128xf32>
    %div3A_455 = arith.constant 8.000000e-01 : f32
    %div3A_456 = vector.broadcast %div3A_455 : f32 to vector<1000x128xf32>
    %div3A_457 = arith.divf %sub3A_454, %div3A_456 : vector<1000x128xf32>
    %mul3A_458 = arith.mulf %div3A_457, %add3A_324 : vector<1000x128xf32>
    %add3A_459 = arith.addf %mul3A_451, %mul3A_458 : vector<1000x128xf32>
    %sub3A_460 = arith.constant 2.000000e-01 : f32
    %sub3A_461 = vector.broadcast %sub3A_460 : f32 to vector<1000x128xf32>
    %sub3A_462 = arith.subf %add3A_84, %sub3A_461 : vector<1000x128xf32>
    %div3A_463 = arith.constant 8.000000e-01 : f32
    %div3A_464 = vector.broadcast %div3A_463 : f32 to vector<1000x128xf32>
    %div3A_465 = arith.divf %sub3A_462, %div3A_464 : vector<1000x128xf32>
    %mul3A_466 = arith.mulf %div3A_465, %add3A_324 : vector<1000x128xf32>
    %sub3A_467 = arith.constant 1.400000e+00 : f32
    %sub3A_468 = vector.broadcast %sub3A_467 : f32 to vector<1000x128xf32>
    %sub3A_469 = arith.subf %sub3A_468, %add3A_84 : vector<1000x128xf32>
    %div3A_470 = arith.constant 0.799999952 : f32
    %div3A_471 = vector.broadcast %div3A_470 : f32 to vector<1000x128xf32>
    %div3A_472 = arith.divf %sub3A_469, %div3A_471 : vector<1000x128xf32>
    %mul3A_473 = arith.mulf %div3A_472, %add3A_339 : vector<1000x128xf32>
    %add3A_474 = arith.addf %mul3A_466, %mul3A_473 : vector<1000x128xf32>
    %sub3A_475 = arith.constant 6.000000e-01 : f32
    %sub3A_476 = vector.broadcast %sub3A_475 : f32 to vector<1000x128xf32>
    %sub3A_477 = arith.subf %add3A_84, %sub3A_476 : vector<1000x128xf32>
    %div3A_478 = arith.constant 0.799999952 : f32
    %div3A_479 = vector.broadcast %div3A_478 : f32 to vector<1000x128xf32>
    %div3A_480 = arith.divf %sub3A_477, %div3A_479 : vector<1000x128xf32>
    %mul3A_481 = arith.mulf %div3A_480, %add3A_339 : vector<1000x128xf32>
    %sub3A_482 = arith.constant 1.800000e+00 : f32
    %sub3A_483 = vector.broadcast %sub3A_482 : f32 to vector<1000x128xf32>
    %sub3A_484 = arith.subf %sub3A_483, %add3A_84 : vector<1000x128xf32>
    %div3A_485 = arith.constant 0.799999952 : f32
    %div3A_486 = vector.broadcast %div3A_485 : f32 to vector<1000x128xf32>
    %div3A_487 = arith.divf %sub3A_484, %div3A_486 : vector<1000x128xf32>
    %mul3A_488 = arith.mulf %div3A_487, %add3A_354 : vector<1000x128xf32>
    %add3A_489 = arith.addf %mul3A_481, %mul3A_488 : vector<1000x128xf32>
    %sub3A_490 = arith.constant 1.000000e+00 : f32
    %sub3A_491 = vector.broadcast %sub3A_490 : f32 to vector<1000x128xf32>
    %sub3A_492 = arith.subf %add3A_84, %sub3A_491 : vector<1000x128xf32>
    %div3A_493 = arith.constant 0.799999952 : f32
    %div3A_494 = vector.broadcast %div3A_493 : f32 to vector<1000x128xf32>
    %div3A_495 = arith.divf %sub3A_492, %div3A_494 : vector<1000x128xf32>
    %mul3A_496 = arith.mulf %div3A_495, %add3A_354 : vector<1000x128xf32>
    %sub3A_497 = arith.constant 2.200000e+00 : f32
    %sub3A_498 = vector.broadcast %sub3A_497 : f32 to vector<1000x128xf32>
    %sub3A_499 = arith.subf %sub3A_498, %add3A_84 : vector<1000x128xf32>
    %div3A_500 = arith.constant 0.800000071 : f32
    %div3A_501 = vector.broadcast %div3A_500 : f32 to vector<1000x128xf32>
    %div3A_502 = arith.divf %sub3A_499, %div3A_501 : vector<1000x128xf32>
    %mul3A_503 = arith.mulf %div3A_502, %add3A_369 : vector<1000x128xf32>
    %add3A_504 = arith.addf %mul3A_496, %mul3A_503 : vector<1000x128xf32>
    %sub3A_505 = arith.constant -2.200000e+00 : f32
    %sub3A_506 = vector.broadcast %sub3A_505 : f32 to vector<1000x128xf32>
    %sub3A_507 = arith.subf %add3A_84, %sub3A_506 : vector<1000x128xf32>
    %div3A_508 = arith.constant 1.200000e+00 : f32
    %div3A_509 = vector.broadcast %div3A_508 : f32 to vector<1000x128xf32>
    %div3A_510 = arith.divf %sub3A_507, %div3A_509 : vector<1000x128xf32>
    %mul3A_511 = arith.mulf %div3A_510, %add3A_384 : vector<1000x128xf32>
    %sub3A_512 = arith.constant -6.000000e-01 : f32
    %sub3A_513 = vector.broadcast %sub3A_512 : f32 to vector<1000x128xf32>
    %sub3A_514 = arith.subf %sub3A_513, %add3A_84 : vector<1000x128xf32>
    %div3A_515 = arith.constant 1.19999993 : f32
    %div3A_516 = vector.broadcast %div3A_515 : f32 to vector<1000x128xf32>
    %div3A_517 = arith.divf %sub3A_514, %div3A_516 : vector<1000x128xf32>
    %mul3A_518 = arith.mulf %div3A_517, %add3A_399 : vector<1000x128xf32>
    %add3A_519 = arith.addf %mul3A_511, %mul3A_518 : vector<1000x128xf32>
    %sub3A_520 = arith.constant -1.800000e+00 : f32
    %sub3A_521 = vector.broadcast %sub3A_520 : f32 to vector<1000x128xf32>
    %sub3A_522 = arith.subf %add3A_84, %sub3A_521 : vector<1000x128xf32>
    %div3A_523 = arith.constant 1.19999993 : f32
    %div3A_524 = vector.broadcast %div3A_523 : f32 to vector<1000x128xf32>
    %div3A_525 = arith.divf %sub3A_522, %div3A_524 : vector<1000x128xf32>
    %mul3A_526 = arith.mulf %div3A_525, %add3A_399 : vector<1000x128xf32>
    %sub3A_527 = arith.constant -2.000000e-01 : f32
    %sub3A_528 = vector.broadcast %sub3A_527 : f32 to vector<1000x128xf32>
    %sub3A_529 = arith.subf %sub3A_528, %add3A_84 : vector<1000x128xf32>
    %div3A_530 = arith.constant 1.19999993 : f32
    %div3A_531 = vector.broadcast %div3A_530 : f32 to vector<1000x128xf32>
    %div3A_532 = arith.divf %sub3A_529, %div3A_531 : vector<1000x128xf32>
    %mul3A_533 = arith.mulf %div3A_532, %add3A_414 : vector<1000x128xf32>
    %add3A_534 = arith.addf %mul3A_526, %mul3A_533 : vector<1000x128xf32>
    %sub3A_535 = arith.constant -1.400000e+00 : f32
    %sub3A_536 = vector.broadcast %sub3A_535 : f32 to vector<1000x128xf32>
    %sub3A_537 = arith.subf %add3A_84, %sub3A_536 : vector<1000x128xf32>
    %div3A_538 = arith.constant 1.19999993 : f32
    %div3A_539 = vector.broadcast %div3A_538 : f32 to vector<1000x128xf32>
    %div3A_540 = arith.divf %sub3A_537, %div3A_539 : vector<1000x128xf32>
    %mul3A_541 = arith.mulf %div3A_540, %add3A_414 : vector<1000x128xf32>
    %sub3A_542 = arith.constant 2.000000e-01 : f32
    %sub3A_543 = vector.broadcast %sub3A_542 : f32 to vector<1000x128xf32>
    %sub3A_544 = arith.subf %sub3A_543, %add3A_84 : vector<1000x128xf32>
    %div3A_545 = arith.constant 1.200000e+00 : f32
    %div3A_546 = vector.broadcast %div3A_545 : f32 to vector<1000x128xf32>
    %div3A_547 = arith.divf %sub3A_544, %div3A_546 : vector<1000x128xf32>
    %mul3A_548 = arith.mulf %div3A_547, %add3A_429 : vector<1000x128xf32>
    %add3A_549 = arith.addf %mul3A_541, %mul3A_548 : vector<1000x128xf32>
    %sub3A_550 = arith.constant -1.000000e+00 : f32
    %sub3A_551 = vector.broadcast %sub3A_550 : f32 to vector<1000x128xf32>
    %sub3A_552 = arith.subf %add3A_84, %sub3A_551 : vector<1000x128xf32>
    %div3A_553 = arith.constant 1.200000e+00 : f32
    %div3A_554 = vector.broadcast %div3A_553 : f32 to vector<1000x128xf32>
    %div3A_555 = arith.divf %sub3A_552, %div3A_554 : vector<1000x128xf32>
    %mul3A_556 = arith.mulf %div3A_555, %add3A_429 : vector<1000x128xf32>
    %sub3A_557 = arith.constant 6.000000e-01 : f32
    %sub3A_558 = vector.broadcast %sub3A_557 : f32 to vector<1000x128xf32>
    %sub3A_559 = arith.subf %sub3A_558, %add3A_84 : vector<1000x128xf32>
    %div3A_560 = arith.constant 1.200000e+00 : f32
    %div3A_561 = vector.broadcast %div3A_560 : f32 to vector<1000x128xf32>
    %div3A_562 = arith.divf %sub3A_559, %div3A_561 : vector<1000x128xf32>
    %mul3A_563 = arith.mulf %div3A_562, %add3A_444 : vector<1000x128xf32>
    %add3A_564 = arith.addf %mul3A_556, %mul3A_563 : vector<1000x128xf32>
    %sub3A_565 = arith.constant -6.000000e-01 : f32
    %sub3A_566 = vector.broadcast %sub3A_565 : f32 to vector<1000x128xf32>
    %sub3A_567 = arith.subf %add3A_84, %sub3A_566 : vector<1000x128xf32>
    %div3A_568 = arith.constant 1.200000e+00 : f32
    %div3A_569 = vector.broadcast %div3A_568 : f32 to vector<1000x128xf32>
    %div3A_570 = arith.divf %sub3A_567, %div3A_569 : vector<1000x128xf32>
    %mul3A_571 = arith.mulf %div3A_570, %add3A_444 : vector<1000x128xf32>
    %sub3A_572 = arith.constant 1.000000e+00 : f32
    %sub3A_573 = vector.broadcast %sub3A_572 : f32 to vector<1000x128xf32>
    %sub3A_574 = arith.subf %sub3A_573, %add3A_84 : vector<1000x128xf32>
    %div3A_575 = arith.constant 1.200000e+00 : f32
    %div3A_576 = vector.broadcast %div3A_575 : f32 to vector<1000x128xf32>
    %div3A_577 = arith.divf %sub3A_574, %div3A_576 : vector<1000x128xf32>
    %mul3A_578 = arith.mulf %div3A_577, %add3A_459 : vector<1000x128xf32>
    %add3A_579 = arith.addf %mul3A_571, %mul3A_578 : vector<1000x128xf32>
    %sub3A_580 = arith.constant -2.000000e-01 : f32
    %sub3A_581 = vector.broadcast %sub3A_580 : f32 to vector<1000x128xf32>
    %sub3A_582 = arith.subf %add3A_84, %sub3A_581 : vector<1000x128xf32>
    %div3A_583 = arith.constant 1.200000e+00 : f32
    %div3A_584 = vector.broadcast %div3A_583 : f32 to vector<1000x128xf32>
    %div3A_585 = arith.divf %sub3A_582, %div3A_584 : vector<1000x128xf32>
    %mul3A_586 = arith.mulf %div3A_585, %add3A_459 : vector<1000x128xf32>
    %sub3A_587 = arith.constant 1.400000e+00 : f32
    %sub3A_588 = vector.broadcast %sub3A_587 : f32 to vector<1000x128xf32>
    %sub3A_589 = arith.subf %sub3A_588, %add3A_84 : vector<1000x128xf32>
    %div3A_590 = arith.constant 1.19999993 : f32
    %div3A_591 = vector.broadcast %div3A_590 : f32 to vector<1000x128xf32>
    %div3A_592 = arith.divf %sub3A_589, %div3A_591 : vector<1000x128xf32>
    %mul3A_593 = arith.mulf %div3A_592, %add3A_474 : vector<1000x128xf32>
    %add3A_594 = arith.addf %mul3A_586, %mul3A_593 : vector<1000x128xf32>
    %sub3A_595 = arith.constant 2.000000e-01 : f32
    %sub3A_596 = vector.broadcast %sub3A_595 : f32 to vector<1000x128xf32>
    %sub3A_597 = arith.subf %add3A_84, %sub3A_596 : vector<1000x128xf32>
    %div3A_598 = arith.constant 1.19999993 : f32
    %div3A_599 = vector.broadcast %div3A_598 : f32 to vector<1000x128xf32>
    %div3A_600 = arith.divf %sub3A_597, %div3A_599 : vector<1000x128xf32>
    %mul3A_601 = arith.mulf %div3A_600, %add3A_474 : vector<1000x128xf32>
    %sub3A_602 = arith.constant 1.800000e+00 : f32
    %sub3A_603 = vector.broadcast %sub3A_602 : f32 to vector<1000x128xf32>
    %sub3A_604 = arith.subf %sub3A_603, %add3A_84 : vector<1000x128xf32>
    %div3A_605 = arith.constant 1.19999993 : f32
    %div3A_606 = vector.broadcast %div3A_605 : f32 to vector<1000x128xf32>
    %div3A_607 = arith.divf %sub3A_604, %div3A_606 : vector<1000x128xf32>
    %mul3A_608 = arith.mulf %div3A_607, %add3A_489 : vector<1000x128xf32>
    %add3A_609 = arith.addf %mul3A_601, %mul3A_608 : vector<1000x128xf32>
    %sub3A_610 = arith.constant 6.000000e-01 : f32
    %sub3A_611 = vector.broadcast %sub3A_610 : f32 to vector<1000x128xf32>
    %sub3A_612 = arith.subf %add3A_84, %sub3A_611 : vector<1000x128xf32>
    %div3A_613 = arith.constant 1.19999993 : f32
    %div3A_614 = vector.broadcast %div3A_613 : f32 to vector<1000x128xf32>
    %div3A_615 = arith.divf %sub3A_612, %div3A_614 : vector<1000x128xf32>
    %mul3A_616 = arith.mulf %div3A_615, %add3A_489 : vector<1000x128xf32>
    %sub3A_617 = arith.constant 2.200000e+00 : f32
    %sub3A_618 = vector.broadcast %sub3A_617 : f32 to vector<1000x128xf32>
    %sub3A_619 = arith.subf %sub3A_618, %add3A_84 : vector<1000x128xf32>
    %div3A_620 = arith.constant 1.200000e+00 : f32
    %div3A_621 = vector.broadcast %div3A_620 : f32 to vector<1000x128xf32>
    %div3A_622 = arith.divf %sub3A_619, %div3A_621 : vector<1000x128xf32>
    %mul3A_623 = arith.mulf %div3A_622, %add3A_504 : vector<1000x128xf32>
    %add3A_624 = arith.addf %mul3A_616, %mul3A_623 : vector<1000x128xf32>
    %get3A_625 = arith.constant 0 : index
    %get3A_626 = arith.constant 0 : index
    %get3A_627 = vector.load %arg12[%get3A_625, %get3A_626] : memref<2x128xf32, #tpu.memory_space<vmem>>, vector<2x128xf32>
    %get3A_628 = arith.constant 0 : index
    %get3A_629 = arith.constant 0 : index
    %get3A_630 = vector.load %arg13[%get3A_628, %get3A_629] : memref<16x128xf32, #tpu.memory_space<vmem>>, vector<16x128xf32>
    %slice3A_631 = vector.extract_strided_slice %get3A_627 {offsets = [0, 0], sizes = [1, 128], strides = [1, 1]} : vector<2x128xf32> to vector<1x128xf32>
    %mul3A_632 = vector.broadcast %slice3A_631 : vector<1x128xf32> to vector<1000x128xf32>
    %mul3A_633 = arith.mulf %mul3A_90, %mul3A_632 : vector<1000x128xf32>
    %slice3A_634 = vector.extract_strided_slice %get3A_627 {offsets = [1, 0], sizes = [1, 128], strides = [1, 1]} : vector<2x128xf32> to vector<1x128xf32>
    %mul3A_635 = vector.broadcast %slice3A_634 : vector<1x128xf32> to vector<1000x128xf32>
    %mul3A_636 = arith.mulf %mul3A_90, %mul3A_635 : vector<1000x128xf32>
    %slice3A_637 = vector.extract_strided_slice %get3A_630 {offsets = [0, 0], sizes = [1, 128], strides = [1, 1]} : vector<16x128xf32> to vector<1x128xf32>
    %mul3A_638 = vector.broadcast %slice3A_637 : vector<1x128xf32> to vector<1000x128xf32>
    %mul3A_639 = arith.mulf %add3A_519, %mul3A_638 : vector<1000x128xf32>
    %add3A_640 = arith.addf %mul3A_633, %mul3A_639 : vector<1000x128xf32>
    %slice3A_641 = vector.extract_strided_slice %get3A_630 {offsets = [1, 0], sizes = [1, 128], strides = [1, 1]} : vector<16x128xf32> to vector<1x128xf32>
    %mul3A_642 = vector.broadcast %slice3A_641 : vector<1x128xf32> to vector<1000x128xf32>
    %mul3A_643 = arith.mulf %add3A_519, %mul3A_642 : vector<1000x128xf32>
    %add3A_644 = arith.addf %mul3A_636, %mul3A_643 : vector<1000x128xf32>
    %slice3A_645 = vector.extract_strided_slice %get3A_630 {offsets = [2, 0], sizes = [1, 128], strides = [1, 1]} : vector<16x128xf32> to vector<1x128xf32>
    %mul3A_646 = vector.broadcast %slice3A_645 : vector<1x128xf32> to vector<1000x128xf32>
    %mul3A_647 = arith.mulf %add3A_534, %mul3A_646 : vector<1000x128xf32>
    %add3A_648 = arith.addf %add3A_640, %mul3A_647 : vector<1000x128xf32>
    %slice3A_649 = vector.extract_strided_slice %get3A_630 {offsets = [3, 0], sizes = [1, 128], strides = [1, 1]} : vector<16x128xf32> to vector<1x128xf32>
    %mul3A_650 = vector.broadcast %slice3A_649 : vector<1x128xf32> to vector<1000x128xf32>
    %mul3A_651 = arith.mulf %add3A_534, %mul3A_650 : vector<1000x128xf32>
    %add3A_652 = arith.addf %add3A_644, %mul3A_651 : vector<1000x128xf32>
    %slice3A_653 = vector.extract_strided_slice %get3A_630 {offsets = [4, 0], sizes = [1, 128], strides = [1, 1]} : vector<16x128xf32> to vector<1x128xf32>
    %mul3A_654 = vector.broadcast %slice3A_653 : vector<1x128xf32> to vector<1000x128xf32>
    %mul3A_655 = arith.mulf %add3A_549, %mul3A_654 : vector<1000x128xf32>
    %add3A_656 = arith.addf %add3A_648, %mul3A_655 : vector<1000x128xf32>
    %slice3A_657 = vector.extract_strided_slice %get3A_630 {offsets = [5, 0], sizes = [1, 128], strides = [1, 1]} : vector<16x128xf32> to vector<1x128xf32>
    %mul3A_658 = vector.broadcast %slice3A_657 : vector<1x128xf32> to vector<1000x128xf32>
    %mul3A_659 = arith.mulf %add3A_549, %mul3A_658 : vector<1000x128xf32>
    %add3A_660 = arith.addf %add3A_652, %mul3A_659 : vector<1000x128xf32>
    %slice3A_661 = vector.extract_strided_slice %get3A_630 {offsets = [6, 0], sizes = [1, 128], strides = [1, 1]} : vector<16x128xf32> to vector<1x128xf32>
    %mul3A_662 = vector.broadcast %slice3A_661 : vector<1x128xf32> to vector<1000x128xf32>
    %mul3A_663 = arith.mulf %add3A_564, %mul3A_662 : vector<1000x128xf32>
    %add3A_664 = arith.addf %add3A_656, %mul3A_663 : vector<1000x128xf32>
    %slice3A_665 = vector.extract_strided_slice %get3A_630 {offsets = [7, 0], sizes = [1, 128], strides = [1, 1]} : vector<16x128xf32> to vector<1x128xf32>
    %mul3A_666 = vector.broadcast %slice3A_665 : vector<1x128xf32> to vector<1000x128xf32>
    %mul3A_667 = arith.mulf %add3A_564, %mul3A_666 : vector<1000x128xf32>
    %add3A_668 = arith.addf %add3A_660, %mul3A_667 : vector<1000x128xf32>
    %slice3A_669 = vector.extract_strided_slice %get3A_630 {offsets = [8, 0], sizes = [1, 128], strides = [1, 1]} : vector<16x128xf32> to vector<1x128xf32>
    %mul3A_670 = vector.broadcast %slice3A_669 : vector<1x128xf32> to vector<1000x128xf32>
    %mul3A_671 = arith.mulf %add3A_579, %mul3A_670 : vector<1000x128xf32>
    %add3A_672 = arith.addf %add3A_664, %mul3A_671 : vector<1000x128xf32>
    %slice3A_673 = vector.extract_strided_slice %get3A_630 {offsets = [9, 0], sizes = [1, 128], strides = [1, 1]} : vector<16x128xf32> to vector<1x128xf32>
    %mul3A_674 = vector.broadcast %slice3A_673 : vector<1x128xf32> to vector<1000x128xf32>
    %mul3A_675 = arith.mulf %add3A_579, %mul3A_674 : vector<1000x128xf32>
    %add3A_676 = arith.addf %add3A_668, %mul3A_675 : vector<1000x128xf32>
    %slice3A_677 = vector.extract_strided_slice %get3A_630 {offsets = [10, 0], sizes = [1, 128], strides = [1, 1]} : vector<16x128xf32> to vector<1x128xf32>
    %mul3A_678 = vector.broadcast %slice3A_677 : vector<1x128xf32> to vector<1000x128xf32>
    %mul3A_679 = arith.mulf %add3A_594, %mul3A_678 : vector<1000x128xf32>
    %add3A_680 = arith.addf %add3A_672, %mul3A_679 : vector<1000x128xf32>
    %slice3A_681 = vector.extract_strided_slice %get3A_630 {offsets = [11, 0], sizes = [1, 128], strides = [1, 1]} : vector<16x128xf32> to vector<1x128xf32>
    %mul3A_682 = vector.broadcast %slice3A_681 : vector<1x128xf32> to vector<1000x128xf32>
    %mul3A_683 = arith.mulf %add3A_594, %mul3A_682 : vector<1000x128xf32>
    %add3A_684 = arith.addf %add3A_676, %mul3A_683 : vector<1000x128xf32>
    %slice3A_685 = vector.extract_strided_slice %get3A_630 {offsets = [12, 0], sizes = [1, 128], strides = [1, 1]} : vector<16x128xf32> to vector<1x128xf32>
    %mul3A_686 = vector.broadcast %slice3A_685 : vector<1x128xf32> to vector<1000x128xf32>
    %mul3A_687 = arith.mulf %add3A_609, %mul3A_686 : vector<1000x128xf32>
    %add3A_688 = arith.addf %add3A_680, %mul3A_687 : vector<1000x128xf32>
    %slice3A_689 = vector.extract_strided_slice %get3A_630 {offsets = [13, 0], sizes = [1, 128], strides = [1, 1]} : vector<16x128xf32> to vector<1x128xf32>
    %mul3A_690 = vector.broadcast %slice3A_689 : vector<1x128xf32> to vector<1000x128xf32>
    %mul3A_691 = arith.mulf %add3A_609, %mul3A_690 : vector<1000x128xf32>
    %add3A_692 = arith.addf %add3A_684, %mul3A_691 : vector<1000x128xf32>
    %slice3A_693 = vector.extract_strided_slice %get3A_630 {offsets = [14, 0], sizes = [1, 128], strides = [1, 1]} : vector<16x128xf32> to vector<1x128xf32>
    %mul3A_694 = vector.broadcast %slice3A_693 : vector<1x128xf32> to vector<1000x128xf32>
    %mul3A_695 = arith.mulf %add3A_624, %mul3A_694 : vector<1000x128xf32>
    %add3A_696 = arith.addf %add3A_688, %mul3A_695 : vector<1000x128xf32>
    %slice3A_697 = vector.extract_strided_slice %get3A_630 {offsets = [15, 0], sizes = [1, 128], strides = [1, 1]} : vector<16x128xf32> to vector<1x128xf32>
    %mul3A_698 = vector.broadcast %slice3A_697 : vector<1x128xf32> to vector<1000x128xf32>
    %mul3A_699 = arith.mulf %add3A_624, %mul3A_698 : vector<1000x128xf32>
    %add3A_700 = arith.addf %add3A_692, %mul3A_699 : vector<1000x128xf32>
    %reduce_sum3A = arith.constant dense<0.000000e+00> : vector<1000xf32>
    %reduce_sum3A_701 = vector.multi_reduction <add>, %add3A_696, %reduce_sum3A [1] : vector<1000x128xf32> to vector<1000xf32>
    %broadcast_in_dim3A_702 = vector.shape_cast %reduce_sum3A_701 : vector<1000xf32> to vector<1000x1xf32>
    %reduce_sum3A_703 = arith.constant dense<0.000000e+00> : vector<1000xf32>
    %reduce_sum3A_704 = vector.multi_reduction <add>, %add3A_700, %reduce_sum3A_703 [1] : vector<1000x128xf32> to vector<1000xf32>
    %broadcast_in_dim3A_705 = vector.shape_cast %reduce_sum3A_704 : vector<1000xf32> to vector<1000x1xf32>
    %concatenate3A = tpu.concatenate %broadcast_in_dim3A_702, %broadcast_in_dim3A_705 in 1 : vector<1000x1xf32>, vector<1000x1xf32> -> vector<1000x2xf32>
    %swap3A = arith.constant 0 : index
    %swap3A_706 = arith.constant 0 : index
    %swap3A_707 = vector.load %arg14[%swap3A, %swap3A_706] : memref<1000x2xf32, #tpu.memory_space<vmem>>, vector<1000x2xf32>
    tpu.vector_store %arg14[%swap3A, %swap3A_706], %concatenate3A {strides = array<i32>} : memref<1000x2xf32, #tpu.memory_space<vmem>>, vector<1000x2xf32>,
    return
  }
  func.func @transform_0(%arg0: i32) -> (i32, i32) {
    %c0_i32 = arith.constant 0 : i32
    %c0_i32_0 = arith.constant 0 : i32
    return %arg0, %c0_i32 : i32, i32
  }
  func.func @transform_1(%arg0: i32) -> (i32, i32) {
    %c0_i32 = arith.constant 0 : i32
    %c0_i32_0 = arith.constant 0 : i32
    return %arg0, %c0_i32 : i32, i32
  }
  func.func @transform_2(%arg0: i32) -> (i32, i32) {
    %c0_i32 = arith.constant 0 : i32
    %c0_i32_0 = arith.constant 0 : i32
    return %arg0, %c0_i32 : i32, i32
  }
  func.func @transform_3(%arg0: i32) -> (i32, i32) {
    %c0_i32 = arith.constant 0 : i32
    %c0_i32_0 = arith.constant 0 : i32
    %c0_i32_1 = arith.constant 0 : i32
    return %c0_i32, %c0_i32_0 : i32, i32
  }
  func.func @transform_4(%arg0: i32) -> (i32, i32) {
    %c0_i32 = arith.constant 0 : i32
    %c0_i32_0 = arith.constant 0 : i32
    %c0_i32_1 = arith.constant 0 : i32
    return %c0_i32, %c0_i32_0 : i32, i32
  }
  func.func @transform_5(%arg0: i32) -> (i32, i32) {
    %c0_i32 = arith.constant 0 : i32
    %c0_i32_0 = arith.constant 0 : i32
    %c0_i32_1 = arith.constant 0 : i32
    return %c0_i32, %c0_i32_0 : i32, i32
  }
  func.func @transform_6(%arg0: i32) -> (i32, i32) {
    %c0_i32 = arith.constant 0 : i32
    %c0_i32_0 = arith.constant 0 : i32
    %c0_i32_1 = arith.constant 0 : i32
    return %c0_i32, %c0_i32_0 : i32, i32
  }
  func.func @transform_7(%arg0: i32) -> (i32, i32) {
    %c0_i32 = arith.constant 0 : i32
    %c0_i32_0 = arith.constant 0 : i32
    %c0_i32_1 = arith.constant 0 : i32
    return %c0_i32, %c0_i32_0 : i32, i32
  }
  func.func @transform_8(%arg0: i32) -> (i32, i32) {
    %c0_i32 = arith.constant 0 : i32
    %c0_i32_0 = arith.constant 0 : i32
    %c0_i32_1 = arith.constant 0 : i32
    return %c0_i32, %c0_i32_0 : i32, i32
  }
  func.func @transform_9(%arg0: i32) -> (i32, i32) {
    %c0_i32 = arith.constant 0 : i32
    %c0_i32_0 = arith.constant 0 : i32
    %c0_i32_1 = arith.constant 0 : i32
    return %c0_i32, %c0_i32_0 : i32, i32
  }
  func.func @transform_10(%arg0: i32) -> (i32, i32) {
    %c0_i32 = arith.constant 0 : i32
    %c0_i32_0 = arith.constant 0 : i32
    %c0_i32_1 = arith.constant 0 : i32
    return %c0_i32, %c0_i32_0 : i32, i32
  }
  func.func @transform_11(%arg0: i32) -> (i32, i32) {
    %c0_i32 = arith.constant 0 : i32
    %c0_i32_0 = arith.constant 0 : i32
    %c0_i32_1 = arith.constant 0 : i32
    return %c0_i32, %c0_i32_0 : i32, i32
  }
  func.func @transform_12(%arg0: i32) -> (i32, i32) {
    %c0_i32 = arith.constant 0 : i32
    %c0_i32_0 = arith.constant 0 : i32
    %c0_i32_1 = arith.constant 0 : i32
    return %c0_i32, %c0_i32_0 : i32, i32
  }
  func.func @transform_13(%arg0: i32) -> (i32, i32) {
    %c0_i32 = arith.constant 0 : i32
    %c0_i32_0 = arith.constant 0 : i32
    return %arg0, %c0_i32 : i32, i32
  }
}

</mosaic_0001>

<sc_bundles>
// kernel: kernel.4.cloned.1.call-start
scs
__scs_entry_jumppad:
0x0: {  	(pc) =	sbr.rel $0x88, $3  }
0x1: {  	(tag) =	ssettag $0x0;
	lr =	simm.s32 $0x1  }
0x2: {  	[smem:$0x3F8E] =	sst lr;
	_ =	strace $0xD0000000  }
0x3: {  	_ = 	snop  }
0x4: {  	_ = 	snop  }
0x5: {  	_ = 	snop  }
0x6: {  	_ = 	snop  }
0x7: {  	_ = 	snop  }
__scs_overlays_trampoline_lowered:
0x8: {  	[smem:$0x3F9D] =	sst s0  }
0x9: {  	[smem:$0x3F9E] =	sst s1  }
0xa: {  	[smem:$0x3F9F] =	sst s2  }
0xb: {  	[smem:$0x3FA0] =	sst s3  }
0xc: {  	[smem:$0x3FA1] =	sst s4  }
0xd: {  	[smem:$0x3FA2] =	sst s5  }
0xe: {  	[smem:$0x3FA3] =	sst s6  }
0xf: {  	[smem:$0x3FA4] =	sst s7  }
0x10: {  	[smem:$0x3FA5] =	sst s8  }
0x11: {  	[smem:$0x3FA6] =	sst s9;
	s0 =	simm.s32 @!p0 $0x0  }
0x12: {  	s1 =	sld [smem:$0x3F8C];
	s0 =	simm.s32 @p0 $0x1  }
0x13: {  	[smem:$0x3FA7] =	sst s0;
	s0 =	simm.s32 @!p1 $0x0  }
0x14: {  	s2 =	sld [smem:$0x3F8B];
	s0 =	simm.s32 @p1 $0x1  }
0x15: {  	[smem:$0x3FA8] =	sst s0;
	s0 =	simm.s32 @!p2 $0x0  }
0x16: {  	s3 =	sld [smem:$0x3FDB];
	s0 =	simm.s32 @p2 $0x1  }
0x17: {  	s4 =	simm.s32 $0x1BF5;
	[smem:$0x3FAA] =	sst s0  }
0x18: {  	s0 =	sld [smem:$0x3F8D];
	_ =	swait.ge [sflag:s4], $0x0  }
0x19: {  	s7 =	sld [smem:$0x3F8E]  }
0x1a: {  	s8 =	sadd.s32 $0xFFFFE003, lr  }
0x1b: {  	s9 =	sadd.s32 $0xFFFFFEF7, lr;
	s5 =	simm.s32 $0xFFFFFFFF;
	p2 =	slt.u32 s8, $0xFFFFF086  }
0x1c: {  	p1 =	slt.u32 s9, $0xF7A;
	s5 =	simm.s32 @!p2 $0x0  }
0x1d: {  	s5 =	simm.s32 @p1 $0x1;
	p0 =	seq.s32 s7, s2  }
0x1e: {  	s7 =	smul.u32 @!p0 $0xF7A, s2;
	p2 =	seq.s32 @!p0 s5, $0x0  }
0x1f: {  	s9 =	smul.u32 $0xF7A, s1;
	s8 =	simm.s32 @!p0 $0x1BF5;
	p2 =	por !p2, p0  }
0x20: {  	[sflag:s8] =	ssyncset.s32 @!p0 $0xFFFFF086;
	s6 =	sadd.s32 @!p0 s3, s7;
	s7 =	simm.s32 @!p0 $0x108  }
0x21: {  	s3 =	sadd.s32 s3, s9;
	s6 =	sadd.s32 @!p0 $0x88, s6;
	s7 =	simm.s32 @p2 $0x1082  }
0x22: {  	[simem:s7], [sflag:s8] =	dma.local @!p0 [hbm:s6], $0xF7A  }
0x23: {  	s9 =	sor.u32 $0xD0000000, s2;
	s6 =	simm.s32 $0x108;
	_ =	swait.ge @!p0 [sflag:s8], $0x0  }
0x24: {  	s3 =	sadd.s32 $0x88, s3;
	s6 =	simm.s32 @!p1 $0x1082;
	[sflag:s4] =	ssyncset.s32 $0xFFFFF086  }
0x25: {  	[simem:s6], [sflag:s4] =	dma.local [hbm:s3], $0xF7A  }
0x26: {  	[smem:$0x3F8E] =	sst s1;
	(tag) =	ssettag s2;
	_ =	strace s9  }
0x27: {  	s1 =	sld [smem:$0x3F9E]  }
0x28: {  	s2 =	sld [smem:$0x3F9F]  }
0x29: {  	s4 =	sld [smem:$0x3FA1]  }
0x2a: {  	p0 =	seq.s32 s5, $0x0;
	s5 =	sld [smem:$0x3FA2]  }
0x2b: {  	s6 =	sld [smem:$0x3FA3]  }
0x2c: {  	s7 =	sld [smem:$0x3FA4]  }
0x2d: {  	s3 =	simm.s32 $0x108;
	s8 =	sld [smem:$0x3FA5]  }
0x2e: {  	s3 =	simm.s32 @!p0 $0x1082;
	s9 =	sld [smem:$0x3FA6]  }
0x2f: {  	lr =	sadd.s32 s0, s3;
	s0 =	sld [smem:$0x3F9D]  }
0x30: {  	s3 =	sld [smem:$0x3FA0]  }
0x31: {  	[smem:$0x3FA9] =	sst s10  }
0x32: {  	s10 =	sld [smem:$0x3FA7];
	_ =	sdelay $0x3  }
0x33: {  	p0 =	seq.s32 s10, $0x1;
	s10 =	sld [smem:$0x3FA9];
	_ =	sdelay $0x3  }
0x34: {  	[smem:$0x3FA9] =	sst s10  }
0x35: {  	s10 =	sld [smem:$0x3FA8];
	_ =	sdelay $0x3  }
0x36: {  	p1 =	seq.s32 s10, $0x1;
	s10 =	sld [smem:$0x3FA9];
	_ =	sdelay $0x3  }
0x37: {  	[smem:$0x3FA9] =	sst s10  }
0x38: {  	s10 =	sld [smem:$0x3FAA]  }
0x39: {  	_ = 	snop;
	(pc) =	sbr.ind lr, $3  }
0x3a: {  	_ = 	snop  }
0x3b: {  	_ = 	snop  }
0x3c: {  	p2 =	seq.s32 s10, $0x1;
	s10 =	sld [smem:$0x3FA9]  }
0x3d: {  	_ =	shalt  }
0x3e: {  	_ =	shalt  }
0x3f: {  	_ =	shalt  }
0x40: {  	_ =	shalt  }
0x41: {  	_ =	shalt  }
0x42: {  	_ =	shalt  }
0x43: {  	_ =	shalt  }
0x44: {  	_ =	shalt  }
0x45: {  	_ =	shalt  }
0x46: {  	_ =	shalt  }
0x47: {  	_ =	shalt  }
0x48: {  	_ =	shalt  }
0x49: {  	_ =	shalt  }
0x4a: {  	_ =	shalt  }
0x4b: {  	_ =	shalt  }
0x4c: {  	_ =	shalt  }
0x4d: {  	_ =	shalt  }
0x4e: {  	_ =	shalt  }
0x4f: {  	_ =	shalt  }
0x50: {  	_ =	shalt  }
0x51: {  	_ =	shalt  }
0x52: {  	_ =	shalt  }
0x53: {  	_ =	shalt  }
0x54: {  	_ =	shalt  }
0x55: {  	_ =	shalt  }
0x56: {  	_ =	shalt  }
0x57: {  	_ =	shalt  }
0x58: {  	_ =	shalt  }
0x59: {  	_ =	shalt  }
0x5a: {  	_ =	shalt  }
0x5b: {  	_ =	shalt  }
0x5c: {  	_ =	shalt  }
0x5d: {  	_ =	shalt  }
0x5e: {  	_ =	shalt  }
0x5f: {  	_ =	shalt  }
0x60: {  	_ =	shalt  }
0x61: {  	_ =	shalt  }
0x62: {  	_ =	shalt  }
0x63: {  	_ =	shalt  }
0x64: {  	_ =	shalt  }
0x65: {  	_ =	shalt  }
0x66: {  	_ =	shalt  }
0x67: {  	_ =	shalt  }
0x68: {  	_ =	shalt  }
0x69: {  	_ =	shalt  }
0x6a: {  	_ =	shalt  }
0x6b: {  	_ =	shalt  }
0x6c: {  	_ =	shalt  }
0x6d: {  	_ =	shalt  }
0x6e: {  	_ =	shalt  }
0x6f: {  	_ =	shalt  }
0x70: {  	_ =	shalt  }
0x71: {  	_ =	shalt  }
0x72: {  	_ =	shalt  }
0x73: {  	_ =	shalt  }
0x74: {  	_ =	shalt  }
0x75: {  	_ =	shalt  }
0x76: {  	_ =	shalt  }
0x77: {  	_ =	shalt  }
0x78: {  	_ =	shalt  }
0x79: {  	_ =	shalt  }
0x7a: {  	_ =	shalt  }
0x7b: {  	_ =	shalt  }
0x7c: {  	_ =	shalt  }
0x7d: {  	_ =	shalt  }
0x7e: {  	_ =	shalt  }
0x7f: {  	_ =	shalt  }
0x80: {  	_ =	shalt  }
0x81: {  	_ =	shalt  }
0x82: {  	_ =	shalt  }
0x83: {  	_ =	shalt  }
0x84: {  	_ =	shalt  }
0x85: {  	_ =	shalt  }
0x86: {  	_ =	shalt  }
0x87: {  	_ =	shalt  }
.Lfunc_end0:
.L_simem_size_0:
called_computation_lowered:
.L_overlay_start_0:
0x88: {  	s2 =	sld [smem:$0x3FD9]  }
0x89: {  	s3 =	sld [smem:$0x3FFE];
	_ =	sdelay $0x1  }
0x8a: {  	s1 =	srdreg.scid  }
0x8b: {  	s0 =	sand.u32 $0x1, s1  }
0x8c: {  	s16 =	sshll.u32 s0, $0xA;
	s2 =	sadd.s32 s3, s2  }
0x8d: {  	s2 =	sadd.s32 s2, s16  }
0x8e: {  	[smem:$0x3FB5] =	sst s2  }
0x8f: {  	_ = 	snop  }
0x90: {  	(tm) =	ssettm $0x1  }
0x91: {  	s17 =	sld [smem:$0x3FFB];
	_ =	sdelay $0x3  }
0x92: {  	_ =	strace s17  }
0x93: {  	s2 =	sld [smem:$0x3FFC];
	_ =	sdelay $0x3  }
0x94: {  	_ =	strace s2  }
0x95: {  	s2 =	sld [smem:$0x3FFD];
	_ =	sdelay $0x3  }
0x96: {  	_ =	strace s2  }
0x97: {  	_ =	strace $0x8FFFFFFF  }
0x98: {  	s18 =	sld [smem:$0x3FDB];
	_ =	sdelay $0x1  }
0x99: {  	s19 =	simm.s32 $_scs_section_size  }
0x9a: {  	s4 =	simm.s32 $_size__tile_overlayer_lowered;
	s5 =	simm.s32 $_tile_overlayer_lowered  }
0x9b: {  	s22 =	simm.s32 $0x1BFF;
	s21 =	sshll.u32 s5, $0x1;
	s2 =	sadd.s32 s19, s18  }
0x9c: {  	s6 =	simm.s32 $0x0;
	s20 =	sshll.u32 s4, $0x1;
	s4 =	sadd.s32 s21, s2  }
0x9d: {  	[timem:s6], [sflag:s22] =	dma.local [hbm:s4], s20  }
0x9e: {  	_ =	swait.ge [sflag:s22], s20  }
0x9f: {  	s3 =	ssub.s32 $0x0, s20;
	[sflag:s22] =	ssyncset.done $0x0  }
0xa0: {  	[sflag:s22] =	ssyncadd.s32 s3;
	_ =	sdelay $0x1  }
0xa1: {  	s23 =	simm.s32 $0x1B8B  }
0xa2: {  	_ =	swait.ge [sflag:s23], $0x1  }
0xa3: {  	[sflag:s23] =	ssyncset.done $0x0  }
0xa4: {  	s25 =	simm.s32 $0x1B8E;
	s24 =	sld [smem:$0x3FFE];
	[sflag:s23] =	ssyncadd.s32 $0xFFFFFFFF  }
0xa5: {  	s26 =	simm.s32 $execute0_lowered;
	[smem:$0x3FD2] =	sst s25  }
0xa6: {  	s4 =	sshll.u32 s26, $0x1;
	_ =	strace $0x80000046;
	[dreg:$0x1] =	wrdreg $0xFFFFFFFF  }
0xa7: {  	s28 =	simm.s32 $_size_execute0_lowered;
	s2 =	sadd.s32 s2, s4;
	[dreg:$0x0] =	wrdreg $0x0  }
0xa8: {  	s4 =	sshll.u32 s28, $0x1;
	[dreg:$0x2] =	wrdreg s2  }
0xa9: {  	[dreg:$0x3] =	wrdreg s4  }
0xaa: {  	[dreg:$0x4] =	wrdreg $0xC0  }
0xab: {  	_ =	task [dreg:s6], $0x5FFFF  }
0xac: {  	[dreg:$0x1] =	wrdreg $0xFFFFFFFF  }
0xad: {  	[dreg:$0x0] =	wrdreg $0x60  }
0xae: {  	[dreg:$0x2] =	wrdreg s24  }
0xaf: {  	[dreg:$0x3] =	wrdreg $0x0  }
0xb0: {  	[dreg:$0x4] =	wrdreg $0x9  }
0xb1: {  	_ =	task.clear_ibuf [dreg:s6], $0x5FFFF;
	_ =	strace $0x90000046  }
0xb2: {  	s29 =	simm.s32 $0x9;
	_ =	strace $0x80000048  }
0xb3: {  	_ =	swait.ge [sflag:s29], $0x1  }
0xb4: {  	[sflag:s29] =	ssyncadd.s32 $0xFFFFFFFF  }
0xb5: {  	_ =	strace $0x90000048  }
0xb6: {  	_ =	sfence  }
0xb7: {  	s30 =	sld [smem:$0x0];
	_ =	sdelay $0x2  }
0xb8: {  	s31 =	sshll.u32 s1, $0xD;
	s1 =	sshrl.u32 s1, $0x2  }
0xb9: {  	s3 =	sand.u32 $0x4000, s31;
	s1 =	sadd.s32 s1, s30  }
0xba: {  	s0 =	sor.u32 s3, s0;
	s1 =	sshll.u32 s1, $0x11  }
0xbb: {  	s0 =	sor.u32 s1, s0  }
0xbc: {  	s0 =	sadd.s32 $0x8F2B, s0  }
0xbd: {  	[sflag:s0] =	ssyncadd.remote.s32 $0x1  }
0xbe: {  	_ =	sfence.sel $0xFFFF  }
0xbf: {  	[dreg:$0x0] =	wrdreg $0xFFFFFFFF;
	(pc) =	sbr.abs _section_cstart, $3  }
0xc0: {  	[dreg:$0x1] =	wrdreg $0xFFFFFFFF  }
0xc1: {  	_ =	task.clear_ibuf [dreg:s6], $0x2FFFF;
	_ =	strace $0x9FFFFFFF  }
0xc2: {  	(tm) =	ssettm $0x7FFFFFFF  }
0xc3: {  	_ =	shalt  }
tec
execute0_lowered:
.L_overlay_start_1:
0x0: {  	(tag) =	ssettag $0x1  }
0x1: {  	s0 =	rddreg [dreg:$0x0]  }
0x2: {  	s2 =	rddreg [dreg:$0x1]  }
0x3: {  	s12 =	simm.s32 $0x0;
	s1 =	srdreg.scid;
	s9 =	stileid.u32  }
0x4: {  	[smem:$0x7FF] =	sst s12;
	s1 =	sand.u32 $0x1, s1;
	s7 =	smul.u32 $0x30E00, s9  }
0x5: {  	s3 =	sshll.u32 s9, $0x1;
	s9 =	smul.u32 $0xC380, s9;
	s8 =	ssub.s32 $0x2, s1  }
0x6: {  	s4 =	sadd.s32 $0x1FE00, s0;
	s7 =	sshrl.u32 s7, $0x2;
	s10 =	sshrl.u32 s8, $0x1  }
0x7: {  	s7 =	sadd.s32 s7, s2;
	s8 =	ssub.s32 s8, s10;
	s10 =	sadd.s32 s9, s2  }
0x8: {  	_ =	strace $0x80000047;
	s11 =	sadd.s32 $0x880, s7;
	[dreg:$0x4] =	wrdreg s10  }
0x9: {  	s5 =	sadd.s32 $0x1AE00, s0;
	s16 =	sadd.s32 $0x1100, s7;
	[dreg:$0x5] =	wrdreg s11  }
0xa: {  	s3 =	sor.u32 s1, s3;
	s17 =	sadd.s32 $0x1980, s7;
	[dreg:$0x6] =	wrdreg s16  }
0xb: {  	p0 =	seq.s32 s1, $0x1;
	s18 =	sadd.s32 $0x2200, s7;
	[dreg:$0x7] =	wrdreg s17  }
0xc: {  	s1 =	simm.s32 $0x38600;
	s19 =	sadd.s32 $0x2A80, s7;
	[dreg:$0x8] =	wrdreg s18  }
0xd: {  	s6 =	sshll.u32 s3, $0xA;
	s20 =	sadd.s32 $0x3300, s7;
	[dreg:$0x9] =	wrdreg s19  }
0xe: {  	s3 =	sshll.u32 s3, $0x9;
	s21 =	sadd.s32 $0x3B80, s7;
	[dreg:$0xa] =	wrdreg s20  }
0xf: {  	s1 =	simm.s32 @!p0 $0x50E00;
	s22 =	sadd.s32 $0x4400, s7;
	[dreg:$0xb] =	wrdreg s21  }
0x10: {  	s6 =	sadd.s32 s6, s0;
	s23 =	sadd.s32 $0x4C80, s7;
	[dreg:$0xc] =	wrdreg s22  }
0x11: {  	s3 =	sadd.s32 s3, s0;
	s24 =	sadd.s32 $0x5500, s7;
	[dreg:$0xd] =	wrdreg s23  }
0x12: {  	s9 =	sshrl.u32 s9, $0x3;
	s25 =	sadd.s32 $0x5D80, s7;
	[dreg:$0xe] =	wrdreg s24  }
0x13: {  	s0 =	sadd.s32 s1, s0;
	s26 =	sadd.s32 $0x6600, s7;
	[dreg:$0xf] =	wrdreg s25  }
0x14: {  	s0 =	sadd.s32 s0, s9;
	[dreg:$0x10] =	wrdreg s26  }
0x15: {  	s13 =	sadd.s32 $0x7700, s7;
	[dreg:$0x12] =	wrdreg s0  }
0x16: {  	s14 =	sadd.s32 $0x7F80, s7;
	[dreg:$0x13] =	wrdreg s13  }
0x17: {  	s15 =	sadd.s32 $0x8800, s7;
	[dreg:$0x14] =	wrdreg s14  }
0x18: {  	s11 =	sadd.s32 $0x6E80, s7;
	[dreg:$0x15] =	wrdreg s15  }
0x19: {  	s16 =	sadd.s32 $0x9080, s7;
	[dreg:$0x11] =	wrdreg s11  }
0x1a: {  	s28 =	simm.s32 $0x8;
	s17 =	sadd.s32 $0x9900, s7;
	[dreg:$0x16] =	wrdreg s16  }
0x1b: {  	s29 =	simm.s32 $0x9;
	s18 =	sadd.s32 $0xA180, s7;
	[dreg:$0x17] =	wrdreg s17  }
0x1c: {  	s30 =	simm.s32 $0xA;
	s19 =	sadd.s32 $0xAA00, s7;
	[dreg:$0x18] =	wrdreg s18  }
0x1d: {  	s31 =	simm.s32 $0xB;
	s20 =	sadd.s32 $0xB280, s7;
	[dreg:$0x19] =	wrdreg s19  }
0x1e: {  	s1 =	simm.s32 $0xD;
	s21 =	sadd.s32 $0xBB00, s7;
	[dreg:$0x1a] =	wrdreg s20  }
0x1f: {  	s22 =	sadd.s32 $0xAE00, s6;
	s23 =	sadd.s32 $0x12E00, s6;
	[dreg:$0x1b] =	wrdreg s21  }
0x20: {  	s24 =	sadd.s32 $0x2E00, s3;
	s25 =	sadd.s32 $0x6E00, s3;
	[dreg:$0x1c] =	wrdreg s22  }
0x21: {  	s26 =	smax.u32 s8, $0x1;
	s13 =	simm.s32 $0x11;
	[dreg:$0x1d] =	wrdreg s23  }
0x22: {  	s14 =	simm.s32 $0x12B80;
	s0 =	simm.s32 $0xC;
	[dreg:$0x1e] =	wrdreg s24  }
0x23: {  	s7 =	simm.s32 $0xE;
	s8 =	simm.s32 $0xF;
	[dreg:$0x1f] =	wrdreg s25  }
0x24: {  	s6 =	simm.s32 $0x10;
	[smem:$0x7FD] =	sst s26;
	s11 =	simm.s32 $0x80  }
0x25: {  	s18 =	simm.s32 $0x1;
	s19 =	simm.s32 $0x2;
	s20 =	simm.s32 $0x3  }
0x26: {  	s24 =	simm.s32 $0x5;
	s25 =	simm.s32 $0x6;
	s26 =	simm.s32 $0x7  }
0x27: {  	v0 =	vimm.f32 $0.0e+00;
	s21 =	simm.s32 $0x1;
	s22 =	simm.s32 $0x2;
	s23 =	simm.s32 $0x3  }
.LBB2_1:
0x28: {  	s3 =	simm.s32 $0x40;
	s9 =	simm.s32 $0x0  }
.LBB2_2:
0x29: {  	p0 =	sne.s32 s3, $0x21C0;
	[tilespmem:s9+$0x16380] =	vst v0;
	s9 =	smov.u32 s3;
	s3 =	sadd.s32 $0x40, s3  }
.Ltmp0:
0x2a: {  	(pc) =	sbr.rel @p0 .LBB2_2-.Ltmp0, $2  }
0x2b: {  	_ =	sdelay $0x2  }
0x2c: {  	s9 =	sshra.s32 s9, $0x2  }
0x2d: {  	[dreg:$0x3] =	wrdreg s12;
	[tilespmem:s9+$0x16380] =	vst v0;
	s9 =	simm.s32 $0x16380  }
0x2e: {  	[spmem:s10] =	stream.linear.scatter [tilespmem:s9], [sflag:$0x11], $0x880, $0x38;
	[tilespmem:$0x16C00] =	vst v63  }
0x2f: {  	_ =	swait.ge [sflag:s13], $0x880  }
0x30: {  	[sflag:s13] =	ssyncset.done $0x0  }
0x31: {  	s3 =	rddreg [dreg:$0x5];
	[sflag:s13] =	ssyncadd.s32 $0xFFFFF780  }
0x32: {  	[spmem:s3] =	stream.linear.scatter [tilespmem:s9], [sflag:$0x11], $0x880, $0x38;
	[tilespmem:$0x16C00] =	vst v63  }
0x33: {  	_ =	swait.ge [sflag:s13], $0x880  }
0x34: {  	[sflag:s13] =	ssyncset.done $0x0  }
0x35: {  	s15 =	rddreg [dreg:$0x6];
	[sflag:s13] =	ssyncadd.s32 $0xFFFFF780  }
0x36: {  	[spmem:s15] =	stream.linear.scatter [tilespmem:s9], [sflag:$0x11], $0x880, $0x38;
	[tilespmem:$0x16C00] =	vst v63  }
0x37: {  	_ =	swait.ge [sflag:s13], $0x880  }
0x38: {  	[sflag:s13] =	ssyncset.done $0x0  }
0x39: {  	s16 =	rddreg [dreg:$0x7];
	[sflag:s13] =	ssyncadd.s32 $0xFFFFF780  }
0x3a: {  	[spmem:s16] =	stream.linear.scatter [tilespmem:s9], [sflag:$0x11], $0x880, $0x38;
	[tilespmem:$0x16C00] =	vst v63  }
0x3b: {  	_ =	swait.ge [sflag:s13], $0x880  }
0x3c: {  	[sflag:s13] =	ssyncset.done $0x0  }
0x3d: {  	s17 =	rddreg [dreg:$0x8];
	[sflag:s13] =	ssyncadd.s32 $0xFFFFF780  }
0x3e: {  	[spmem:s17] =	stream.linear.scatter [tilespmem:s9], [sflag:$0x11], $0x880, $0x38;
	[tilespmem:$0x16C00] =	vst v63  }
0x3f: {  	_ =	swait.ge [sflag:s13], $0x880  }
0x40: {  	[sflag:s13] =	ssyncset.done $0x0  }
0x41: {  	s10 =	rddreg [dreg:$0x9];
	[sflag:s13] =	ssyncadd.s32 $0xFFFFF780  }
0x42: {  	[spmem:s10] =	stream.linear.scatter [tilespmem:s9], [sflag:$0x11], $0x880, $0x38;
	[tilespmem:$0x16C00] =	vst v63  }
0x43: {  	_ =	swait.ge [sflag:s13], $0x880  }
0x44: {  	[sflag:s13] =	ssyncset.done $0x0  }
0x45: {  	s12 =	rddreg [dreg:$0xa];
	[sflag:s13] =	ssyncadd.s32 $0xFFFFF780  }
0x46: {  	[spmem:s12] =	stream.linear.scatter [tilespmem:s9], [sflag:$0x11], $0x880, $0x38;
	[tilespmem:$0x16C00] =	vst v63  }
0x47: {  	_ =	swait.ge [sflag:s13], $0x880  }
0x48: {  	[sflag:s13] =	ssyncset.done $0x0  }
0x49: {  	s15 =	rddreg [dreg:$0xb];
	[sflag:s13] =	ssyncadd.s32 $0xFFFFF780  }
0x4a: {  	[spmem:s15] =	stream.linear.scatter [tilespmem:s9], [sflag:$0x11], $0x880, $0x38;
	[tilespmem:$0x16C00] =	vst v63  }
0x4b: {  	_ =	swait.ge [sflag:s13], $0x880  }
0x4c: {  	[sflag:s13] =	ssyncset.done $0x0  }
0x4d: {  	s16 =	rddreg [dreg:$0xc];
	[sflag:s13] =	ssyncadd.s32 $0xFFFFF780  }
0x4e: {  	[spmem:s16] =	stream.linear.scatter [tilespmem:s9], [sflag:$0x11], $0x880, $0x38;
	[tilespmem:$0x16C00] =	vst v63  }
0x4f: {  	_ =	swait.ge [sflag:s13], $0x880  }
0x50: {  	[sflag:s13] =	ssyncset.done $0x0  }
0x51: {  	s17 =	rddreg [dreg:$0xd];
	[sflag:s13] =	ssyncadd.s32 $0xFFFFF780  }
0x52: {  	[spmem:s17] =	stream.linear.scatter [tilespmem:s9], [sflag:$0x11], $0x880, $0x38;
	[tilespmem:$0x16C00] =	vst v63  }
0x53: {  	_ =	swait.ge [sflag:s13], $0x880  }
0x54: {  	[sflag:s13] =	ssyncset.done $0x0  }
0x55: {  	s10 =	rddreg [dreg:$0xe];
	[sflag:s13] =	ssyncadd.s32 $0xFFFFF780  }
0x56: {  	[spmem:s10] =	stream.linear.scatter [tilespmem:s9], [sflag:$0x11], $0x880, $0x38;
	[tilespmem:$0x16C00] =	vst v63  }
0x57: {  	_ =	swait.ge [sflag:s13], $0x880  }
0x58: {  	[sflag:s13] =	ssyncset.done $0x0  }
0x59: {  	s12 =	rddreg [dreg:$0xf];
	[sflag:s13] =	ssyncadd.s32 $0xFFFFF780  }
0x5a: {  	[spmem:s12] =	stream.linear.scatter [tilespmem:s9], [sflag:$0x11], $0x880, $0x38;
	[tilespmem:$0x16C00] =	vst v63  }
0x5b: {  	_ =	swait.ge [sflag:s13], $0x880  }
0x5c: {  	[sflag:s13] =	ssyncset.done $0x0  }
0x5d: {  	s15 =	rddreg [dreg:$0x10];
	[sflag:s13] =	ssyncadd.s32 $0xFFFFF780  }
0x5e: {  	[spmem:s15] =	stream.linear.scatter [tilespmem:s9], [sflag:$0x11], $0x880, $0x38;
	[tilespmem:$0x16C00] =	vst v63  }
0x5f: {  	_ =	swait.ge [sflag:s13], $0x880  }
0x60: {  	[sflag:s13] =	ssyncset.done $0x0  }
0x61: {  	s16 =	rddreg [dreg:$0x11];
	[sflag:s13] =	ssyncadd.s32 $0xFFFFF780  }
0x62: {  	[spmem:s16] =	stream.linear.scatter [tilespmem:s9], [sflag:$0x11], $0x880, $0x38;
	[tilespmem:$0x16C00] =	vst v63  }
0x63: {  	_ =	swait.ge [sflag:s13], $0x880  }
0x64: {  	[sflag:s13] =	ssyncset.done $0x0  }
0x65: {  	s17 =	rddreg [dreg:$0x13];
	[sflag:s13] =	ssyncadd.s32 $0xFFFFF780  }
0x66: {  	[spmem:s17] =	stream.linear.scatter [tilespmem:s9], [sflag:$0x11], $0x880, $0x38;
	[tilespmem:$0x16C00] =	vst v63  }
0x67: {  	_ =	swait.ge [sflag:s13], $0x880  }
0x68: {  	[sflag:s13] =	ssyncset.done $0x0  }
0x69: {  	s10 =	rddreg [dreg:$0x14];
	[sflag:s13] =	ssyncadd.s32 $0xFFFFF780  }
0x6a: {  	[spmem:s10] =	stream.linear.scatter [tilespmem:s9], [sflag:$0x11], $0x880, $0x38;
	[tilespmem:$0x16C00] =	vst v63  }
0x6b: {  	_ =	swait.ge [sflag:s13], $0x880  }
0x6c: {  	[sflag:s13] =	ssyncset.done $0x0  }
0x6d: {  	s12 =	rddreg [dreg:$0x15];
	[sflag:s13] =	ssyncadd.s32 $0xFFFFF780  }
0x6e: {  	[spmem:s12] =	stream.linear.scatter [tilespmem:s9], [sflag:$0x11], $0x880, $0x38;
	[tilespmem:$0x16C00] =	vst v63  }
0x6f: {  	_ =	swait.ge [sflag:s13], $0x880  }
0x70: {  	[sflag:s13] =	ssyncset.done $0x0  }
0x71: {  	s15 =	rddreg [dreg:$0x16];
	[sflag:s13] =	ssyncadd.s32 $0xFFFFF780  }
0x72: {  	[spmem:s15] =	stream.linear.scatter [tilespmem:s9], [sflag:$0x11], $0x880, $0x38;
	[tilespmem:$0x16C00] =	vst v63  }
0x73: {  	_ =	swait.ge [sflag:s13], $0x880  }
0x74: {  	[sflag:s13] =	ssyncset.done $0x0  }
0x75: {  	s16 =	rddreg [dreg:$0x17];
	[sflag:s13] =	ssyncadd.s32 $0xFFFFF780  }
0x76: {  	[spmem:s16] =	stream.linear.scatter [tilespmem:s9], [sflag:$0x11], $0x880, $0x38;
	[tilespmem:$0x16C00] =	vst v63  }
0x77: {  	_ =	swait.ge [sflag:s13], $0x880  }
0x78: {  	[sflag:s13] =	ssyncset.done $0x0  }
0x79: {  	s17 =	rddreg [dreg:$0x18];
	[sflag:s13] =	ssyncadd.s32 $0xFFFFF780  }
0x7a: {  	[spmem:s17] =	stream.linear.scatter [tilespmem:s9], [sflag:$0x11], $0x880, $0x38;
	[tilespmem:$0x16C00] =	vst v63  }
0x7b: {  	_ =	swait.ge [sflag:s13], $0x880  }
0x7c: {  	[sflag:s13] =	ssyncset.done $0x0  }
0x7d: {  	s10 =	rddreg [dreg:$0x19];
	[sflag:s13] =	ssyncadd.s32 $0xFFFFF780  }
0x7e: {  	[spmem:s10] =	stream.linear.scatter [tilespmem:s9], [sflag:$0x11], $0x880, $0x38;
	[tilespmem:$0x16C00] =	vst v63  }
0x7f: {  	_ =	swait.ge [sflag:s13], $0x880  }
0x80: {  	[sflag:s13] =	ssyncset.done $0x0  }
0x81: {  	s12 =	rddreg [dreg:$0x1a];
	[sflag:s13] =	ssyncadd.s32 $0xFFFFF780  }
0x82: {  	[spmem:s12] =	stream.linear.scatter [tilespmem:s9], [sflag:$0x11], $0x880, $0x38;
	[tilespmem:$0x16C00] =	vst v63  }
0x83: {  	_ =	swait.ge [sflag:s13], $0x880  }
0x84: {  	[sflag:s13] =	ssyncset.done $0x0  }
0x85: {  	s15 =	rddreg [dreg:$0x1b];
	[sflag:s13] =	ssyncadd.s32 $0xFFFFF780  }
0x86: {  	[spmem:s15] =	stream.linear.scatter [tilespmem:s9], [sflag:$0x11], $0x880, $0x38;
	[tilespmem:$0x16C00] =	vst v63  }
0x87: {  	_ =	swait.ge [sflag:s13], $0x880  }
0x88: {  	[sflag:s13] =	ssyncset.done $0x0  }
0x89: {  	[sflag:s13] =	ssyncadd.s32 $0xFFFFF780  }
0x8a: {  	[bflag:$0x0] =	sbarrier.arrive $0xFFFF  }
0x8b: {  	s3 =	simm.s32 $0x0;
	s17 =	simm.s32 $0xC380;
	s16 =	rddreg [dreg:$0x1c]  }
0x8c: {  	[tilespmem:s17], [sflag:$0x11] =	stream.linear.gather [hbm4b:s16+s3], $0x2000, $0x38;
	[tilespmem:$0x16C00] =	vst v63  }
0x8d: {  	_ =	swait.ge [sflag:s13], $0x2000  }
0x8e: {  	[sflag:s13] =	ssyncset.done $0x0  }
0x8f: {  	s15 =	simm.s32 $0xE380;
	s12 =	rddreg [dreg:$0x1d];
	[sflag:s13] =	ssyncadd.s32 $0xFFFFE000  }
0x90: {  	[tilespmem:s15], [sflag:$0x11] =	stream.linear.gather [hbm4b:s12+s3], $0x2000, $0x38;
	[tilespmem:$0x16C00] =	vst v63  }
0x91: {  	_ =	swait.ge [sflag:s13], $0x2000  }
0x92: {  	[sflag:s13] =	ssyncset.done $0x0  }
0x93: {  	s17 =	simm.s32 $0x10380;
	s16 =	rddreg [dreg:$0x1e];
	[sflag:s13] =	ssyncadd.s32 $0xFFFFE000  }
0x94: {  	[tilespmem:s17], [sflag:$0x11] =	stream.linear.gather [hbm4b:s16+s3], $0x1000, $0x38;
	[tilespmem:$0x16C00] =	vst v63  }
0x95: {  	_ =	swait.ge [sflag:s13], $0x1000  }
0x96: {  	[sflag:s13] =	ssyncset.done $0x0  }
0x97: {  	s12 =	simm.s32 $0x11380;
	s10 =	rddreg [dreg:$0x1f];
	[sflag:s13] =	ssyncadd.s32 $0xFFFFF000  }
0x98: {  	[tilespmem:s12], [sflag:$0x11] =	stream.linear.gather [hbm4b:s10+s3], $0x1000, $0x38;
	[tilespmem:$0x16C00] =	vst v63  }
0x99: {  	_ =	swait.ge [sflag:s13], $0x1000  }
0x9a: {  	[sflag:s13] =	ssyncset.done $0x0  }
0x9b: {  	s9 =	simm.s32 $0x12380;
	[sflag:s13] =	ssyncadd.s32 $0xFFFFF000;
	s13 =	simm.s32 $0xC380  }
0x9c: {  	[tilespmem:s9], [sflag:$0x1] =	stream.indirect.gather [hbm4b:s4+s11], $0x10, s13, s11, $0xb8;
	[tilespmem:$0x16C00] =	vst v63  }
0x9d: {  	s15 =	simm.s32 $0xC400  }
0x9e: {  	[tilespmem:s14], [sflag:$0x2] =	stream.indirect.gather [hbm4b:s4+s11], $0x10, s15, s11, $0xb8;
	[tilespmem:$0x16C00] =	vst v63  }
0x9f: {  	s16 =	simm.s32 $0xC480;
	s15 =	simm.s32 $0x13380  }
0xa0: {  	[tilespmem:s15], [sflag:$0x3] =	stream.indirect.gather [hbm4b:s4+s11], $0x10, s16, s11, $0xb8;
	[tilespmem:$0x16C00] =	vst v63  }
0xa1: {  	s17 =	simm.s32 $0xC500;
	s16 =	simm.s32 $0x13B80  }
0xa2: {  	[tilespmem:s16], [sflag:$0x4] =	stream.indirect.gather [hbm4b:s4+s11], $0x10, s17, s11, $0xb8;
	[tilespmem:$0x16C00] =	vst v63  }
0xa3: {  	s10 =	simm.s32 $0xC580;
	s17 =	simm.s32 $0x14380  }
0xa4: {  	[tilespmem:s17], [sflag:$0x5] =	stream.indirect.gather [hbm4b:s4+s11], $0x10, s10, s11, $0xb8;
	[tilespmem:$0x16C00] =	vst v63  }
0xa5: {  	s12 =	simm.s32 $0xC600;
	s13 =	simm.s32 $0x14B80  }
0xa6: {  	[tilespmem:s13], [sflag:$0x6] =	stream.indirect.gather [hbm4b:s4+s11], $0x10, s12, s11, $0xb8;
	[tilespmem:$0x16C00] =	vst v63  }
0xa7: {  	s10 =	simm.s32 $0xC680;
	s12 =	simm.s32 $0x15380  }
0xa8: {  	[tilespmem:s12], [sflag:$0x7] =	stream.indirect.gather [hbm4b:s4+s11], $0x10, s10, s11, $0xb8;
	[tilespmem:$0x16C00] =	vst v63  }
0xa9: {  	s3 =	simm.s32 $0xC700;
	s10 =	simm.s32 $0x15B80  }
0xaa: {  	[tilespmem:s10], [sflag:$0x8] =	stream.indirect.gather [hbm4b:s4+s11], $0x10, s3, s11, $0xb8;
	[tilespmem:$0x16C00] =	vst v63  }
0xab: {  	_ =	swait.ge [sflag:s18], $0x800  }
0xac: {  	[sflag:s18] =	ssyncset.done $0x0  }
0xad: {  	[sflag:s18] =	ssyncadd.s32 $0xFFFFF800;
	s18 =	simm.s32 $0xE380  }
0xae: {  	[spmem:s2] =	stream.indirect.scatter.add.f32 [tilespmem:s9], [sflag:$0x9], $0x10, s18, s11, $0xb8;
	[tilespmem:$0x16C00] =	vst v63  }
0xaf: {  	_ =	swait.ge [sflag:s19], $0x800  }
0xb0: {  	[sflag:s19] =	ssyncset.done $0x0  }
0xb1: {  	[sflag:s19] =	ssyncadd.s32 $0xFFFFF800;
	s19 =	simm.s32 $0xE400  }
0xb2: {  	[spmem:s2] =	stream.indirect.scatter.add.f32 [tilespmem:s14], [sflag:$0xA], $0x10, s19, s11, $0xb8;
	[tilespmem:$0x16C00] =	vst v63  }
0xb3: {  	_ =	swait.ge [sflag:s20], $0x800  }
0xb4: {  	[sflag:s20] =	ssyncset.done $0x0  }
0xb5: {  	s9 =	simm.s32 $0xE480;
	s14 =	simm.s32 $0x4;
	[sflag:s20] =	ssyncadd.s32 $0xFFFFF800  }
0xb6: {  	[spmem:s2] =	stream.indirect.scatter.add.f32 [tilespmem:s15], [sflag:$0xB], $0x10, s9, s11, $0xb8;
	[tilespmem:$0x16C00] =	vst v63  }
0xb7: {  	_ =	swait.ge [sflag:s14], $0x800  }
0xb8: {  	[sflag:s14] =	ssyncset.done $0x0  }
0xb9: {  	s15 =	simm.s32 $0xE500;
	[sflag:s14] =	ssyncadd.s32 $0xFFFFF800  }
0xba: {  	[spmem:s2] =	stream.indirect.scatter.add.f32 [tilespmem:s16], [sflag:$0xC], $0x10, s15, s11, $0xb8;
	[tilespmem:$0x16C00] =	vst v63  }
0xbb: {  	_ =	swait.ge [sflag:s24], $0x800  }
0xbc: {  	[sflag:s24] =	ssyncset.done $0x0  }
0xbd: {  	s16 =	simm.s32 $0xE580;
	[sflag:s24] =	ssyncadd.s32 $0xFFFFF800  }
0xbe: {  	[spmem:s2] =	stream.indirect.scatter.add.f32 [tilespmem:s17], [sflag:$0xD], $0x10, s16, s11, $0xb8;
	[tilespmem:$0x16C00] =	vst v63  }
0xbf: {  	_ =	swait.ge [sflag:s25], $0x800  }
0xc0: {  	[sflag:s25] =	ssyncset.done $0x0  }
0xc1: {  	s18 =	simm.s32 $0xE600;
	[sflag:s25] =	ssyncadd.s32 $0xFFFFF800  }
0xc2: {  	[spmem:s2] =	stream.indirect.scatter.add.f32 [tilespmem:s13], [sflag:$0xE], $0x10, s18, s11, $0xb8;
	[tilespmem:$0x16C00] =	vst v63  }
0xc3: {  	_ =	swait.ge [sflag:s26], $0x800  }
0xc4: {  	[sflag:s26] =	ssyncset.done $0x0  }
0xc5: {  	s19 =	simm.s32 $0xE680;
	[sflag:s26] =	ssyncadd.s32 $0xFFFFF800  }
0xc6: {  	[spmem:s2] =	stream.indirect.scatter.add.f32 [tilespmem:s12], [sflag:$0xF], $0x10, s19, s11, $0xb8;
	[tilespmem:$0x16C00] =	vst v63  }
0xc7: {  	_ =	swait.ge [sflag:s28], $0x800  }
0xc8: {  	[sflag:s28] =	ssyncset.done $0x0  }
0xc9: {  	s20 =	simm.s32 $0xE700;
	[sflag:s28] =	ssyncadd.s32 $0xFFFFF800  }
0xca: {  	[spmem:s2] =	stream.indirect.scatter.add.f32 [tilespmem:s10], [sflag:$0x10], $0x10, s20, s11, $0xb8;
	[tilespmem:$0x16C00] =	vst v63  }
0xcb: {  	_ =	swait.ge [sflag:s29], $0x800  }
0xcc: {  	[sflag:s29] =	ssyncset.done $0x0  }
0xcd: {  	[sflag:s29] =	ssyncadd.s32 $0xFFFFF800  }
0xce: {  	_ =	swait.ge [sflag:s30], $0x800  }
0xcf: {  	[sflag:s30] =	ssyncset.done $0x0  }
0xd0: {  	[sflag:s30] =	ssyncadd.s32 $0xFFFFF800  }
0xd1: {  	_ =	swait.ge [sflag:s31], $0x800  }
0xd2: {  	[sflag:s31] =	ssyncset.done $0x0  }
0xd3: {  	[sflag:s31] =	ssyncadd.s32 $0xFFFFF800  }
0xd4: {  	_ =	swait.ge [sflag:s0], $0x800  }
0xd5: {  	[sflag:s0] =	ssyncset.done $0x0  }
0xd6: {  	[sflag:s0] =	ssyncadd.s32 $0xFFFFF800  }
0xd7: {  	_ =	swait.ge [sflag:s1], $0x800  }
0xd8: {  	[sflag:s1] =	ssyncset.done $0x0  }
0xd9: {  	[sflag:s1] =	ssyncadd.s32 $0xFFFFF800  }
0xda: {  	_ =	swait.ge [sflag:s7], $0x800  }
0xdb: {  	[sflag:s7] =	ssyncset.done $0x0  }
0xdc: {  	[sflag:s7] =	ssyncadd.s32 $0xFFFFF800  }
0xdd: {  	_ =	swait.ge [sflag:s8], $0x800  }
0xde: {  	[sflag:s8] =	ssyncset.done $0x0  }
0xdf: {  	[sflag:s8] =	ssyncadd.s32 $0xFFFFF800  }
0xe0: {  	_ =	swait.ge [sflag:s6], $0x800  }
0xe1: {  	s3 =	simm.s32 $0x400;
	s9 =	simm.s32 $0x2000;
	[sflag:s6] =	ssyncset.done $0x0  }
.LBB2_4:
0xe2: {  	s14 =	simm.s32 $0x12380;
	s13 =	sadd.s32 $0xC380, s3  }
0xe3: {  	[sflag:s6] =	ssyncadd.s32 $0xFFFFF800;
	s10 =	smov.u32 s9;
	s12 =	sadd.s32 $0x1000, s9  }
0xe4: {  	[tilespmem:s14], [sflag:$0x1] =	stream.indirect.gather [hbm4b:s4+s11], $0x10, s13, s11, $0xb8;
	[tilespmem:$0x16C00] =	vst v63  }
0xe5: {  	s14 =	simm.s32 $0x12B80;
	s13 =	simm.s32 $0x12380  }
0xe6: {  	p0 =	sne.s32 s9, $0x7000;
	s9 =	sadd.s32 $0xC400, s3  }
0xe7: {  	[tilespmem:s14], [sflag:$0x2] =	stream.indirect.gather [hbm4b:s4+s11], $0x10, s9, s11, $0xb8;
	[tilespmem:$0x16C00] =	vst v63  }
0xe8: {  	s20 =	simm.s32 $0x13380;
	s9 =	sadd.s32 $0xC480, s3  }
0xe9: {  	[tilespmem:s20], [sflag:$0x3] =	stream.indirect.gather [hbm4b:s4+s11], $0x10, s9, s11, $0xb8;
	[tilespmem:$0x16C00] =	vst v63  }
0xea: {  	s15 =	simm.s32 $0x13B80;
	s9 =	sadd.s32 $0xC500, s3  }
0xeb: {  	[tilespmem:s15], [sflag:$0x4] =	stream.indirect.gather [hbm4b:s4+s11], $0x10, s9, s11, $0xb8;
	[tilespmem:$0x16C00] =	vst v63  }
0xec: {  	s16 =	simm.s32 $0x14380;
	s9 =	sadd.s32 $0xC580, s3  }
0xed: {  	[tilespmem:s16], [sflag:$0x5] =	stream.indirect.gather [hbm4b:s4+s11], $0x10, s9, s11, $0xb8;
	[tilespmem:$0x16C00] =	vst v63  }
0xee: {  	s17 =	simm.s32 $0x14B80;
	s9 =	sadd.s32 $0xC600, s3  }
0xef: {  	[tilespmem:s17], [sflag:$0x6] =	stream.indirect.gather [hbm4b:s4+s11], $0x10, s9, s11, $0xb8;
	[tilespmem:$0x16C00] =	vst v63  }
0xf0: {  	s18 =	simm.s32 $0x15380;
	s9 =	sadd.s32 $0xC680, s3  }
0xf1: {  	[tilespmem:s18], [sflag:$0x7] =	stream.indirect.gather [hbm4b:s4+s11], $0x10, s9, s11, $0xb8;
	[tilespmem:$0x16C00] =	vst v63  }
0xf2: {  	s19 =	simm.s32 $0x15B80;
	s9 =	sadd.s32 $0xC700, s3  }
0xf3: {  	[tilespmem:s19], [sflag:$0x8] =	stream.indirect.gather [hbm4b:s4+s11], $0x10, s9, s11, $0xb8;
	[tilespmem:$0x16C00] =	vst v63  }
0xf4: {  	_ =	swait.ge [sflag:s21], $0x800  }
0xf5: {  	[sflag:s21] =	ssyncset.done $0x0  }
0xf6: {  	s9 =	sadd.s32 $0xE380, s3;
	[sflag:s21] =	ssyncadd.s32 $0xFFFFF800  }
0xf7: {  	[spmem:s2] =	stream.indirect.scatter.add.f32 [tilespmem:s13], [sflag:$0x9], $0x10, s9, s11, $0xb8;
	[tilespmem:$0x16C00] =	vst v63  }
0xf8: {  	_ =	swait.ge [sflag:s22], $0x800  }
0xf9: {  	[sflag:s22] =	ssyncset.done $0x0  }
0xfa: {  	s9 =	sadd.s32 $0xE400, s3;
	[sflag:s22] =	ssyncadd.s32 $0xFFFFF800  }
0xfb: {  	[spmem:s2] =	stream.indirect.scatter.add.f32 [tilespmem:s14], [sflag:$0xA], $0x10, s9, s11, $0xb8;
	[tilespmem:$0x16C00] =	vst v63  }
0xfc: {  	_ =	swait.ge [sflag:s23], $0x800  }
0xfd: {  	[sflag:s23] =	ssyncset.done $0x0  }
0xfe: {  	s9 =	sadd.s32 $0xE480, s3;
	[sflag:s23] =	ssyncadd.s32 $0xFFFFF800  }
0xff: {  	[spmem:s2] =	stream.indirect.scatter.add.f32 [tilespmem:s20], [sflag:$0xB], $0x10, s9, s11, $0xb8;
	[tilespmem:$0x16C00] =	vst v63  }
0x100: {  	s20 =	simm.s32 $0x4  }
0x101: {  	_ =	swait.ge [sflag:s20], $0x800  }
0x102: {  	[sflag:s20] =	ssyncset.done $0x0  }
0x103: {  	s9 =	sadd.s32 $0xE500, s3;
	[sflag:s20] =	ssyncadd.s32 $0xFFFFF800  }
0x104: {  	[spmem:s2] =	stream.indirect.scatter.add.f32 [tilespmem:s15], [sflag:$0xC], $0x10, s9, s11, $0xb8;
	[tilespmem:$0x16C00] =	vst v63  }
0x105: {  	_ =	swait.ge [sflag:s24], $0x800  }
0x106: {  	[sflag:s24] =	ssyncset.done $0x0  }
0x107: {  	s9 =	sadd.s32 $0xE580, s3;
	[sflag:s24] =	ssyncadd.s32 $0xFFFFF800  }
0x108: {  	[spmem:s2] =	stream.indirect.scatter.add.f32 [tilespmem:s16], [sflag:$0xD], $0x10, s9, s11, $0xb8;
	[tilespmem:$0x16C00] =	vst v63  }
0x109: {  	_ =	swait.ge [sflag:s25], $0x800  }
0x10a: {  	[sflag:s25] =	ssyncset.done $0x0  }
0x10b: {  	s9 =	sadd.s32 $0xE600, s3;
	[sflag:s25] =	ssyncadd.s32 $0xFFFFF800  }
0x10c: {  	[spmem:s2] =	stream.indirect.scatter.add.f32 [tilespmem:s17], [sflag:$0xE], $0x10, s9, s11, $0xb8;
	[tilespmem:$0x16C00] =	vst v63  }
0x10d: {  	_ =	swait.ge [sflag:s26], $0x800  }
0x10e: {  	[sflag:s26] =	ssyncset.done $0x0  }
0x10f: {  	s9 =	sadd.s32 $0xE680, s3;
	[sflag:s26] =	ssyncadd.s32 $0xFFFFF800  }
0x110: {  	[spmem:s2] =	stream.indirect.scatter.add.f32 [tilespmem:s18], [sflag:$0xF], $0x10, s9, s11, $0xb8;
	[tilespmem:$0x16C00] =	vst v63  }
0x111: {  	_ =	swait.ge [sflag:s28], $0x800  }
0x112: {  	[sflag:s28] =	ssyncset.done $0x0  }
0x113: {  	s3 =	sadd.s32 $0xE700, s3;
	[sflag:s28] =	ssyncadd.s32 $0xFFFFF800  }
0x114: {  	[spmem:s2] =	stream.indirect.scatter.add.f32 [tilespmem:s19], [sflag:$0x10], $0x10, s3, s11, $0xb8;
	[tilespmem:$0x16C00] =	vst v63  }
0x115: {  	_ =	swait.ge [sflag:s29], $0x800  }
0x116: {  	[sflag:s29] =	ssyncset.done $0x0  }
0x117: {  	[sflag:s29] =	ssyncadd.s32 $0xFFFFF800  }
0x118: {  	_ =	swait.ge [sflag:s30], $0x800  }
0x119: {  	[sflag:s30] =	ssyncset.done $0x0  }
0x11a: {  	[sflag:s30] =	ssyncadd.s32 $0xFFFFF800  }
0x11b: {  	_ =	swait.ge [sflag:s31], $0x800  }
0x11c: {  	[sflag:s31] =	ssyncset.done $0x0  }
0x11d: {  	[sflag:s31] =	ssyncadd.s32 $0xFFFFF800  }
0x11e: {  	_ =	swait.ge [sflag:s0], $0x800  }
0x11f: {  	[sflag:s0] =	ssyncset.done $0x0  }
0x120: {  	[sflag:s0] =	ssyncadd.s32 $0xFFFFF800  }
0x121: {  	_ =	swait.ge [sflag:s1], $0x800  }
0x122: {  	[sflag:s1] =	ssyncset.done $0x0  }
0x123: {  	[sflag:s1] =	ssyncadd.s32 $0xFFFFF800  }
0x124: {  	_ =	swait.ge [sflag:s7], $0x800  }
0x125: {  	[sflag:s7] =	ssyncset.done $0x0  }
0x126: {  	[sflag:s7] =	ssyncadd.s32 $0xFFFFF800  }
.Ltmp1:
0x127: {  	_ =	swait.ge [sflag:s8], $0x800;
	(pc) =	sbr.rel @p0 .LBB2_4-.Ltmp1, $4  }
0x128: {  	[sflag:s8] =	ssyncset.done $0x0  }
0x129: {  	[sflag:s8] =	ssyncadd.s32 $0xFFFFF800  }
0x12a: {  	_ =	swait.ge [sflag:s6], $0x800  }
0x12b: {  	s9 =	smov.u32 s12;
	s3 =	sshra.s32 s10, $0x2;
	[sflag:s6] =	ssyncset.done $0x0  }
0x12c: {  	s9 =	sadd.s32 $0xC380, s3;
	[sflag:s6] =	ssyncadd.s32 $0xFFFFF800  }
0x12d: {  	[tilespmem:s13], [sflag:$0x1] =	stream.indirect.gather [hbm4b:s4+s11], $0x10, s9, s11, $0xb8;
	[tilespmem:$0x16C00] =	vst v63  }
0x12e: {  	s15 =	sadd.s32 $0xC400, s3  }
0x12f: {  	[tilespmem:s14], [sflag:$0x2] =	stream.indirect.gather [hbm4b:s4+s11], $0x10, s15, s11, $0xb8;
	[tilespmem:$0x16C00] =	vst v63  }
0x130: {  	s16 =	sadd.s32 $0xC480, s3;
	s15 =	simm.s32 $0x13380  }
0x131: {  	[tilespmem:s15], [sflag:$0x3] =	stream.indirect.gather [hbm4b:s4+s11], $0x10, s16, s11, $0xb8;
	[tilespmem:$0x16C00] =	vst v63  }
0x132: {  	s17 =	sadd.s32 $0xC500, s3;
	s16 =	simm.s32 $0x13B80  }
0x133: {  	[tilespmem:s16], [sflag:$0x4] =	stream.indirect.gather [hbm4b:s4+s11], $0x10, s17, s11, $0xb8;
	[tilespmem:$0x16C00] =	vst v63  }
0x134: {  	s18 =	sadd.s32 $0xC580, s3;
	s17 =	simm.s32 $0x14380  }
0x135: {  	[tilespmem:s17], [sflag:$0x5] =	stream.indirect.gather [hbm4b:s4+s11], $0x10, s18, s11, $0xb8;
	[tilespmem:$0x16C00] =	vst v63  }
0x136: {  	s19 =	sadd.s32 $0xC600, s3;
	s18 =	simm.s32 $0x14B80  }
0x137: {  	[tilespmem:s18], [sflag:$0x6] =	stream.indirect.gather [hbm4b:s4+s11], $0x10, s19, s11, $0xb8;
	[tilespmem:$0x16C00] =	vst v63  }
0x138: {  	s10 =	sadd.s32 $0xC680, s3;
	s12 =	simm.s32 $0x15380  }
0x139: {  	[tilespmem:s12], [sflag:$0x7] =	stream.indirect.gather [hbm4b:s4+s11], $0x10, s10, s11, $0xb8;
	[tilespmem:$0x16C00] =	vst v63  }
0x13a: {  	s19 =	sadd.s32 $0xC700, s3;
	s10 =	simm.s32 $0x15B80  }
0x13b: {  	[tilespmem:s10], [sflag:$0x8] =	stream.indirect.gather [hbm4b:s4+s11], $0x10, s19, s11, $0xb8;
	[tilespmem:$0x16C00] =	vst v63  }
0x13c: {  	_ =	swait.ge [sflag:s21], $0x800  }
0x13d: {  	[sflag:s21] =	ssyncset.done $0x0  }
0x13e: {  	s19 =	sadd.s32 $0xE380, s3;
	[sflag:s21] =	ssyncadd.s32 $0xFFFFF800  }
0x13f: {  	[spmem:s2] =	stream.indirect.scatter.add.f32 [tilespmem:s13], [sflag:$0x9], $0x10, s19, s11, $0xb8;
	[tilespmem:$0x16C00] =	vst v63  }
0x140: {  	_ =	swait.ge [sflag:s22], $0x800  }
0x141: {  	[sflag:s22] =	ssyncset.done $0x0  }
0x142: {  	s19 =	sadd.s32 $0xE400, s3;
	[sflag:s22] =	ssyncadd.s32 $0xFFFFF800  }
0x143: {  	[spmem:s2] =	stream.indirect.scatter.add.f32 [tilespmem:s14], [sflag:$0xA], $0x10, s19, s11, $0xb8;
	[tilespmem:$0x16C00] =	vst v63  }
0x144: {  	_ =	swait.ge [sflag:s23], $0x800  }
0x145: {  	[sflag:s23] =	ssyncset.done $0x0  }
0x146: {  	s19 =	sadd.s32 $0xE480, s3;
	[sflag:s23] =	ssyncadd.s32 $0xFFFFF800  }
0x147: {  	[spmem:s2] =	stream.indirect.scatter.add.f32 [tilespmem:s15], [sflag:$0xB], $0x10, s19, s11, $0xb8;
	[tilespmem:$0x16C00] =	vst v63  }
0x148: {  	_ =	swait.ge [sflag:s20], $0x800  }
0x149: {  	[sflag:s20] =	ssyncset.done $0x0  }
0x14a: {  	s19 =	sadd.s32 $0xE500, s3;
	[sflag:s20] =	ssyncadd.s32 $0xFFFFF800  }
0x14b: {  	[spmem:s2] =	stream.indirect.scatter.add.f32 [tilespmem:s16], [sflag:$0xC], $0x10, s19, s11, $0xb8;
	[tilespmem:$0x16C00] =	vst v63  }
0x14c: {  	_ =	swait.ge [sflag:s24], $0x800  }
0x14d: {  	[sflag:s24] =	ssyncset.done $0x0  }
0x14e: {  	s19 =	sadd.s32 $0xE580, s3;
	[sflag:s24] =	ssyncadd.s32 $0xFFFFF800  }
0x14f: {  	[spmem:s2] =	stream.indirect.scatter.add.f32 [tilespmem:s17], [sflag:$0xD], $0x10, s19, s11, $0xb8;
	[tilespmem:$0x16C00] =	vst v63  }
0x150: {  	_ =	swait.ge [sflag:s25], $0x800  }
0x151: {  	[sflag:s25] =	ssyncset.done $0x0  }
0x152: {  	s19 =	sadd.s32 $0xE600, s3;
	[sflag:s25] =	ssyncadd.s32 $0xFFFFF800  }
0x153: {  	[spmem:s2] =	stream.indirect.scatter.add.f32 [tilespmem:s18], [sflag:$0xE], $0x10, s19, s11, $0xb8;
	[tilespmem:$0x16C00] =	vst v63  }
0x154: {  	_ =	swait.ge [sflag:s26], $0x800  }
0x155: {  	[sflag:s26] =	ssyncset.done $0x0  }
0x156: {  	s19 =	sadd.s32 $0xE680, s3;
	[sflag:s26] =	ssyncadd.s32 $0xFFFFF800  }
0x157: {  	[spmem:s2] =	stream.indirect.scatter.add.f32 [tilespmem:s12], [sflag:$0xF], $0x10, s19, s11, $0xb8;
	[tilespmem:$0x16C00] =	vst v63  }
0x158: {  	_ =	swait.ge [sflag:s28], $0x800  }
0x159: {  	[sflag:s28] =	ssyncset.done $0x0  }
0x15a: {  	s19 =	sadd.s32 $0xE700, s3;
	[sflag:s28] =	ssyncadd.s32 $0xFFFFF800  }
0x15b: {  	[spmem:s2] =	stream.indirect.scatter.add.f32 [tilespmem:s10], [sflag:$0x10], $0x10, s19, s11, $0xb8;
	[tilespmem:$0x16C00] =	vst v63  }
0x15c: {  	_ =	swait.ge [sflag:s29], $0x800  }
0x15d: {  	[sflag:s29] =	ssyncset.done $0x0  }
0x15e: {  	[sflag:s29] =	ssyncadd.s32 $0xFFFFF800  }
0x15f: {  	_ =	swait.ge [sflag:s30], $0x800  }
0x160: {  	[sflag:s30] =	ssyncset.done $0x0  }
0x161: {  	[sflag:s30] =	ssyncadd.s32 $0xFFFFF800  }
0x162: {  	_ =	swait.ge [sflag:s31], $0x800  }
0x163: {  	[sflag:s31] =	ssyncset.done $0x0  }
0x164: {  	[sflag:s31] =	ssyncadd.s32 $0xFFFFF800  }
0x165: {  	_ =	swait.ge [sflag:s0], $0x800  }
0x166: {  	[sflag:s0] =	ssyncset.done $0x0  }
0x167: {  	[sflag:s0] =	ssyncadd.s32 $0xFFFFF800  }
0x168: {  	_ =	swait.ge [sflag:s1], $0x800  }
0x169: {  	[sflag:s1] =	ssyncset.done $0x0  }
0x16a: {  	[sflag:s1] =	ssyncadd.s32 $0xFFFFF800  }
0x16b: {  	_ =	swait.ge [sflag:s7], $0x800  }
0x16c: {  	[sflag:s7] =	ssyncset.done $0x0  }
0x16d: {  	[sflag:s7] =	ssyncadd.s32 $0xFFFFF800  }
0x16e: {  	_ =	swait.ge [sflag:s8], $0x800  }
0x16f: {  	[sflag:s8] =	ssyncset.done $0x0  }
0x170: {  	[sflag:s8] =	ssyncadd.s32 $0xFFFFF800  }
0x171: {  	_ =	swait.ge [sflag:s6], $0x800  }
0x172: {  	[sflag:s6] =	ssyncset.done $0x0  }
0x173: {  	s9 =	simm.s32 $0x10380;
	[sflag:s6] =	ssyncadd.s32 $0xFFFFF800  }
0x174: {  	[tilespmem:s13], [sflag:$0x1] =	stream.indirect.gather [hbm4b:s5+s11], $0x10, s9, s11, $0xb8;
	[tilespmem:$0x16C00] =	vst v63  }
0x175: {  	s19 =	simm.s32 $0x10400  }
0x176: {  	[tilespmem:s14], [sflag:$0x2] =	stream.indirect.gather [hbm4b:s5+s11], $0x10, s19, s11, $0xb8;
	[tilespmem:$0x16C00] =	vst v63  }
0x177: {  	s9 =	simm.s32 $0x10480  }
0x178: {  	[tilespmem:s15], [sflag:$0x3] =	stream.indirect.gather [hbm4b:s5+s11], $0x10, s9, s11, $0xb8;
	[tilespmem:$0x16C00] =	vst v63  }
0x179: {  	s19 =	simm.s32 $0x10500  }
0x17a: {  	[tilespmem:s16], [sflag:$0x4] =	stream.indirect.gather [hbm4b:s5+s11], $0x10, s19, s11, $0xb8;
	[tilespmem:$0x16C00] =	vst v63  }
0x17b: {  	s9 =	simm.s32 $0x10580  }
0x17c: {  	[tilespmem:s17], [sflag:$0x5] =	stream.indirect.gather [hbm4b:s5+s11], $0x10, s9, s11, $0xb8;
	[tilespmem:$0x16C00] =	vst v63  }
0x17d: {  	s19 =	simm.s32 $0x10600  }
0x17e: {  	[tilespmem:s18], [sflag:$0x6] =	stream.indirect.gather [hbm4b:s5+s11], $0x10, s19, s11, $0xb8;
	[tilespmem:$0x16C00] =	vst v63  }
0x17f: {  	s9 =	simm.s32 $0x10680  }
0x180: {  	[tilespmem:s12], [sflag:$0x7] =	stream.indirect.gather [hbm4b:s5+s11], $0x10, s9, s11, $0xb8;
	[tilespmem:$0x16C00] =	vst v63  }
0x181: {  	s19 =	simm.s32 $0x10700  }
0x182: {  	[tilespmem:s10], [sflag:$0x8] =	stream.indirect.gather [hbm4b:s5+s11], $0x10, s19, s11, $0xb8;
	[tilespmem:$0x16C00] =	vst v63  }
0x183: {  	_ =	swait.ge [sflag:s21], $0x800  }
0x184: {  	[sflag:s21] =	ssyncset.done $0x0  }
0x185: {  	s9 =	simm.s32 $0x11380;
	[sflag:s21] =	ssyncadd.s32 $0xFFFFF800  }
0x186: {  	[spmem:s2] =	stream.indirect.scatter.add.f32 [tilespmem:s13], [sflag:$0x9], $0x10, s9, s11, $0xb8;
	[tilespmem:$0x16C00] =	vst v63  }
0x187: {  	_ =	swait.ge [sflag:s22], $0x800  }
0x188: {  	[sflag:s22] =	ssyncset.done $0x0  }
0x189: {  	s13 =	simm.s32 $0x11400;
	[sflag:s22] =	ssyncadd.s32 $0xFFFFF800  }
0x18a: {  	[spmem:s2] =	stream.indirect.scatter.add.f32 [tilespmem:s14], [sflag:$0xA], $0x10, s13, s11, $0xb8;
	[tilespmem:$0x16C00] =	vst v63  }
0x18b: {  	_ =	swait.ge [sflag:s23], $0x800  }
0x18c: {  	[sflag:s23] =	ssyncset.done $0x0  }
0x18d: {  	s14 =	simm.s32 $0x11480;
	[sflag:s23] =	ssyncadd.s32 $0xFFFFF800  }
0x18e: {  	[spmem:s2] =	stream.indirect.scatter.add.f32 [tilespmem:s15], [sflag:$0xB], $0x10, s14, s11, $0xb8;
	[tilespmem:$0x16C00] =	vst v63  }
0x18f: {  	_ =	swait.ge [sflag:s20], $0x800  }
0x190: {  	[sflag:s20] =	ssyncset.done $0x0  }
0x191: {  	s15 =	simm.s32 $0x11500;
	[sflag:s20] =	ssyncadd.s32 $0xFFFFF800  }
0x192: {  	[spmem:s2] =	stream.indirect.scatter.add.f32 [tilespmem:s16], [sflag:$0xC], $0x10, s15, s11, $0xb8;
	[tilespmem:$0x16C00] =	vst v63  }
0x193: {  	_ =	swait.ge [sflag:s24], $0x800  }
0x194: {  	[sflag:s24] =	ssyncset.done $0x0  }
0x195: {  	s16 =	simm.s32 $0x11580;
	[sflag:s24] =	ssyncadd.s32 $0xFFFFF800  }
0x196: {  	[spmem:s2] =	stream.indirect.scatter.add.f32 [tilespmem:s17], [sflag:$0xD], $0x10, s16, s11, $0xb8;
	[tilespmem:$0x16C00] =	vst v63  }
0x197: {  	_ =	swait.ge [sflag:s25], $0x800  }
0x198: {  	[sflag:s25] =	ssyncset.done $0x0  }
0x199: {  	s17 =	simm.s32 $0x11600;
	[sflag:s25] =	ssyncadd.s32 $0xFFFFF800  }
0x19a: {  	[spmem:s2] =	stream.indirect.scatter.add.f32 [tilespmem:s18], [sflag:$0xE], $0x10, s17, s11, $0xb8;
	[tilespmem:$0x16C00] =	vst v63  }
0x19b: {  	_ =	swait.ge [sflag:s26], $0x800  }
0x19c: {  	[sflag:s26] =	ssyncset.done $0x0  }
0x19d: {  	s19 =	simm.s32 $0x11680;
	[sflag:s26] =	ssyncadd.s32 $0xFFFFF800  }
0x19e: {  	[spmem:s2] =	stream.indirect.scatter.add.f32 [tilespmem:s12], [sflag:$0xF], $0x10, s19, s11, $0xb8;
	[tilespmem:$0x16C00] =	vst v63  }
0x19f: {  	_ =	swait.ge [sflag:s28], $0x800  }
0x1a0: {  	[sflag:s28] =	ssyncset.done $0x0  }
0x1a1: {  	s20 =	simm.s32 $0x11700;
	[sflag:s28] =	ssyncadd.s32 $0xFFFFF800  }
0x1a2: {  	[spmem:s2] =	stream.indirect.scatter.add.f32 [tilespmem:s10], [sflag:$0x10], $0x10, s20, s11, $0xb8;
	[tilespmem:$0x16C00] =	vst v63  }
0x1a3: {  	_ =	swait.ge [sflag:s29], $0x800  }
0x1a4: {  	[sflag:s29] =	ssyncset.done $0x0  }
0x1a5: {  	[sflag:s29] =	ssyncadd.s32 $0xFFFFF800  }
0x1a6: {  	_ =	swait.ge [sflag:s30], $0x800  }
0x1a7: {  	[sflag:s30] =	ssyncset.done $0x0  }
0x1a8: {  	[sflag:s30] =	ssyncadd.s32 $0xFFFFF800  }
0x1a9: {  	_ =	swait.ge [sflag:s31], $0x800  }
0x1aa: {  	[sflag:s31] =	ssyncset.done $0x0  }
0x1ab: {  	[sflag:s31] =	ssyncadd.s32 $0xFFFFF800  }
0x1ac: {  	_ =	swait.ge [sflag:s0], $0x800  }
0x1ad: {  	[sflag:s0] =	ssyncset.done $0x0  }
0x1ae: {  	[sflag:s0] =	ssyncadd.s32 $0xFFFFF800  }
0x1af: {  	_ =	swait.ge [sflag:s1], $0x800  }
0x1b0: {  	[sflag:s1] =	ssyncset.done $0x0  }
0x1b1: {  	[sflag:s1] =	ssyncadd.s32 $0xFFFFF800  }
0x1b2: {  	_ =	swait.ge [sflag:s7], $0x800  }
0x1b3: {  	[sflag:s7] =	ssyncset.done $0x0  }
0x1b4: {  	[sflag:s7] =	ssyncadd.s32 $0xFFFFF800  }
0x1b5: {  	_ =	swait.ge [sflag:s8], $0x800  }
0x1b6: {  	[sflag:s8] =	ssyncset.done $0x0  }
0x1b7: {  	[sflag:s8] =	ssyncadd.s32 $0xFFFFF800  }
0x1b8: {  	_ =	swait.ge [sflag:s6], $0x800  }
0x1b9: {  	s3 =	simm.s32 $0x400;
	s12 =	simm.s32 $0x2000;
	[sflag:s6] =	ssyncset.done $0x0  }
.LBB2_6:
0x1ba: {  	s14 =	simm.s32 $0x12380;
	s13 =	sadd.s32 $0x10380, s3  }
0x1bb: {  	[sflag:s6] =	ssyncadd.s32 $0xFFFFF800;
	s10 =	smov.u32 s12;
	s9 =	sadd.s32 $0x1000, s12  }
0x1bc: {  	[tilespmem:s14], [sflag:$0x1] =	stream.indirect.gather [hbm4b:s5+s11], $0x10, s13, s11, $0xb8;
	[tilespmem:$0x16C00] =	vst v63  }
0x1bd: {  	s14 =	simm.s32 $0x12B80;
	s13 =	simm.s32 $0x12380  }
0x1be: {  	p0 =	sne.s32 s12, $0x3000;
	s12 =	sadd.s32 $0x10400, s3  }
0x1bf: {  	[tilespmem:s14], [sflag:$0x2] =	stream.indirect.gather [hbm4b:s5+s11], $0x10, s12, s11, $0xb8;
	[tilespmem:$0x16C00] =	vst v63  }
0x1c0: {  	s20 =	simm.s32 $0x13380;
	s12 =	sadd.s32 $0x10480, s3  }
0x1c1: {  	[tilespmem:s20], [sflag:$0x3] =	stream.indirect.gather [hbm4b:s5+s11], $0x10, s12, s11, $0xb8;
	[tilespmem:$0x16C00] =	vst v63  }
0x1c2: {  	s15 =	simm.s32 $0x13B80;
	s12 =	sadd.s32 $0x10500, s3  }
0x1c3: {  	[tilespmem:s15], [sflag:$0x4] =	stream.indirect.gather [hbm4b:s5+s11], $0x10, s12, s11, $0xb8;
	[tilespmem:$0x16C00] =	vst v63  }
0x1c4: {  	s16 =	simm.s32 $0x14380;
	s12 =	sadd.s32 $0x10580, s3  }
0x1c5: {  	[tilespmem:s16], [sflag:$0x5] =	stream.indirect.gather [hbm4b:s5+s11], $0x10, s12, s11, $0xb8;
	[tilespmem:$0x16C00] =	vst v63  }
0x1c6: {  	s17 =	simm.s32 $0x14B80;
	s12 =	sadd.s32 $0x10600, s3  }
0x1c7: {  	[tilespmem:s17], [sflag:$0x6] =	stream.indirect.gather [hbm4b:s5+s11], $0x10, s12, s11, $0xb8;
	[tilespmem:$0x16C00] =	vst v63  }
0x1c8: {  	s18 =	simm.s32 $0x15380;
	s12 =	sadd.s32 $0x10680, s3  }
0x1c9: {  	[tilespmem:s18], [sflag:$0x7] =	stream.indirect.gather [hbm4b:s5+s11], $0x10, s12, s11, $0xb8;
	[tilespmem:$0x16C00] =	vst v63  }
0x1ca: {  	s19 =	simm.s32 $0x15B80;
	s12 =	sadd.s32 $0x10700, s3  }
0x1cb: {  	[tilespmem:s19], [sflag:$0x8] =	stream.indirect.gather [hbm4b:s5+s11], $0x10, s12, s11, $0xb8;
	[tilespmem:$0x16C00] =	vst v63  }
0x1cc: {  	_ =	swait.ge [sflag:s21], $0x800  }
0x1cd: {  	[sflag:s21] =	ssyncset.done $0x0  }
0x1ce: {  	s12 =	sadd.s32 $0x11380, s3;
	[sflag:s21] =	ssyncadd.s32 $0xFFFFF800  }
0x1cf: {  	[spmem:s2] =	stream.indirect.scatter.add.f32 [tilespmem:s13], [sflag:$0x9], $0x10, s12, s11, $0xb8;
	[tilespmem:$0x16C00] =	vst v63  }
0x1d0: {  	_ =	swait.ge [sflag:s22], $0x800  }
0x1d1: {  	[sflag:s22] =	ssyncset.done $0x0  }
0x1d2: {  	s12 =	sadd.s32 $0x11400, s3;
	[sflag:s22] =	ssyncadd.s32 $0xFFFFF800  }
0x1d3: {  	[spmem:s2] =	stream.indirect.scatter.add.f32 [tilespmem:s14], [sflag:$0xA], $0x10, s12, s11, $0xb8;
	[tilespmem:$0x16C00] =	vst v63  }
0x1d4: {  	_ =	swait.ge [sflag:s23], $0x800  }
0x1d5: {  	[sflag:s23] =	ssyncset.done $0x0  }
0x1d6: {  	s12 =	sadd.s32 $0x11480, s3;
	[sflag:s23] =	ssyncadd.s32 $0xFFFFF800  }
0x1d7: {  	[spmem:s2] =	stream.indirect.scatter.add.f32 [tilespmem:s20], [sflag:$0xB], $0x10, s12, s11, $0xb8;
	[tilespmem:$0x16C00] =	vst v63  }
0x1d8: {  	s20 =	simm.s32 $0x4  }
0x1d9: {  	_ =	swait.ge [sflag:s20], $0x800  }
0x1da: {  	[sflag:s20] =	ssyncset.done $0x0  }
0x1db: {  	s12 =	sadd.s32 $0x11500, s3;
	[sflag:s20] =	ssyncadd.s32 $0xFFFFF800  }
0x1dc: {  	[spmem:s2] =	stream.indirect.scatter.add.f32 [tilespmem:s15], [sflag:$0xC], $0x10, s12, s11, $0xb8;
	[tilespmem:$0x16C00] =	vst v63  }
0x1dd: {  	_ =	swait.ge [sflag:s24], $0x800  }
0x1de: {  	[sflag:s24] =	ssyncset.done $0x0  }
0x1df: {  	s12 =	sadd.s32 $0x11580, s3;
	[sflag:s24] =	ssyncadd.s32 $0xFFFFF800  }
0x1e0: {  	[spmem:s2] =	stream.indirect.scatter.add.f32 [tilespmem:s16], [sflag:$0xD], $0x10, s12, s11, $0xb8;
	[tilespmem:$0x16C00] =	vst v63  }
0x1e1: {  	_ =	swait.ge [sflag:s25], $0x800  }
0x1e2: {  	[sflag:s25] =	ssyncset.done $0x0  }
0x1e3: {  	s12 =	sadd.s32 $0x11600, s3;
	[sflag:s25] =	ssyncadd.s32 $0xFFFFF800  }
0x1e4: {  	[spmem:s2] =	stream.indirect.scatter.add.f32 [tilespmem:s17], [sflag:$0xE], $0x10, s12, s11, $0xb8;
	[tilespmem:$0x16C00] =	vst v63  }
0x1e5: {  	_ =	swait.ge [sflag:s26], $0x800  }
0x1e6: {  	[sflag:s26] =	ssyncset.done $0x0  }
0x1e7: {  	s12 =	sadd.s32 $0x11680, s3;
	[sflag:s26] =	ssyncadd.s32 $0xFFFFF800  }
0x1e8: {  	[spmem:s2] =	stream.indirect.scatter.add.f32 [tilespmem:s18], [sflag:$0xF], $0x10, s12, s11, $0xb8;
	[tilespmem:$0x16C00] =	vst v63  }
0x1e9: {  	_ =	swait.ge [sflag:s28], $0x800  }
0x1ea: {  	[sflag:s28] =	ssyncset.done $0x0  }
0x1eb: {  	s3 =	sadd.s32 $0x11700, s3;
	[sflag:s28] =	ssyncadd.s32 $0xFFFFF800  }
0x1ec: {  	[spmem:s2] =	stream.indirect.scatter.add.f32 [tilespmem:s19], [sflag:$0x10], $0x10, s3, s11, $0xb8;
	[tilespmem:$0x16C00] =	vst v63  }
0x1ed: {  	_ =	swait.ge [sflag:s29], $0x800  }
0x1ee: {  	[sflag:s29] =	ssyncset.done $0x0  }
0x1ef: {  	[sflag:s29] =	ssyncadd.s32 $0xFFFFF800  }
0x1f0: {  	_ =	swait.ge [sflag:s30], $0x800  }
0x1f1: {  	[sflag:s30] =	ssyncset.done $0x0  }
0x1f2: {  	[sflag:s30] =	ssyncadd.s32 $0xFFFFF800  }
0x1f3: {  	_ =	swait.ge [sflag:s31], $0x800  }
0x1f4: {  	[sflag:s31] =	ssyncset.done $0x0  }
0x1f5: {  	[sflag:s31] =	ssyncadd.s32 $0xFFFFF800  }
0x1f6: {  	_ =	swait.ge [sflag:s0], $0x800  }
0x1f7: {  	[sflag:s0] =	ssyncset.done $0x0  }
0x1f8: {  	[sflag:s0] =	ssyncadd.s32 $0xFFFFF800  }
0x1f9: {  	_ =	swait.ge [sflag:s1], $0x800  }
0x1fa: {  	[sflag:s1] =	ssyncset.done $0x0  }
0x1fb: {  	[sflag:s1] =	ssyncadd.s32 $0xFFFFF800  }
0x1fc: {  	_ =	swait.ge [sflag:s7], $0x800  }
0x1fd: {  	[sflag:s7] =	ssyncset.done $0x0  }
0x1fe: {  	[sflag:s7] =	ssyncadd.s32 $0xFFFFF800  }
.Ltmp2:
0x1ff: {  	_ =	swait.ge [sflag:s8], $0x800;
	(pc) =	sbr.rel @p0 .LBB2_6-.Ltmp2, $4  }
0x200: {  	[sflag:s8] =	ssyncset.done $0x0  }
0x201: {  	[sflag:s8] =	ssyncadd.s32 $0xFFFFF800  }
0x202: {  	_ =	swait.ge [sflag:s6], $0x800  }
0x203: {  	s12 =	smov.u32 s9;
	s3 =	sshra.s32 s10, $0x2;
	[sflag:s6] =	ssyncset.done $0x0  }
0x204: {  	s9 =	sadd.s32 $0x10380, s3;
	[sflag:s6] =	ssyncadd.s32 $0xFFFFF800  }
0x205: {  	[tilespmem:s13], [sflag:$0x1] =	stream.indirect.gather [hbm4b:s5+s11], $0x10, s9, s11, $0xb8;
	[tilespmem:$0x16C00] =	vst v63  }
0x206: {  	s12 =	sadd.s32 $0x10400, s3  }
0x207: {  	[tilespmem:s14], [sflag:$0x2] =	stream.indirect.gather [hbm4b:s5+s11], $0x10, s12, s11, $0xb8;
	[tilespmem:$0x16C00] =	vst v63  }
0x208: {  	s15 =	sadd.s32 $0x10480, s3;
	s18 =	simm.s32 $0x13380  }
0x209: {  	[tilespmem:s18], [sflag:$0x3] =	stream.indirect.gather [hbm4b:s5+s11], $0x10, s15, s11, $0xb8;
	[tilespmem:$0x16C00] =	vst v63  }
0x20a: {  	s16 =	sadd.s32 $0x10500, s3;
	s15 =	simm.s32 $0x13B80  }
0x20b: {  	[tilespmem:s15], [sflag:$0x4] =	stream.indirect.gather [hbm4b:s5+s11], $0x10, s16, s11, $0xb8;
	[tilespmem:$0x16C00] =	vst v63  }
0x20c: {  	s17 =	sadd.s32 $0x10580, s3;
	s16 =	simm.s32 $0x14380  }
0x20d: {  	[tilespmem:s16], [sflag:$0x5] =	stream.indirect.gather [hbm4b:s5+s11], $0x10, s17, s11, $0xb8;
	[tilespmem:$0x16C00] =	vst v63  }
0x20e: {  	s19 =	sadd.s32 $0x10600, s3;
	s17 =	simm.s32 $0x14B80  }
0x20f: {  	[tilespmem:s17], [sflag:$0x6] =	stream.indirect.gather [hbm4b:s5+s11], $0x10, s19, s11, $0xb8;
	[tilespmem:$0x16C00] =	vst v63  }
0x210: {  	s10 =	sadd.s32 $0x10680, s3;
	s12 =	simm.s32 $0x15380  }
0x211: {  	[tilespmem:s12], [sflag:$0x7] =	stream.indirect.gather [hbm4b:s5+s11], $0x10, s10, s11, $0xb8;
	[tilespmem:$0x16C00] =	vst v63  }
0x212: {  	s19 =	sadd.s32 $0x10700, s3;
	s10 =	simm.s32 $0x15B80  }
0x213: {  	[tilespmem:s10], [sflag:$0x8] =	stream.indirect.gather [hbm4b:s5+s11], $0x10, s19, s11, $0xb8;
	[tilespmem:$0x16C00] =	vst v63  }
0x214: {  	_ =	swait.ge [sflag:s21], $0x800  }
0x215: {  	[sflag:s21] =	ssyncset.done $0x0  }
0x216: {  	s19 =	sadd.s32 $0x11380, s3;
	[sflag:s21] =	ssyncadd.s32 $0xFFFFF800  }
0x217: {  	[spmem:s2] =	stream.indirect.scatter.add.f32 [tilespmem:s13], [sflag:$0x9], $0x10, s19, s11, $0xb8;
	[tilespmem:$0x16C00] =	vst v63  }
0x218: {  	_ =	swait.ge [sflag:s22], $0x800  }
0x219: {  	[sflag:s22] =	ssyncset.done $0x0  }
0x21a: {  	s19 =	sadd.s32 $0x11400, s3;
	[sflag:s22] =	ssyncadd.s32 $0xFFFFF800  }
0x21b: {  	[spmem:s2] =	stream.indirect.scatter.add.f32 [tilespmem:s14], [sflag:$0xA], $0x10, s19, s11, $0xb8;
	[tilespmem:$0x16C00] =	vst v63  }
0x21c: {  	_ =	swait.ge [sflag:s23], $0x800  }
0x21d: {  	[sflag:s23] =	ssyncset.done $0x0  }
0x21e: {  	s13 =	sadd.s32 $0x11480, s3;
	[sflag:s23] =	ssyncadd.s32 $0xFFFFF800  }
0x21f: {  	[spmem:s2] =	stream.indirect.scatter.add.f32 [tilespmem:s18], [sflag:$0xB], $0x10, s13, s11, $0xb8;
	[tilespmem:$0x16C00] =	vst v63  }
0x220: {  	_ =	swait.ge [sflag:s20], $0x800  }
0x221: {  	[sflag:s20] =	ssyncset.done $0x0  }
0x222: {  	s18 =	sadd.s32 $0x11500, s3;
	[sflag:s20] =	ssyncadd.s32 $0xFFFFF800  }
0x223: {  	[spmem:s2] =	stream.indirect.scatter.add.f32 [tilespmem:s15], [sflag:$0xC], $0x10, s18, s11, $0xb8;
	[tilespmem:$0x16C00] =	vst v63  }
0x224: {  	_ =	swait.ge [sflag:s24], $0x800  }
0x225: {  	[sflag:s24] =	ssyncset.done $0x0  }
0x226: {  	s19 =	sadd.s32 $0x11580, s3;
	[sflag:s24] =	ssyncadd.s32 $0xFFFFF800  }
0x227: {  	[spmem:s2] =	stream.indirect.scatter.add.f32 [tilespmem:s16], [sflag:$0xD], $0x10, s19, s11, $0xb8;
	[tilespmem:$0x16C00] =	vst v63  }
0x228: {  	_ =	swait.ge [sflag:s25], $0x800  }
0x229: {  	[sflag:s25] =	ssyncset.done $0x0  }
0x22a: {  	s20 =	sadd.s32 $0x11600, s3;
	[sflag:s25] =	ssyncadd.s32 $0xFFFFF800  }
0x22b: {  	[spmem:s2] =	stream.indirect.scatter.add.f32 [tilespmem:s17], [sflag:$0xE], $0x10, s20, s11, $0xb8;
	[tilespmem:$0x16C00] =	vst v63  }
0x22c: {  	_ =	swait.ge [sflag:s26], $0x800  }
0x22d: {  	[sflag:s26] =	ssyncset.done $0x0  }
0x22e: {  	s13 =	sadd.s32 $0x11680, s3;
	[sflag:s26] =	ssyncadd.s32 $0xFFFFF800  }
0x22f: {  	[spmem:s2] =	stream.indirect.scatter.add.f32 [tilespmem:s12], [sflag:$0xF], $0x10, s13, s11, $0xb8;
	[tilespmem:$0x16C00] =	vst v63  }
0x230: {  	_ =	swait.ge [sflag:s28], $0x800  }
0x231: {  	[sflag:s28] =	ssyncset.done $0x0  }
0x232: {  	s15 =	sadd.s32 $0x11700, s3;
	[sflag:s28] =	ssyncadd.s32 $0xFFFFF800  }
0x233: {  	[spmem:s2] =	stream.indirect.scatter.add.f32 [tilespmem:s10], [sflag:$0x10], $0x10, s15, s11, $0xb8;
	[tilespmem:$0x16C00] =	vst v63  }
0x234: {  	_ =	swait.ge [sflag:s29], $0x800  }
0x235: {  	[sflag:s29] =	ssyncset.done $0x0  }
0x236: {  	[sflag:s29] =	ssyncadd.s32 $0xFFFFF800  }
0x237: {  	_ =	swait.ge [sflag:s30], $0x800  }
0x238: {  	[sflag:s30] =	ssyncset.done $0x0  }
0x239: {  	[sflag:s30] =	ssyncadd.s32 $0xFFFFF800  }
0x23a: {  	_ =	swait.ge [sflag:s31], $0x800  }
0x23b: {  	[sflag:s31] =	ssyncset.done $0x0  }
0x23c: {  	[sflag:s31] =	ssyncadd.s32 $0xFFFFF800  }
0x23d: {  	_ =	swait.ge [sflag:s0], $0x800  }
0x23e: {  	[sflag:s0] =	ssyncset.done $0x0  }
0x23f: {  	[sflag:s0] =	ssyncadd.s32 $0xFFFFF800  }
0x240: {  	_ =	swait.ge [sflag:s1], $0x800  }
0x241: {  	[sflag:s1] =	ssyncset.done $0x0  }
0x242: {  	[sflag:s1] =	ssyncadd.s32 $0xFFFFF800  }
0x243: {  	_ =	swait.ge [sflag:s7], $0x800  }
0x244: {  	[sflag:s7] =	ssyncset.done $0x0  }
0x245: {  	[sflag:s7] =	ssyncadd.s32 $0xFFFFF800  }
0x246: {  	_ =	swait.ge [sflag:s8], $0x800  }
0x247: {  	[sflag:s8] =	ssyncset.done $0x0  }
0x248: {  	[sflag:s8] =	ssyncadd.s32 $0xFFFFF800  }
0x249: {  	_ =	swait.ge [sflag:s6], $0x800  }
0x24a: {  	[sflag:s6] =	ssyncset.done $0x0  }
0x24b: {  	s16 =	stileid.u32;
	[sflag:s6] =	ssyncadd.s32 $0xFFFFF800  }
0x24c: {  	s3 =	sshll.u32 s16, $0x6;
	[bflag:$0x0] =	sbarrier.arrive $0xFFFF  }
0x24d: {  	s3 =	sor.u32 $0x1C11, s3;
	s10 =	rddreg [dreg:$0x4]  }
0x24e: {  	s13 =	simm.s32 $0x11;
	s18 =	rddreg [dreg:$0x12];
	s17 =	sshrl.u32 s10, $0x3  }
0x24f: {  	[hbm:s18], [sflag:s3] =	dma.local [spmem:s17], $0x1870  }
0x250: {  	_ =	swait.ge [sflag:s13], $0x1870  }
0x251: {  	s20 =	sld [smem:$0x7FD]  }
0x252: {  	s19 =	rddreg [dreg:$0x3]  }
0x253: {  	s12 =	sadd.s32 $0x1, s19  }
0x254: {  	p0 =	sne.s32 s12, s20  }
.Ltmp3:
0x255: {  	_ = 	snop;
	(pc) =	sbr.rel @p0 .LBB2_1-.Ltmp3, $3  }
0x256: {  	_ =	sdelay $0x1  }
0x257: {  	s18 =	simm.s32 $0x1;
	[sflag:s13] =	ssyncset.done $0x0  }
0x258: {  	[sflag:s13] =	ssyncadd.s32 $0xFFFFE790;
	s19 =	simm.s32 $0x2;
	s20 =	simm.s32 $0x3  }
0x259: {  	_ =	sfence.sel $0x180000  }
0x25a: {  	[bflag:$0x0] =	sbarrier.arrive $0xFFFF  }
0x25b: {  	_ =	strace $0x90000047  }
0x25c: {  	s0 =	stileid.u32;
	[bflag:$0x2] =	sbarrier.arrive $0xFFFF  }
0x25d: {  	p0 =	sne.s32 s0, $0x0;
	s0 =	rddreg [dreg:$0x2]  }
0x25e: {  	s0 =	sadd.s32 @!p0 $0x100000, s0  }
0x25f: {  	[sflag:s0] =	ssyncadd.tile.s32 @!p0 $0x1;
	_ =	shalt  }
.Lfunc_end2:
_tile_overlayer_lowered:
.L_overlay_start_2:
0x260: {  	(tag) =	ssettag $0x2  }
0x261: {  	s0 =	rddreg [dreg:$0x0];
	s2 =	stileid.u32  }
0x262: {  	s1 =	rddreg [dreg:$0x1];
	p0 =	sne.s32 s2, $0x0  }
0x263: {  	s3 =	rddreg [dreg:$0x2];
	[bflag:$0x3] =	sbarrier.arrive $0xFFFF;
	s2 =	simm.s32 @!p0 $0x1C11  }
0x264: {  	[timem:s3], [sflag:s2] =	dma.local @!p0 [hbm:s0], s1  }
0x265: {  	s0 =	simm.s32 @!p0 $0x11  }
0x266: {  	_ =	swait.ge @!p0 [sflag:s0], s1  }
0x267: {  	s1 =	ssub.s32 @!p0 $0x0, s1;
	[sflag:s0] =	ssyncset.done @!p0 $0x0  }
0x268: {  	[sflag:s0] =	ssyncadd.s32 @!p0 s1  }
0x269: {  	[bflag:$0x3] =	sbarrier.arrive $0xFFFF  }
0x26a: {  	_ =	shalt  }

</sc_bundles>
